<compile_context>
chip_gen: v7x
topology: tpu7x:2x2x1
jax: 0.10.2.dev20260603
libtpu: 0.0.44.dev20260713+nightly
codegen_flags: <defaults>
</compile_context>

<pallas_src>
import jax
import jax.numpy as jnp
from jax import lax
from jax.experimental import pallas as pl
from jax.experimental.pallas import tpu as pltpu
from jax.experimental.pallas import tpu_sc as plsc

B = 16384
D = 32
NCONT = 13
NPXPY = 2
OUT_W = NCONT + NPXPY + 3 * D
NC, NS = 2, 16
NW = NC * NS
BPW = B // NW
C = 32
NCH = BPW // C


def _body(cont_hbm, pxpy_hbm, c0_hbm, c1_hbm, c2_hbm, e0_hbm, e1_hbm, e2_hbm,
          out_hbm,
          i0_v, i1_v, i2_v, c_v, p_v, s_v, o_v,
          sg, sc, sp):
    wid = lax.axis_index("s") * NC + lax.axis_index("c")
    base = wid * BPW
    lane = lax.iota(jnp.int32, 16)

    t_one = jnp.full((16,), 1, jnp.int32)
    t_two = jnp.full((16,), 2, jnp.int32)
    zero = jnp.zeros((16,), jnp.int32)
    c_m15 = jnp.maximum(lane - 15, 0)
    c_p1 = lane + 1
    c_p17 = jnp.minimum(lane + 17, D - 1)
    ccont = jnp.minimum(lane, NCONT - 1)
    cpx = jnp.clip(lane - NCONT, 0, NPXPY - 1)
    s0c = lane
    s1c = lane + 16
    s2c = lane + 32
    s3c = lane + 48
    s4c = lane + 64
    s5c = lane + 80
    s6c = jnp.minimum(lane + 96, OUT_W - 1)

    pltpu.sync_copy(c0_hbm.at[pl.ds(base, BPW)], i0_v)
    pltpu.sync_copy(c1_hbm.at[pl.ds(base, BPW)], i1_v)
    pltpu.sync_copy(c2_hbm.at[pl.ds(base, BPW)], i2_v)

    def chunk(k, _):
        r0 = k * C
        cpc = pltpu.async_copy(cont_hbm.at[pl.ds(base + r0, C)], c_v, sc)
        cpp = pltpu.async_copy(pxpy_hbm.at[pl.ds(base + r0, C)], p_v, sp)

        def fire(t, e_hbm, i_v):
            for m in range(C // 16):
                vj = lax.shift_right_logical(i_v[pl.ds(r0 + m * 16, 16)], 3)
                for l in range(16):
                    g = vj[l]
                    pltpu.async_copy(e_hbm.at[pl.ds(g, 1)],
                                     s_v.at[t, pl.ds(m * 16 + l, 1)], sg)
        fire(0, e0_hbm, i0_v)
        fire(1, e1_hbm, i1_v)
        fire(2, e2_hbm, i2_v)

        pltpu.make_async_copy(e0_hbm.at[pl.ds(0, C)], s_v.at[0], sg).wait()
        pltpu.make_async_copy(e0_hbm.at[pl.ds(0, C)], s_v.at[1], sg).wait()
        pltpu.make_async_copy(e0_hbm.at[pl.ds(0, C)], s_v.at[2], sg).wait()
        cpc.wait()
        cpp.wait()

        def arow(j, _):
            jj = jnp.full((16,), j, jnp.int32)
            rr = jj + r0
            u0 = lax.bitwise_and(plsc.load_gather(i0_v, [rr]), 7)
            u1 = lax.bitwise_and(plsc.load_gather(i1_v, [rr]), 7)
            u2 = lax.bitwise_and(plsc.load_gather(i2_v, [rr]), 7)
            wcont = plsc.load_gather(c_v, [jj, ccont])
            wpx = plsc.load_gather(p_v, [jj, cpx])

            def epiece(tt, u, col):
                return plsc.load_gather(s_v, [tt, jj, u, col])

            t0 = jnp.where(lane < NCONT, wcont,
                           jnp.where(lane < NCONT + NPXPY, wpx, epiece(zero, u0, c_m15)))
            t1 = epiece(zero, u0, c_p1)
            t2 = jnp.where(lane < 15, epiece(zero, u0, c_p17), epiece(t_one, u1, c_m15))
            t3 = epiece(t_one, u1, c_p1)
            t4 = jnp.where(lane < 15, epiece(t_one, u1, c_p17), epiece(t_two, u2, c_m15))
            t5 = epiece(t_two, u2, c_p1)
            t6 = epiece(t_two, u2, c_p17)
            plsc.store_scatter(o_v, [jj, s0c], t0)
            plsc.store_scatter(o_v, [jj, s1c], t1)
            plsc.store_scatter(o_v, [jj, s2c], t2)
            plsc.store_scatter(o_v, [jj, s3c], t3)
            plsc.store_scatter(o_v, [jj, s4c], t4)
            plsc.store_scatter(o_v, [jj, s5c], t5)
            plsc.store_scatter(o_v, [jj, s6c], t6, mask=lane < 15)
            return ()
        lax.fori_loop(0, C, arow, ())

        pltpu.sync_copy(o_v, out_hbm.at[pl.ds(base + r0, C)])
        return ()
    lax.fori_loop(0, NCH, chunk, ())


def kernel(continuous, pxpy, cat0, cat1, cat2, emb0, emb1, emb2):
    e0_3 = emb0.reshape(emb0.shape[0] // 8, 8, D)
    e1_3 = emb1.reshape(emb1.shape[0] // 8, 8, D)
    e2_3 = emb2.reshape(emb2.shape[0] // 8, 8, D)
    mesh = plsc.VectorSubcoreMesh(core_axis_name="c", subcore_axis_name="s")
    run = pl.kernel(
        _body,
        out_type=jax.ShapeDtypeStruct((B, OUT_W), jnp.float32),
        mesh=mesh,
        scratch_types=[
            pltpu.VMEM((BPW,), jnp.int32),
            pltpu.VMEM((BPW,), jnp.int32),
            pltpu.VMEM((BPW,), jnp.int32),
            pltpu.VMEM((C, NCONT), jnp.float32),
            pltpu.VMEM((C, NPXPY), jnp.float32),
            pltpu.VMEM((3, C, 8, D), jnp.float32),
            pltpu.VMEM((C, OUT_W), jnp.float32),
            pltpu.SemaphoreType.DMA,
            pltpu.SemaphoreType.DMA,
            pltpu.SemaphoreType.DMA,
        ],
        compiler_params=pltpu.CompilerParams(needs_layout_passes=False),
    )
    return run(continuous, pxpy, cat0, cat1, cat2, e0_3, e1_3, e2_3)

# --- scband reference (transcript-rebuilt; emitter-appended) ---
"""Pipeline reference for scband-categorical-embedding-12163347382442 (READ-ONLY COPY).

The authoritative reference and input builder live on the scoring server;
editing this copy changes nothing except your own understanding.
"""

import jax, jax.numpy as jnp
import numpy as np

B = 16384
VOCABS = [1000, 100000, 1000000]
OUT_DIM = 32

def setup_inputs(seed: int = 0) -> dict:
    key = jax.random.key(seed)
    ks = jax.random.split(key, 8)
    continuous = jax.random.normal(ks[0], (B, 13), dtype=jnp.float32)
    pxpy = jax.random.normal(ks[1], (B, 2), dtype=jnp.float32)
    cat0 = jax.random.randint(ks[2], (B,), 0, VOCABS[0], dtype=jnp.int64 if jax.config.jax_enable_x64 else jnp.int32).astype(jnp.int32)
    cat1 = jax.random.randint(ks[3], (B,), 0, VOCABS[1]).astype(jnp.int32)
    cat2 = jax.random.randint(ks[4], (B,), 0, VOCABS[2]).astype(jnp.int32)
    std = 0.4 / OUT_DIM
    emb0 = jax.random.normal(ks[5], (VOCABS[0], OUT_DIM), dtype=jnp.float32) * std
    emb1 = jax.random.normal(ks[6], (VOCABS[1], OUT_DIM), dtype=jnp.float32) * std
    emb2 = jax.random.normal(ks[7], (VOCABS[2], OUT_DIM), dtype=jnp.float32) * std
    return {"continuous": continuous, "pxpy": pxpy, "cat0": cat0, "cat1": cat1, "cat2": cat2, "emb0": emb0, "emb1": emb1, "emb2": emb2}

def reference(continuous, pxpy, cat0, cat1, cat2, emb0, emb1, emb2):
    # Faithful translation of CategoricalEmbedding.forward:
    # embedded = [emb(cat) for emb, cat in zip(self.embeddings, categorical)]
    # return tf.concat([continuous, pxpy] + embedded, axis=-1)
    e0 = jnp.take(emb0, cat0, axis=0)
    e1 = jnp.take(emb1, cat1, axis=0)
    e2 = jnp.take(emb2, cat2, axis=0)
    return jnp.concatenate([continuous, pxpy, e0, e1, e2], axis=-1)

if __name__ == "__main__":
    import jax
    _d = setup_inputs()
    print(jax.jit(kernel)(*tuple(_d.values())))

</pallas_src>

<mosaic_0001>
#map = affine_map<(d0, d1) -> (0, 0)>
#map1 = affine_map<(d0, d1) -> (0)>
#map2 = affine_map<(d0, d1) -> (0, 0, 0)>
module attributes {stable_mosaic.version = 14 : i64} {
  func.func @_body(%arg0: i32, %arg1: i32, %arg2: memref<16384x13xf32, #tpu.memory_space<hbm>>, %arg3: memref<16384x2xf32, #tpu.memory_space<hbm>>, %arg4: memref<16384xi32, #tpu.memory_space<hbm>>, %arg5: memref<16384xi32, #tpu.memory_space<hbm>>, %arg6: memref<16384xi32, #tpu.memory_space<hbm>>, %arg7: memref<125x8x32xf32, #tpu.memory_space<hbm>>, %arg8: memref<12500x8x32xf32, #tpu.memory_space<hbm>>, %arg9: memref<125000x8x32xf32, #tpu.memory_space<hbm>>, %arg10: memref<16384x111xf32, #tpu.memory_space<hbm>>, %arg11: memref<512xi32, #tpu.memory_space<vmem>>, %arg12: memref<512xi32, #tpu.memory_space<vmem>>, %arg13: memref<512xi32, #tpu.memory_space<vmem>>, %arg14: memref<32x13xf32, #tpu.memory_space<vmem>>, %arg15: memref<32x2xf32, #tpu.memory_space<vmem>>, %arg16: memref<3x32x8x32xf32, #tpu.memory_space<vmem>>, %arg17: memref<32x111xf32, #tpu.memory_space<vmem>>, %arg18: memref<!tpu.dma_semaphore, #tpu.memory_space<semaphore_mem>>, %arg19: memref<!tpu.dma_semaphore, #tpu.memory_space<semaphore_mem>>, %arg20: memref<!tpu.dma_semaphore, #tpu.memory_space<semaphore_mem>>) attributes {dimension_semantics = [#tpu.dimension_semantics<core_parallel>, #tpu.dimension_semantics<subcore_parallel>], iteration_bounds = array<i64: 2, 16>, scalar_prefetch = 0 : i64, scratch_operands = 10 : i64, tpu.core_type = #tpu.core_type<sc_vector_subcore>, window_params = [{transform_indices = #map}, {transform_indices = #map}, {transform_indices = #map1}, {transform_indices = #map1}, {transform_indices = #map1}, {transform_indices = #map2}, {transform_indices = #map2}, {transform_indices = #map2}, {transform_indices = #map}]} {
    %mul3A = arith.constant 2 : i32
    %mul3A_0 = arith.muli %arg1, %mul3A : i32
    %add3A = arith.addi %mul3A_0, %arg0 : i32
    %mul3A_1 = arith.constant 512 : i32
    %mul3A_2 = arith.muli %add3A, %mul3A_1 : i32
    %iota3A = tpu.iota {dimensions = array<i32: 0>} : vector<16xi32>
    %broadcast_in_dim3A = arith.constant 1 : i32
    %broadcast_in_dim3A_3 = vector.broadcast %broadcast_in_dim3A : i32 to vector<16xi32>
    %broadcast_in_dim3A_4 = arith.constant 2 : i32
    %broadcast_in_dim3A_5 = vector.broadcast %broadcast_in_dim3A_4 : i32 to vector<16xi32>
    %broadcast_in_dim3A_6 = arith.constant 0 : i32
    %broadcast_in_dim3A_7 = vector.broadcast %broadcast_in_dim3A_6 : i32 to vector<16xi32>
    %sub3A = arith.constant 15 : i32
    %sub3A_8 = vector.broadcast %sub3A : i32 to vector<16xi32>
    %sub3A_9 = arith.subi %iota3A, %sub3A_8 : vector<16xi32>
    %max3A = arith.constant 0 : i32
    %max3A_10 = vector.broadcast %max3A : i32 to vector<16xi32>
    %max3A_11 = arith.maxsi %sub3A_9, %max3A_10 : vector<16xi32>
    %add3A_12 = arith.constant 1 : i32
    %add3A_13 = vector.broadcast %add3A_12 : i32 to vector<16xi32>
    %add3A_14 = arith.addi %iota3A, %add3A_13 : vector<16xi32>
    %add3A_15 = arith.constant 17 : i32
    %add3A_16 = vector.broadcast %add3A_15 : i32 to vector<16xi32>
    %add3A_17 = arith.addi %iota3A, %add3A_16 : vector<16xi32>
    %min3A = arith.constant 31 : i32
    %min3A_18 = vector.broadcast %min3A : i32 to vector<16xi32>
    %min3A_19 = arith.minsi %add3A_17, %min3A_18 : vector<16xi32>
    %min3A_20 = arith.constant 12 : i32
    %min3A_21 = vector.broadcast %min3A_20 : i32 to vector<16xi32>
    %min3A_22 = arith.minsi %iota3A, %min3A_21 : vector<16xi32>
    %sub3A_23 = arith.constant 13 : i32
    %sub3A_24 = vector.broadcast %sub3A_23 : i32 to vector<16xi32>
    %sub3A_25 = arith.subi %iota3A, %sub3A_24 : vector<16xi32>
    %jit3A = arith.constant 0 : i32
    %jit3A_26 = arith.constant 1 : i32
    %max3A_27 = vector.broadcast %jit3A : i32 to vector<16xi32>
    %max3A_28 = arith.maxsi %max3A_27, %sub3A_25 : vector<16xi32>
    %min3A_29 = vector.broadcast %jit3A_26 : i32 to vector<16xi32>
    %min3A_30 = arith.minsi %min3A_29, %max3A_28 : vector<16xi32>
    %add3A_31 = arith.constant 16 : i32
    %add3A_32 = vector.broadcast %add3A_31 : i32 to vector<16xi32>
    %add3A_33 = arith.addi %iota3A, %add3A_32 : vector<16xi32>
    %add3A_34 = arith.constant 32 : i32
    %add3A_35 = vector.broadcast %add3A_34 : i32 to vector<16xi32>
    %add3A_36 = arith.addi %iota3A, %add3A_35 : vector<16xi32>
    %add3A_37 = arith.constant 48 : i32
    %add3A_38 = vector.broadcast %add3A_37 : i32 to vector<16xi32>
    %add3A_39 = arith.addi %iota3A, %add3A_38 : vector<16xi32>
    %add3A_40 = arith.constant 64 : i32
    %add3A_41 = vector.broadcast %add3A_40 : i32 to vector<16xi32>
    %add3A_42 = arith.addi %iota3A, %add3A_41 : vector<16xi32>
    %add3A_43 = arith.constant 80 : i32
    %add3A_44 = vector.broadcast %add3A_43 : i32 to vector<16xi32>
    %add3A_45 = arith.addi %iota3A, %add3A_44 : vector<16xi32>
    %add3A_46 = arith.constant 96 : i32
    %add3A_47 = vector.broadcast %add3A_46 : i32 to vector<16xi32>
    %add3A_48 = arith.addi %iota3A, %add3A_47 : vector<16xi32>
    %min3A_49 = arith.constant 110 : i32
    %min3A_50 = vector.broadcast %min3A_49 : i32 to vector<16xi32>
    %min3A_51 = arith.minsi %add3A_48, %min3A_50 : vector<16xi32>
    "tpu.region"() ({
      %run_scoped3A = tpu.sem_alloc : memref<!tpu.dma_semaphore, #tpu.memory_space<semaphore_mem>>
      %dma_start3A = tpu.memref_slice %arg4[%mul3A_2] : memref<16384xi32, #tpu.memory_space<hbm>> -> memref<512xi32, #tpu.memory_space<hbm>>
      %dma_start3A_56 = tpu.memref_slice %arg4[%mul3A_2] : memref<16384xi32, #tpu.memory_space<hbm>> -> memref<512xi32, #tpu.memory_space<hbm>>
      tpu.enqueue_dma source(%dma_start3A_56 : memref<512xi32, #tpu.memory_space<hbm>>) target(%arg11 : memref<512xi32, #tpu.memory_space<vmem>>) target_semaphore(%run_scoped3A : memref<!tpu.dma_semaphore, #tpu.memory_space<semaphore_mem>>)
      %dma_wait3A = tpu.memref_slice %arg4[%mul3A_2] : memref<16384xi32, #tpu.memory_space<hbm>> -> memref<512xi32, #tpu.memory_space<hbm>>
      %dma_wait3A_57 = tpu.memref_slice %arg4[%mul3A_2] : memref<16384xi32, #tpu.memory_space<hbm>> -> memref<512xi32, #tpu.memory_space<hbm>>
      tpu.wait_dma2 semaphore(%run_scoped3A : memref<!tpu.dma_semaphore, #tpu.memory_space<semaphore_mem>>) src(%dma_wait3A_57 : memref<512xi32, #tpu.memory_space<hbm>>) dst(%arg11 : memref<512xi32, #tpu.memory_space<vmem>>)
      tpu.yield
    }) : () -> ()
    "tpu.region"() ({
      %run_scoped3A = tpu.sem_alloc : memref<!tpu.dma_semaphore, #tpu.memory_space<semaphore_mem>>
      %dma_start3A = tpu.memref_slice %arg5[%mul3A_2] : memref<16384xi32, #tpu.memory_space<hbm>> -> memref<512xi32, #tpu.memory_space<hbm>>
      %dma_start3A_56 = tpu.memref_slice %arg5[%mul3A_2] : memref<16384xi32, #tpu.memory_space<hbm>> -> memref<512xi32, #tpu.memory_space<hbm>>
      tpu.enqueue_dma source(%dma_start3A_56 : memref<512xi32, #tpu.memory_space<hbm>>) target(%arg12 : memref<512xi32, #tpu.memory_space<vmem>>) target_semaphore(%run_scoped3A : memref<!tpu.dma_semaphore, #tpu.memory_space<semaphore_mem>>)
      %dma_wait3A = tpu.memref_slice %arg5[%mul3A_2] : memref<16384xi32, #tpu.memory_space<hbm>> -> memref<512xi32, #tpu.memory_space<hbm>>
      %dma_wait3A_57 = tpu.memref_slice %arg5[%mul3A_2] : memref<16384xi32, #tpu.memory_space<hbm>> -> memref<512xi32, #tpu.memory_space<hbm>>
      tpu.wait_dma2 semaphore(%run_scoped3A : memref<!tpu.dma_semaphore, #tpu.memory_space<semaphore_mem>>) src(%dma_wait3A_57 : memref<512xi32, #tpu.memory_space<hbm>>) dst(%arg12 : memref<512xi32, #tpu.memory_space<vmem>>)
      tpu.yield
    }) : () -> ()
    "tpu.region"() ({
      %run_scoped3A = tpu.sem_alloc : memref<!tpu.dma_semaphore, #tpu.memory_space<semaphore_mem>>
      %dma_start3A = tpu.memref_slice %arg6[%mul3A_2] : memref<16384xi32, #tpu.memory_space<hbm>> -> memref<512xi32, #tpu.memory_space<hbm>>
      %dma_start3A_56 = tpu.memref_slice %arg6[%mul3A_2] : memref<16384xi32, #tpu.memory_space<hbm>> -> memref<512xi32, #tpu.memory_space<hbm>>
      tpu.enqueue_dma source(%dma_start3A_56 : memref<512xi32, #tpu.memory_space<hbm>>) target(%arg13 : memref<512xi32, #tpu.memory_space<vmem>>) target_semaphore(%run_scoped3A : memref<!tpu.dma_semaphore, #tpu.memory_space<semaphore_mem>>)
      %dma_wait3A = tpu.memref_slice %arg6[%mul3A_2] : memref<16384xi32, #tpu.memory_space<hbm>> -> memref<512xi32, #tpu.memory_space<hbm>>
      %dma_wait3A_57 = tpu.memref_slice %arg6[%mul3A_2] : memref<16384xi32, #tpu.memory_space<hbm>> -> memref<512xi32, #tpu.memory_space<hbm>>
      tpu.wait_dma2 semaphore(%run_scoped3A : memref<!tpu.dma_semaphore, #tpu.memory_space<semaphore_mem>>) src(%dma_wait3A_57 : memref<512xi32, #tpu.memory_space<hbm>>) dst(%arg13 : memref<512xi32, #tpu.memory_space<vmem>>)
      tpu.yield
    }) : () -> ()
    %scan3A = arith.constant 0 : i32
    %scan3A_52 = arith.constant 16 : i32
    %scan3A_53 = arith.addi %scan3A, %scan3A_52 : i32
    %scan3A_54 = arith.constant 1 : i32
    scf.for %scan3A_56 = %scan3A to %scan3A_53 step %scan3A_54  : i32 {
      %mul3A_57 = arith.constant 32 : i32
      %mul3A_58 = arith.muli %scan3A_56, %mul3A_57 : i32
      %add3A_59 = arith.addi %mul3A_2, %mul3A_58 : i32
      %dma_start3A = arith.constant 0 : i32
      %dma_start3A_60 = tpu.memref_slice %arg2[%add3A_59, %dma_start3A] : memref<16384x13xf32, #tpu.memory_space<hbm>> -> memref<32x13xf32, #tpu.memory_space<hbm>>
      %dma_start3A_61 = arith.constant 0 : i32
      %dma_start3A_62 = tpu.memref_slice %arg2[%add3A_59, %dma_start3A_61] : memref<16384x13xf32, #tpu.memory_space<hbm>> -> memref<32x13xf32, #tpu.memory_space<hbm>>
      tpu.enqueue_dma source(%dma_start3A_62 : memref<32x13xf32, #tpu.memory_space<hbm>>) target(%arg14 : memref<32x13xf32, #tpu.memory_space<vmem>>) target_semaphore(%arg19 : memref<!tpu.dma_semaphore, #tpu.memory_space<semaphore_mem>>)
      %add3A_63 = arith.addi %mul3A_2, %mul3A_58 : i32
      %dma_start3A_64 = arith.constant 0 : i32
      %dma_start3A_65 = tpu.memref_slice %arg3[%add3A_63, %dma_start3A_64] : memref<16384x2xf32, #tpu.memory_space<hbm>> -> memref<32x2xf32, #tpu.memory_space<hbm>>
      %dma_start3A_66 = arith.constant 0 : i32
      %dma_start3A_67 = tpu.memref_slice %arg3[%add3A_63, %dma_start3A_66] : memref<16384x2xf32, #tpu.memory_space<hbm>> -> memref<32x2xf32, #tpu.memory_space<hbm>>
      tpu.enqueue_dma source(%dma_start3A_67 : memref<32x2xf32, #tpu.memory_space<hbm>>) target(%arg15 : memref<32x2xf32, #tpu.memory_space<vmem>>) target_semaphore(%arg20 : memref<!tpu.dma_semaphore, #tpu.memory_space<semaphore_mem>>)
      %add3A_68 = arith.constant 0 : i32
      %add3A_69 = arith.addi %mul3A_58, %add3A_68 : i32
      %get3A = arith.index_cast %add3A_69 : i32 to index
      %get3A_70 = tpu.vector_load %arg11[%get3A] {strides = array<i32>} : memref<512xi32, #tpu.memory_space<vmem>>, vector<16xi32>,
      %shift_right_logical3A = arith.constant 3 : i32
      %shift_right_logical3A_71 = vector.broadcast %shift_right_logical3A : i32 to vector<16xi32>
      %shift_right_logical3A_72 = arith.shrui %get3A_70, %shift_right_logical3A_71 : vector<16xi32>
      %slice3A = vector.extract_strided_slice %shift_right_logical3A_72 {offsets = [0], sizes = [1], strides = [1]} : vector<16xi32> to vector<1xi32>
      %squeeze3A = vector.extract %slice3A[0] : i32 from vector<1xi32>
      %dma_start3A_73 = arith.constant 0 : i32
      %dma_start3A_74 = arith.constant 0 : i32
      %dma_start3A_75 = arith.constant 0 : i32
      %dma_start3A_76 = arith.constant 0 : i32
      %dma_start3A_77 = tpu.memref_slice %arg16[%dma_start3A_73, %dma_start3A_74, %dma_start3A_75, %dma_start3A_76] : memref<3x32x8x32xf32, #tpu.memory_space<vmem>> -> memref<1x1x8x32xf32, #tpu.memory_space<vmem>>
      %dma_start3A_78 = tpu.memref_squeeze %dma_start3A_77 : memref<1x1x8x32xf32, #tpu.memory_space<vmem>> -> memref<1x8x32xf32, #tpu.memory_space<vmem>>
      %dma_start3A_79 = arith.constant 0 : i32
      %dma_start3A_80 = arith.constant 0 : i32
      %dma_start3A_81 = tpu.memref_slice %arg7[%squeeze3A, %dma_start3A_79, %dma_start3A_80] : memref<125x8x32xf32, #tpu.memory_space<hbm>> -> memref<1x8x32xf32, #tpu.memory_space<hbm>>
      %dma_start3A_82 = arith.constant 0 : i32
      %dma_start3A_83 = arith.constant 0 : i32
      %dma_start3A_84 = arith.constant 0 : i32
      %dma_start3A_85 = tpu.memref_slice %arg16[%dma_start3A_73, %dma_start3A_82, %dma_start3A_83, %dma_start3A_84] : memref<3x32x8x32xf32, #tpu.memory_space<vmem>> -> memref<1x1x8x32xf32, #tpu.memory_space<vmem>>
      %dma_start3A_86 = tpu.memref_squeeze %dma_start3A_85 : memref<1x1x8x32xf32, #tpu.memory_space<vmem>> -> memref<1x8x32xf32, #tpu.memory_space<vmem>>
      %dma_start3A_87 = arith.constant 0 : i32
      %dma_start3A_88 = arith.constant 0 : i32
      %dma_start3A_89 = tpu.memref_slice %arg7[%squeeze3A, %dma_start3A_87, %dma_start3A_88] : memref<125x8x32xf32, #tpu.memory_space<hbm>> -> memref<1x8x32xf32, #tpu.memory_space<hbm>>
      tpu.enqueue_dma source(%dma_start3A_89 : memref<1x8x32xf32, #tpu.memory_space<hbm>>) target(%dma_start3A_86 : memref<1x8x32xf32, #tpu.memory_space<vmem>>) target_semaphore(%arg18 : memref<!tpu.dma_semaphore, #tpu.memory_space<semaphore_mem>>)
      %slice3A_90 = vector.extract_strided_slice %shift_right_logical3A_72 {offsets = [1], sizes = [1], strides = [1]} : vector<16xi32> to vector<1xi32>
      %squeeze3A_91 = vector.extract %slice3A_90[0] : i32 from vector<1xi32>
      %dma_start3A_92 = arith.constant 0 : i32
      %dma_start3A_93 = arith.constant 1 : i32
      %dma_start3A_94 = arith.constant 0 : i32
      %dma_start3A_95 = arith.constant 0 : i32
      %dma_start3A_96 = tpu.memref_slice %arg16[%dma_start3A_92, %dma_start3A_93, %dma_start3A_94, %dma_start3A_95] : memref<3x32x8x32xf32, #tpu.memory_space<vmem>> -> memref<1x1x8x32xf32, #tpu.memory_space<vmem>>
      %dma_start3A_97 = tpu.memref_squeeze %dma_start3A_96 : memref<1x1x8x32xf32, #tpu.memory_space<vmem>> -> memref<1x8x32xf32, #tpu.memory_space<vmem>>
      %dma_start3A_98 = arith.constant 0 : i32
      %dma_start3A_99 = arith.constant 0 : i32
      %dma_start3A_100 = tpu.memref_slice %arg7[%squeeze3A_91, %dma_start3A_98, %dma_start3A_99] : memref<125x8x32xf32, #tpu.memory_space<hbm>> -> memref<1x8x32xf32, #tpu.memory_space<hbm>>
      %dma_start3A_101 = arith.constant 1 : i32
      %dma_start3A_102 = arith.constant 0 : i32
      %dma_start3A_103 = arith.constant 0 : i32
      %dma_start3A_104 = tpu.memref_slice %arg16[%dma_start3A_92, %dma_start3A_101, %dma_start3A_102, %dma_start3A_103] : memref<3x32x8x32xf32, #tpu.memory_space<vmem>> -> memref<1x1x8x32xf32, #tpu.memory_space<vmem>>
      %dma_start3A_105 = tpu.memref_squeeze %dma_start3A_104 : memref<1x1x8x32xf32, #tpu.memory_space<vmem>> -> memref<1x8x32xf32, #tpu.memory_space<vmem>>
      %dma_start3A_106 = arith.constant 0 : i32
      %dma_start3A_107 = arith.constant 0 : i32
      %dma_start3A_108 = tpu.memref_slice %arg7[%squeeze3A_91, %dma_start3A_106, %dma_start3A_107] : memref<125x8x32xf32, #tpu.memory_space<hbm>> -> memref<1x8x32xf32, #tpu.memory_space<hbm>>
      tpu.enqueue_dma source(%dma_start3A_108 : memref<1x8x32xf32, #tpu.memory_space<hbm>>) target(%dma_start3A_105 : memref<1x8x32xf32, #tpu.memory_space<vmem>>) target_semaphore(%arg18 : memref<!tpu.dma_semaphore, #tpu.memory_space<semaphore_mem>>)
      %slice3A_109 = vector.extract_strided_slice %shift_right_logical3A_72 {offsets = [2], sizes = [1], strides = [1]} : vector<16xi32> to vector<1xi32>
      %squeeze3A_110 = vector.extract %slice3A_109[0] : i32 from vector<1xi32>
      %dma_start3A_111 = arith.constant 0 : i32
      %dma_start3A_112 = arith.constant 2 : i32
      %dma_start3A_113 = arith.constant 0 : i32
      %dma_start3A_114 = arith.constant 0 : i32
      %dma_start3A_115 = tpu.memref_slice %arg16[%dma_start3A_111, %dma_start3A_112, %dma_start3A_113, %dma_start3A_114] : memref<3x32x8x32xf32, #tpu.memory_space<vmem>> -> memref<1x1x8x32xf32, #tpu.memory_space<vmem>>
      %dma_start3A_116 = tpu.memref_squeeze %dma_start3A_115 : memref<1x1x8x32xf32, #tpu.memory_space<vmem>> -> memref<1x8x32xf32, #tpu.memory_space<vmem>>
      %dma_start3A_117 = arith.constant 0 : i32
      %dma_start3A_118 = arith.constant 0 : i32
      %dma_start3A_119 = tpu.memref_slice %arg7[%squeeze3A_110, %dma_start3A_117, %dma_start3A_118] : memref<125x8x32xf32, #tpu.memory_space<hbm>> -> memref<1x8x32xf32, #tpu.memory_space<hbm>>
      %dma_start3A_120 = arith.constant 2 : i32
      %dma_start3A_121 = arith.constant 0 : i32
      %dma_start3A_122 = arith.constant 0 : i32
      %dma_start3A_123 = tpu.memref_slice %arg16[%dma_start3A_111, %dma_start3A_120, %dma_start3A_121, %dma_start3A_122] : memref<3x32x8x32xf32, #tpu.memory_space<vmem>> -> memref<1x1x8x32xf32, #tpu.memory_space<vmem>>
      %dma_start3A_124 = tpu.memref_squeeze %dma_start3A_123 : memref<1x1x8x32xf32, #tpu.memory_space<vmem>> -> memref<1x8x32xf32, #tpu.memory_space<vmem>>
      %dma_start3A_125 = arith.constant 0 : i32
      %dma_start3A_126 = arith.constant 0 : i32
      %dma_start3A_127 = tpu.memref_slice %arg7[%squeeze3A_110, %dma_start3A_125, %dma_start3A_126] : memref<125x8x32xf32, #tpu.memory_space<hbm>> -> memref<1x8x32xf32, #tpu.memory_space<hbm>>
      tpu.enqueue_dma source(%dma_start3A_127 : memref<1x8x32xf32, #tpu.memory_space<hbm>>) target(%dma_start3A_124 : memref<1x8x32xf32, #tpu.memory_space<vmem>>) target_semaphore(%arg18 : memref<!tpu.dma_semaphore, #tpu.memory_space<semaphore_mem>>)
      %slice3A_128 = vector.extract_strided_slice %shift_right_logical3A_72 {offsets = [3], sizes = [1], strides = [1]} : vector<16xi32> to vector<1xi32>
      %squeeze3A_129 = vector.extract %slice3A_128[0] : i32 from vector<1xi32>
      %dma_start3A_130 = arith.constant 0 : i32
      %dma_start3A_131 = arith.constant 3 : i32
      %dma_start3A_132 = arith.constant 0 : i32
      %dma_start3A_133 = arith.constant 0 : i32
      %dma_start3A_134 = tpu.memref_slice %arg16[%dma_start3A_130, %dma_start3A_131, %dma_start3A_132, %dma_start3A_133] : memref<3x32x8x32xf32, #tpu.memory_space<vmem>> -> memref<1x1x8x32xf32, #tpu.memory_space<vmem>>
      %dma_start3A_135 = tpu.memref_squeeze %dma_start3A_134 : memref<1x1x8x32xf32, #tpu.memory_space<vmem>> -> memref<1x8x32xf32, #tpu.memory_space<vmem>>
      %dma_start3A_136 = arith.constant 0 : i32
      %dma_start3A_137 = arith.constant 0 : i32
      %dma_start3A_138 = tpu.memref_slice %arg7[%squeeze3A_129, %dma_start3A_136, %dma_start3A_137] : memref<125x8x32xf32, #tpu.memory_space<hbm>> -> memref<1x8x32xf32, #tpu.memory_space<hbm>>
      %dma_start3A_139 = arith.constant 3 : i32
      %dma_start3A_140 = arith.constant 0 : i32
      %dma_start3A_141 = arith.constant 0 : i32
      %dma_start3A_142 = tpu.memref_slice %arg16[%dma_start3A_130, %dma_start3A_139, %dma_start3A_140, %dma_start3A_141] : memref<3x32x8x32xf32, #tpu.memory_space<vmem>> -> memref<1x1x8x32xf32, #tpu.memory_space<vmem>>
      %dma_start3A_143 = tpu.memref_squeeze %dma_start3A_142 : memref<1x1x8x32xf32, #tpu.memory_space<vmem>> -> memref<1x8x32xf32, #tpu.memory_space<vmem>>
      %dma_start3A_144 = arith.constant 0 : i32
      %dma_start3A_145 = arith.constant 0 : i32
      %dma_start3A_146 = tpu.memref_slice %arg7[%squeeze3A_129, %dma_start3A_144, %dma_start3A_145] : memref<125x8x32xf32, #tpu.memory_space<hbm>> -> memref<1x8x32xf32, #tpu.memory_space<hbm>>
      tpu.enqueue_dma source(%dma_start3A_146 : memref<1x8x32xf32, #tpu.memory_space<hbm>>) target(%dma_start3A_143 : memref<1x8x32xf32, #tpu.memory_space<vmem>>) target_semaphore(%arg18 : memref<!tpu.dma_semaphore, #tpu.memory_space<semaphore_mem>>)
      %slice3A_147 = vector.extract_strided_slice %shift_right_logical3A_72 {offsets = [4], sizes = [1], strides = [1]} : vector<16xi32> to vector<1xi32>
      %squeeze3A_148 = vector.extract %slice3A_147[0] : i32 from vector<1xi32>
      %dma_start3A_149 = arith.constant 0 : i32
      %dma_start3A_150 = arith.constant 4 : i32
      %dma_start3A_151 = arith.constant 0 : i32
      %dma_start3A_152 = arith.constant 0 : i32
      %dma_start3A_153 = tpu.memref_slice %arg16[%dma_start3A_149, %dma_start3A_150, %dma_start3A_151, %dma_start3A_152] : memref<3x32x8x32xf32, #tpu.memory_space<vmem>> -> memref<1x1x8x32xf32, #tpu.memory_space<vmem>>
      %dma_start3A_154 = tpu.memref_squeeze %dma_start3A_153 : memref<1x1x8x32xf32, #tpu.memory_space<vmem>> -> memref<1x8x32xf32, #tpu.memory_space<vmem>>
      %dma_start3A_155 = arith.constant 0 : i32
      %dma_start3A_156 = arith.constant 0 : i32
      %dma_start3A_157 = tpu.memref_slice %arg7[%squeeze3A_148, %dma_start3A_155, %dma_start3A_156] : memref<125x8x32xf32, #tpu.memory_space<hbm>> -> memref<1x8x32xf32, #tpu.memory_space<hbm>>
      %dma_start3A_158 = arith.constant 4 : i32
      %dma_start3A_159 = arith.constant 0 : i32
      %dma_start3A_160 = arith.constant 0 : i32
      %dma_start3A_161 = tpu.memref_slice %arg16[%dma_start3A_149, %dma_start3A_158, %dma_start3A_159, %dma_start3A_160] : memref<3x32x8x32xf32, #tpu.memory_space<vmem>> -> memref<1x1x8x32xf32, #tpu.memory_space<vmem>>
      %dma_start3A_162 = tpu.memref_squeeze %dma_start3A_161 : memref<1x1x8x32xf32, #tpu.memory_space<vmem>> -> memref<1x8x32xf32, #tpu.memory_space<vmem>>
      %dma_start3A_163 = arith.constant 0 : i32
      %dma_start3A_164 = arith.constant 0 : i32
      %dma_start3A_165 = tpu.memref_slice %arg7[%squeeze3A_148, %dma_start3A_163, %dma_start3A_164] : memref<125x8x32xf32, #tpu.memory_space<hbm>> -> memref<1x8x32xf32, #tpu.memory_space<hbm>>
      tpu.enqueue_dma source(%dma_start3A_165 : memref<1x8x32xf32, #tpu.memory_space<hbm>>) target(%dma_start3A_162 : memref<1x8x32xf32, #tpu.memory_space<vmem>>) target_semaphore(%arg18 : memref<!tpu.dma_semaphore, #tpu.memory_space<semaphore_mem>>)
      %slice3A_166 = vector.extract_strided_slice %shift_right_logical3A_72 {offsets = [5], sizes = [1], strides = [1]} : vector<16xi32> to vector<1xi32>
      %squeeze3A_167 = vector.extract %slice3A_166[0] : i32 from vector<1xi32>
      %dma_start3A_168 = arith.constant 0 : i32
      %dma_start3A_169 = arith.constant 5 : i32
      %dma_start3A_170 = arith.constant 0 : i32
      %dma_start3A_171 = arith.constant 0 : i32
      %dma_start3A_172 = tpu.memref_slice %arg16[%dma_start3A_168, %dma_start3A_169, %dma_start3A_170, %dma_start3A_171] : memref<3x32x8x32xf32, #tpu.memory_space<vmem>> -> memref<1x1x8x32xf32, #tpu.memory_space<vmem>>
      %dma_start3A_173 = tpu.memref_squeeze %dma_start3A_172 : memref<1x1x8x32xf32, #tpu.memory_space<vmem>> -> memref<1x8x32xf32, #tpu.memory_space<vmem>>
      %dma_start3A_174 = arith.constant 0 : i32
      %dma_start3A_175 = arith.constant 0 : i32
      %dma_start3A_176 = tpu.memref_slice %arg7[%squeeze3A_167, %dma_start3A_174, %dma_start3A_175] : memref<125x8x32xf32, #tpu.memory_space<hbm>> -> memref<1x8x32xf32, #tpu.memory_space<hbm>>
      %dma_start3A_177 = arith.constant 5 : i32
      %dma_start3A_178 = arith.constant 0 : i32
      %dma_start3A_179 = arith.constant 0 : i32
      %dma_start3A_180 = tpu.memref_slice %arg16[%dma_start3A_168, %dma_start3A_177, %dma_start3A_178, %dma_start3A_179] : memref<3x32x8x32xf32, #tpu.memory_space<vmem>> -> memref<1x1x8x32xf32, #tpu.memory_space<vmem>>
      %dma_start3A_181 = tpu.memref_squeeze %dma_start3A_180 : memref<1x1x8x32xf32, #tpu.memory_space<vmem>> -> memref<1x8x32xf32, #tpu.memory_space<vmem>>
      %dma_start3A_182 = arith.constant 0 : i32
      %dma_start3A_183 = arith.constant 0 : i32
      %dma_start3A_184 = tpu.memref_slice %arg7[%squeeze3A_167, %dma_start3A_182, %dma_start3A_183] : memref<125x8x32xf32, #tpu.memory_space<hbm>> -> memref<1x8x32xf32, #tpu.memory_space<hbm>>
      tpu.enqueue_dma source(%dma_start3A_184 : memref<1x8x32xf32, #tpu.memory_space<hbm>>) target(%dma_start3A_181 : memref<1x8x32xf32, #tpu.memory_space<vmem>>) target_semaphore(%arg18 : memref<!tpu.dma_semaphore, #tpu.memory_space<semaphore_mem>>)
      %slice3A_185 = vector.extract_strided_slice %shift_right_logical3A_72 {offsets = [6], sizes = [1], strides = [1]} : vector<16xi32> to vector<1xi32>
      %squeeze3A_186 = vector.extract %slice3A_185[0] : i32 from vector<1xi32>
      %dma_start3A_187 = arith.constant 0 : i32
      %dma_start3A_188 = arith.constant 6 : i32
      %dma_start3A_189 = arith.constant 0 : i32
      %dma_start3A_190 = arith.constant 0 : i32
      %dma_start3A_191 = tpu.memref_slice %arg16[%dma_start3A_187, %dma_start3A_188, %dma_start3A_189, %dma_start3A_190] : memref<3x32x8x32xf32, #tpu.memory_space<vmem>> -> memref<1x1x8x32xf32, #tpu.memory_space<vmem>>
      %dma_start3A_192 = tpu.memref_squeeze %dma_start3A_191 : memref<1x1x8x32xf32, #tpu.memory_space<vmem>> -> memref<1x8x32xf32, #tpu.memory_space<vmem>>
      %dma_start3A_193 = arith.constant 0 : i32
      %dma_start3A_194 = arith.constant 0 : i32
      %dma_start3A_195 = tpu.memref_slice %arg7[%squeeze3A_186, %dma_start3A_193, %dma_start3A_194] : memref<125x8x32xf32, #tpu.memory_space<hbm>> -> memref<1x8x32xf32, #tpu.memory_space<hbm>>
      %dma_start3A_196 = arith.constant 6 : i32
      %dma_start3A_197 = arith.constant 0 : i32
      %dma_start3A_198 = arith.constant 0 : i32
      %dma_start3A_199 = tpu.memref_slice %arg16[%dma_start3A_187, %dma_start3A_196, %dma_start3A_197, %dma_start3A_198] : memref<3x32x8x32xf32, #tpu.memory_space<vmem>> -> memref<1x1x8x32xf32, #tpu.memory_space<vmem>>
      %dma_start3A_200 = tpu.memref_squeeze %dma_start3A_199 : memref<1x1x8x32xf32, #tpu.memory_space<vmem>> -> memref<1x8x32xf32, #tpu.memory_space<vmem>>
      %dma_start3A_201 = arith.constant 0 : i32
      %dma_start3A_202 = arith.constant 0 : i32
      %dma_start3A_203 = tpu.memref_slice %arg7[%squeeze3A_186, %dma_start3A_201, %dma_start3A_202] : memref<125x8x32xf32, #tpu.memory_space<hbm>> -> memref<1x8x32xf32, #tpu.memory_space<hbm>>
      tpu.enqueue_dma source(%dma_start3A_203 : memref<1x8x32xf32, #tpu.memory_space<hbm>>) target(%dma_start3A_200 : memref<1x8x32xf32, #tpu.memory_space<vmem>>) target_semaphore(%arg18 : memref<!tpu.dma_semaphore, #tpu.memory_space<semaphore_mem>>)
      %slice3A_204 = vector.extract_strided_slice %shift_right_logical3A_72 {offsets = [7], sizes = [1], strides = [1]} : vector<16xi32> to vector<1xi32>
      %squeeze3A_205 = vector.extract %slice3A_204[0] : i32 from vector<1xi32>
      %dma_start3A_206 = arith.constant 0 : i32
      %dma_start3A_207 = arith.constant 7 : i32
      %dma_start3A_208 = arith.constant 0 : i32
      %dma_start3A_209 = arith.constant 0 : i32
      %dma_start3A_210 = tpu.memref_slice %arg16[%dma_start3A_206, %dma_start3A_207, %dma_start3A_208, %dma_start3A_209] : memref<3x32x8x32xf32, #tpu.memory_space<vmem>> -> memref<1x1x8x32xf32, #tpu.memory_space<vmem>>
      %dma_start3A_211 = tpu.memref_squeeze %dma_start3A_210 : memref<1x1x8x32xf32, #tpu.memory_space<vmem>> -> memref<1x8x32xf32, #tpu.memory_space<vmem>>
      %dma_start3A_212 = arith.constant 0 : i32
      %dma_start3A_213 = arith.constant 0 : i32
      %dma_start3A_214 = tpu.memref_slice %arg7[%squeeze3A_205, %dma_start3A_212, %dma_start3A_213] : memref<125x8x32xf32, #tpu.memory_space<hbm>> -> memref<1x8x32xf32, #tpu.memory_space<hbm>>
      %dma_start3A_215 = arith.constant 7 : i32
      %dma_start3A_216 = arith.constant 0 : i32
      %dma_start3A_217 = arith.constant 0 : i32
      %dma_start3A_218 = tpu.memref_slice %arg16[%dma_start3A_206, %dma_start3A_215, %dma_start3A_216, %dma_start3A_217] : memref<3x32x8x32xf32, #tpu.memory_space<vmem>> -> memref<1x1x8x32xf32, #tpu.memory_space<vmem>>
      %dma_start3A_219 = tpu.memref_squeeze %dma_start3A_218 : memref<1x1x8x32xf32, #tpu.memory_space<vmem>> -> memref<1x8x32xf32, #tpu.memory_space<vmem>>
      %dma_start3A_220 = arith.constant 0 : i32
      %dma_start3A_221 = arith.constant 0 : i32
      %dma_start3A_222 = tpu.memref_slice %arg7[%squeeze3A_205, %dma_start3A_220, %dma_start3A_221] : memref<125x8x32xf32, #tpu.memory_space<hbm>> -> memref<1x8x32xf32, #tpu.memory_space<hbm>>
      tpu.enqueue_dma source(%dma_start3A_222 : memref<1x8x32xf32, #tpu.memory_space<hbm>>) target(%dma_start3A_219 : memref<1x8x32xf32, #tpu.memory_space<vmem>>) target_semaphore(%arg18 : memref<!tpu.dma_semaphore, #tpu.memory_space<semaphore_mem>>)
      %slice3A_223 = vector.extract_strided_slice %shift_right_logical3A_72 {offsets = [8], sizes = [1], strides = [1]} : vector<16xi32> to vector<1xi32>
      %squeeze3A_224 = vector.extract %slice3A_223[0] : i32 from vector<1xi32>
      %dma_start3A_225 = arith.constant 0 : i32
      %dma_start3A_226 = arith.constant 8 : i32
      %dma_start3A_227 = arith.constant 0 : i32
      %dma_start3A_228 = arith.constant 0 : i32
      %dma_start3A_229 = tpu.memref_slice %arg16[%dma_start3A_225, %dma_start3A_226, %dma_start3A_227, %dma_start3A_228] : memref<3x32x8x32xf32, #tpu.memory_space<vmem>> -> memref<1x1x8x32xf32, #tpu.memory_space<vmem>>
      %dma_start3A_230 = tpu.memref_squeeze %dma_start3A_229 : memref<1x1x8x32xf32, #tpu.memory_space<vmem>> -> memref<1x8x32xf32, #tpu.memory_space<vmem>>
      %dma_start3A_231 = arith.constant 0 : i32
      %dma_start3A_232 = arith.constant 0 : i32
      %dma_start3A_233 = tpu.memref_slice %arg7[%squeeze3A_224, %dma_start3A_231, %dma_start3A_232] : memref<125x8x32xf32, #tpu.memory_space<hbm>> -> memref<1x8x32xf32, #tpu.memory_space<hbm>>
      %dma_start3A_234 = arith.constant 8 : i32
      %dma_start3A_235 = arith.constant 0 : i32
      %dma_start3A_236 = arith.constant 0 : i32
      %dma_start3A_237 = tpu.memref_slice %arg16[%dma_start3A_225, %dma_start3A_234, %dma_start3A_235, %dma_start3A_236] : memref<3x32x8x32xf32, #tpu.memory_space<vmem>> -> memref<1x1x8x32xf32, #tpu.memory_space<vmem>>
      %dma_start3A_238 = tpu.memref_squeeze %dma_start3A_237 : memref<1x1x8x32xf32, #tpu.memory_space<vmem>> -> memref<1x8x32xf32, #tpu.memory_space<vmem>>
      %dma_start3A_239 = arith.constant 0 : i32
      %dma_start3A_240 = arith.constant 0 : i32
      %dma_start3A_241 = tpu.memref_slice %arg7[%squeeze3A_224, %dma_start3A_239, %dma_start3A_240] : memref<125x8x32xf32, #tpu.memory_space<hbm>> -> memref<1x8x32xf32, #tpu.memory_space<hbm>>
      tpu.enqueue_dma source(%dma_start3A_241 : memref<1x8x32xf32, #tpu.memory_space<hbm>>) target(%dma_start3A_238 : memref<1x8x32xf32, #tpu.memory_space<vmem>>) target_semaphore(%arg18 : memref<!tpu.dma_semaphore, #tpu.memory_space<semaphore_mem>>)
      %slice3A_242 = vector.extract_strided_slice %shift_right_logical3A_72 {offsets = [9], sizes = [1], strides = [1]} : vector<16xi32> to vector<1xi32>
      %squeeze3A_243 = vector.extract %slice3A_242[0] : i32 from vector<1xi32>
      %dma_start3A_244 = arith.constant 0 : i32
      %dma_start3A_245 = arith.constant 9 : i32
      %dma_start3A_246 = arith.constant 0 : i32
      %dma_start3A_247 = arith.constant 0 : i32
      %dma_start3A_248 = tpu.memref_slice %arg16[%dma_start3A_244, %dma_start3A_245, %dma_start3A_246, %dma_start3A_247] : memref<3x32x8x32xf32, #tpu.memory_space<vmem>> -> memref<1x1x8x32xf32, #tpu.memory_space<vmem>>
      %dma_start3A_249 = tpu.memref_squeeze %dma_start3A_248 : memref<1x1x8x32xf32, #tpu.memory_space<vmem>> -> memref<1x8x32xf32, #tpu.memory_space<vmem>>
      %dma_start3A_250 = arith.constant 0 : i32
      %dma_start3A_251 = arith.constant 0 : i32
      %dma_start3A_252 = tpu.memref_slice %arg7[%squeeze3A_243, %dma_start3A_250, %dma_start3A_251] : memref<125x8x32xf32, #tpu.memory_space<hbm>> -> memref<1x8x32xf32, #tpu.memory_space<hbm>>
      %dma_start3A_253 = arith.constant 9 : i32
      %dma_start3A_254 = arith.constant 0 : i32
      %dma_start3A_255 = arith.constant 0 : i32
      %dma_start3A_256 = tpu.memref_slice %arg16[%dma_start3A_244, %dma_start3A_253, %dma_start3A_254, %dma_start3A_255] : memref<3x32x8x32xf32, #tpu.memory_space<vmem>> -> memref<1x1x8x32xf32, #tpu.memory_space<vmem>>
      %dma_start3A_257 = tpu.memref_squeeze %dma_start3A_256 : memref<1x1x8x32xf32, #tpu.memory_space<vmem>> -> memref<1x8x32xf32, #tpu.memory_space<vmem>>
      %dma_start3A_258 = arith.constant 0 : i32
      %dma_start3A_259 = arith.constant 0 : i32
      %dma_start3A_260 = tpu.memref_slice %arg7[%squeeze3A_243, %dma_start3A_258, %dma_start3A_259] : memref<125x8x32xf32, #tpu.memory_space<hbm>> -> memref<1x8x32xf32, #tpu.memory_space<hbm>>
      tpu.enqueue_dma source(%dma_start3A_260 : memref<1x8x32xf32, #tpu.memory_space<hbm>>) target(%dma_start3A_257 : memref<1x8x32xf32, #tpu.memory_space<vmem>>) target_semaphore(%arg18 : memref<!tpu.dma_semaphore, #tpu.memory_space<semaphore_mem>>)
      %slice3A_261 = vector.extract_strided_slice %shift_right_logical3A_72 {offsets = [10], sizes = [1], strides = [1]} : vector<16xi32> to vector<1xi32>
      %squeeze3A_262 = vector.extract %slice3A_261[0] : i32 from vector<1xi32>
      %dma_start3A_263 = arith.constant 0 : i32
      %dma_start3A_264 = arith.constant 10 : i32
      %dma_start3A_265 = arith.constant 0 : i32
      %dma_start3A_266 = arith.constant 0 : i32
      %dma_start3A_267 = tpu.memref_slice %arg16[%dma_start3A_263, %dma_start3A_264, %dma_start3A_265, %dma_start3A_266] : memref<3x32x8x32xf32, #tpu.memory_space<vmem>> -> memref<1x1x8x32xf32, #tpu.memory_space<vmem>>
      %dma_start3A_268 = tpu.memref_squeeze %dma_start3A_267 : memref<1x1x8x32xf32, #tpu.memory_space<vmem>> -> memref<1x8x32xf32, #tpu.memory_space<vmem>>
      %dma_start3A_269 = arith.constant 0 : i32
      %dma_start3A_270 = arith.constant 0 : i32
      %dma_start3A_271 = tpu.memref_slice %arg7[%squeeze3A_262, %dma_start3A_269, %dma_start3A_270] : memref<125x8x32xf32, #tpu.memory_space<hbm>> -> memref<1x8x32xf32, #tpu.memory_space<hbm>>
      %dma_start3A_272 = arith.constant 10 : i32
      %dma_start3A_273 = arith.constant 0 : i32
      %dma_start3A_274 = arith.constant 0 : i32
      %dma_start3A_275 = tpu.memref_slice %arg16[%dma_start3A_263, %dma_start3A_272, %dma_start3A_273, %dma_start3A_274] : memref<3x32x8x32xf32, #tpu.memory_space<vmem>> -> memref<1x1x8x32xf32, #tpu.memory_space<vmem>>
      %dma_start3A_276 = tpu.memref_squeeze %dma_start3A_275 : memref<1x1x8x32xf32, #tpu.memory_space<vmem>> -> memref<1x8x32xf32, #tpu.memory_space<vmem>>
      %dma_start3A_277 = arith.constant 0 : i32
      %dma_start3A_278 = arith.constant 0 : i32
      %dma_start3A_279 = tpu.memref_slice %arg7[%squeeze3A_262, %dma_start3A_277, %dma_start3A_278] : memref<125x8x32xf32, #tpu.memory_space<hbm>> -> memref<1x8x32xf32, #tpu.memory_space<hbm>>
      tpu.enqueue_dma source(%dma_start3A_279 : memref<1x8x32xf32, #tpu.memory_space<hbm>>) target(%dma_start3A_276 : memref<1x8x32xf32, #tpu.memory_space<vmem>>) target_semaphore(%arg18 : memref<!tpu.dma_semaphore, #tpu.memory_space<semaphore_mem>>)
      %slice3A_280 = vector.extract_strided_slice %shift_right_logical3A_72 {offsets = [11], sizes = [1], strides = [1]} : vector<16xi32> to vector<1xi32>
      %squeeze3A_281 = vector.extract %slice3A_280[0] : i32 from vector<1xi32>
      %dma_start3A_282 = arith.constant 0 : i32
      %dma_start3A_283 = arith.constant 11 : i32
      %dma_start3A_284 = arith.constant 0 : i32
      %dma_start3A_285 = arith.constant 0 : i32
      %dma_start3A_286 = tpu.memref_slice %arg16[%dma_start3A_282, %dma_start3A_283, %dma_start3A_284, %dma_start3A_285] : memref<3x32x8x32xf32, #tpu.memory_space<vmem>> -> memref<1x1x8x32xf32, #tpu.memory_space<vmem>>
      %dma_start3A_287 = tpu.memref_squeeze %dma_start3A_286 : memref<1x1x8x32xf32, #tpu.memory_space<vmem>> -> memref<1x8x32xf32, #tpu.memory_space<vmem>>
      %dma_start3A_288 = arith.constant 0 : i32
      %dma_start3A_289 = arith.constant 0 : i32
      %dma_start3A_290 = tpu.memref_slice %arg7[%squeeze3A_281, %dma_start3A_288, %dma_start3A_289] : memref<125x8x32xf32, #tpu.memory_space<hbm>> -> memref<1x8x32xf32, #tpu.memory_space<hbm>>
      %dma_start3A_291 = arith.constant 11 : i32
      %dma_start3A_292 = arith.constant 0 : i32
      %dma_start3A_293 = arith.constant 0 : i32
      %dma_start3A_294 = tpu.memref_slice %arg16[%dma_start3A_282, %dma_start3A_291, %dma_start3A_292, %dma_start3A_293] : memref<3x32x8x32xf32, #tpu.memory_space<vmem>> -> memref<1x1x8x32xf32, #tpu.memory_space<vmem>>
      %dma_start3A_295 = tpu.memref_squeeze %dma_start3A_294 : memref<1x1x8x32xf32, #tpu.memory_space<vmem>> -> memref<1x8x32xf32, #tpu.memory_space<vmem>>
      %dma_start3A_296 = arith.constant 0 : i32
      %dma_start3A_297 = arith.constant 0 : i32
      %dma_start3A_298 = tpu.memref_slice %arg7[%squeeze3A_281, %dma_start3A_296, %dma_start3A_297] : memref<125x8x32xf32, #tpu.memory_space<hbm>> -> memref<1x8x32xf32, #tpu.memory_space<hbm>>
      tpu.enqueue_dma source(%dma_start3A_298 : memref<1x8x32xf32, #tpu.memory_space<hbm>>) target(%dma_start3A_295 : memref<1x8x32xf32, #tpu.memory_space<vmem>>) target_semaphore(%arg18 : memref<!tpu.dma_semaphore, #tpu.memory_space<semaphore_mem>>)
      %slice3A_299 = vector.extract_strided_slice %shift_right_logical3A_72 {offsets = [12], sizes = [1], strides = [1]} : vector<16xi32> to vector<1xi32>
      %squeeze3A_300 = vector.extract %slice3A_299[0] : i32 from vector<1xi32>
      %dma_start3A_301 = arith.constant 0 : i32
      %dma_start3A_302 = arith.constant 12 : i32
      %dma_start3A_303 = arith.constant 0 : i32
      %dma_start3A_304 = arith.constant 0 : i32
      %dma_start3A_305 = tpu.memref_slice %arg16[%dma_start3A_301, %dma_start3A_302, %dma_start3A_303, %dma_start3A_304] : memref<3x32x8x32xf32, #tpu.memory_space<vmem>> -> memref<1x1x8x32xf32, #tpu.memory_space<vmem>>
      %dma_start3A_306 = tpu.memref_squeeze %dma_start3A_305 : memref<1x1x8x32xf32, #tpu.memory_space<vmem>> -> memref<1x8x32xf32, #tpu.memory_space<vmem>>
      %dma_start3A_307 = arith.constant 0 : i32
      %dma_start3A_308 = arith.constant 0 : i32
      %dma_start3A_309 = tpu.memref_slice %arg7[%squeeze3A_300, %dma_start3A_307, %dma_start3A_308] : memref<125x8x32xf32, #tpu.memory_space<hbm>> -> memref<1x8x32xf32, #tpu.memory_space<hbm>>
      %dma_start3A_310 = arith.constant 12 : i32
      %dma_start3A_311 = arith.constant 0 : i32
      %dma_start3A_312 = arith.constant 0 : i32
      %dma_start3A_313 = tpu.memref_slice %arg16[%dma_start3A_301, %dma_start3A_310, %dma_start3A_311, %dma_start3A_312] : memref<3x32x8x32xf32, #tpu.memory_space<vmem>> -> memref<1x1x8x32xf32, #tpu.memory_space<vmem>>
      %dma_start3A_314 = tpu.memref_squeeze %dma_start3A_313 : memref<1x1x8x32xf32, #tpu.memory_space<vmem>> -> memref<1x8x32xf32, #tpu.memory_space<vmem>>
      %dma_start3A_315 = arith.constant 0 : i32
      %dma_start3A_316 = arith.constant 0 : i32
      %dma_start3A_317 = tpu.memref_slice %arg7[%squeeze3A_300, %dma_start3A_315, %dma_start3A_316] : memref<125x8x32xf32, #tpu.memory_space<hbm>> -> memref<1x8x32xf32, #tpu.memory_space<hbm>>
      tpu.enqueue_dma source(%dma_start3A_317 : memref<1x8x32xf32, #tpu.memory_space<hbm>>) target(%dma_start3A_314 : memref<1x8x32xf32, #tpu.memory_space<vmem>>) target_semaphore(%arg18 : memref<!tpu.dma_semaphore, #tpu.memory_space<semaphore_mem>>)
      %slice3A_318 = vector.extract_strided_slice %shift_right_logical3A_72 {offsets = [13], sizes = [1], strides = [1]} : vector<16xi32> to vector<1xi32>
      %squeeze3A_319 = vector.extract %slice3A_318[0] : i32 from vector<1xi32>
      %dma_start3A_320 = arith.constant 0 : i32
      %dma_start3A_321 = arith.constant 13 : i32
      %dma_start3A_322 = arith.constant 0 : i32
      %dma_start3A_323 = arith.constant 0 : i32
      %dma_start3A_324 = tpu.memref_slice %arg16[%dma_start3A_320, %dma_start3A_321, %dma_start3A_322, %dma_start3A_323] : memref<3x32x8x32xf32, #tpu.memory_space<vmem>> -> memref<1x1x8x32xf32, #tpu.memory_space<vmem>>
      %dma_start3A_325 = tpu.memref_squeeze %dma_start3A_324 : memref<1x1x8x32xf32, #tpu.memory_space<vmem>> -> memref<1x8x32xf32, #tpu.memory_space<vmem>>
      %dma_start3A_326 = arith.constant 0 : i32
      %dma_start3A_327 = arith.constant 0 : i32
      %dma_start3A_328 = tpu.memref_slice %arg7[%squeeze3A_319, %dma_start3A_326, %dma_start3A_327] : memref<125x8x32xf32, #tpu.memory_space<hbm>> -> memref<1x8x32xf32, #tpu.memory_space<hbm>>
      %dma_start3A_329 = arith.constant 13 : i32
      %dma_start3A_330 = arith.constant 0 : i32
      %dma_start3A_331 = arith.constant 0 : i32
      %dma_start3A_332 = tpu.memref_slice %arg16[%dma_start3A_320, %dma_start3A_329, %dma_start3A_330, %dma_start3A_331] : memref<3x32x8x32xf32, #tpu.memory_space<vmem>> -> memref<1x1x8x32xf32, #tpu.memory_space<vmem>>
      %dma_start3A_333 = tpu.memref_squeeze %dma_start3A_332 : memref<1x1x8x32xf32, #tpu.memory_space<vmem>> -> memref<1x8x32xf32, #tpu.memory_space<vmem>>
      %dma_start3A_334 = arith.constant 0 : i32
      %dma_start3A_335 = arith.constant 0 : i32
      %dma_start3A_336 = tpu.memref_slice %arg7[%squeeze3A_319, %dma_start3A_334, %dma_start3A_335] : memref<125x8x32xf32, #tpu.memory_space<hbm>> -> memref<1x8x32xf32, #tpu.memory_space<hbm>>
      tpu.enqueue_dma source(%dma_start3A_336 : memref<1x8x32xf32, #tpu.memory_space<hbm>>) target(%dma_start3A_333 : memref<1x8x32xf32, #tpu.memory_space<vmem>>) target_semaphore(%arg18 : memref<!tpu.dma_semaphore, #tpu.memory_space<semaphore_mem>>)
      %slice3A_337 = vector.extract_strided_slice %shift_right_logical3A_72 {offsets = [14], sizes = [1], strides = [1]} : vector<16xi32> to vector<1xi32>
      %squeeze3A_338 = vector.extract %slice3A_337[0] : i32 from vector<1xi32>
      %dma_start3A_339 = arith.constant 0 : i32
      %dma_start3A_340 = arith.constant 14 : i32
      %dma_start3A_341 = arith.constant 0 : i32
      %dma_start3A_342 = arith.constant 0 : i32
      %dma_start3A_343 = tpu.memref_slice %arg16[%dma_start3A_339, %dma_start3A_340, %dma_start3A_341, %dma_start3A_342] : memref<3x32x8x32xf32, #tpu.memory_space<vmem>> -> memref<1x1x8x32xf32, #tpu.memory_space<vmem>>
      %dma_start3A_344 = tpu.memref_squeeze %dma_start3A_343 : memref<1x1x8x32xf32, #tpu.memory_space<vmem>> -> memref<1x8x32xf32, #tpu.memory_space<vmem>>
      %dma_start3A_345 = arith.constant 0 : i32
      %dma_start3A_346 = arith.constant 0 : i32
      %dma_start3A_347 = tpu.memref_slice %arg7[%squeeze3A_338, %dma_start3A_345, %dma_start3A_346] : memref<125x8x32xf32, #tpu.memory_space<hbm>> -> memref<1x8x32xf32, #tpu.memory_space<hbm>>
      %dma_start3A_348 = arith.constant 14 : i32
      %dma_start3A_349 = arith.constant 0 : i32
      %dma_start3A_350 = arith.constant 0 : i32
      %dma_start3A_351 = tpu.memref_slice %arg16[%dma_start3A_339, %dma_start3A_348, %dma_start3A_349, %dma_start3A_350] : memref<3x32x8x32xf32, #tpu.memory_space<vmem>> -> memref<1x1x8x32xf32, #tpu.memory_space<vmem>>
      %dma_start3A_352 = tpu.memref_squeeze %dma_start3A_351 : memref<1x1x8x32xf32, #tpu.memory_space<vmem>> -> memref<1x8x32xf32, #tpu.memory_space<vmem>>
      %dma_start3A_353 = arith.constant 0 : i32
      %dma_start3A_354 = arith.constant 0 : i32
      %dma_start3A_355 = tpu.memref_slice %arg7[%squeeze3A_338, %dma_start3A_353, %dma_start3A_354] : memref<125x8x32xf32, #tpu.memory_space<hbm>> -> memref<1x8x32xf32, #tpu.memory_space<hbm>>
      tpu.enqueue_dma source(%dma_start3A_355 : memref<1x8x32xf32, #tpu.memory_space<hbm>>) target(%dma_start3A_352 : memref<1x8x32xf32, #tpu.memory_space<vmem>>) target_semaphore(%arg18 : memref<!tpu.dma_semaphore, #tpu.memory_space<semaphore_mem>>)
      %slice3A_356 = vector.extract_strided_slice %shift_right_logical3A_72 {offsets = [15], sizes = [1], strides = [1]} : vector<16xi32> to vector<1xi32>
      %squeeze3A_357 = vector.extract %slice3A_356[0] : i32 from vector<1xi32>
      %dma_start3A_358 = arith.constant 0 : i32
      %dma_start3A_359 = arith.constant 15 : i32
      %dma_start3A_360 = arith.constant 0 : i32
      %dma_start3A_361 = arith.constant 0 : i32
      %dma_start3A_362 = tpu.memref_slice %arg16[%dma_start3A_358, %dma_start3A_359, %dma_start3A_360, %dma_start3A_361] : memref<3x32x8x32xf32, #tpu.memory_space<vmem>> -> memref<1x1x8x32xf32, #tpu.memory_space<vmem>>
      %dma_start3A_363 = tpu.memref_squeeze %dma_start3A_362 : memref<1x1x8x32xf32, #tpu.memory_space<vmem>> -> memref<1x8x32xf32, #tpu.memory_space<vmem>>
      %dma_start3A_364 = arith.constant 0 : i32
      %dma_start3A_365 = arith.constant 0 : i32
      %dma_start3A_366 = tpu.memref_slice %arg7[%squeeze3A_357, %dma_start3A_364, %dma_start3A_365] : memref<125x8x32xf32, #tpu.memory_space<hbm>> -> memref<1x8x32xf32, #tpu.memory_space<hbm>>
      %dma_start3A_367 = arith.constant 15 : i32
      %dma_start3A_368 = arith.constant 0 : i32
      %dma_start3A_369 = arith.constant 0 : i32
      %dma_start3A_370 = tpu.memref_slice %arg16[%dma_start3A_358, %dma_start3A_367, %dma_start3A_368, %dma_start3A_369] : memref<3x32x8x32xf32, #tpu.memory_space<vmem>> -> memref<1x1x8x32xf32, #tpu.memory_space<vmem>>
      %dma_start3A_371 = tpu.memref_squeeze %dma_start3A_370 : memref<1x1x8x32xf32, #tpu.memory_space<vmem>> -> memref<1x8x32xf32, #tpu.memory_space<vmem>>
      %dma_start3A_372 = arith.constant 0 : i32
      %dma_start3A_373 = arith.constant 0 : i32
      %dma_start3A_374 = tpu.memref_slice %arg7[%squeeze3A_357, %dma_start3A_372, %dma_start3A_373] : memref<125x8x32xf32, #tpu.memory_space<hbm>> -> memref<1x8x32xf32, #tpu.memory_space<hbm>>
      tpu.enqueue_dma source(%dma_start3A_374 : memref<1x8x32xf32, #tpu.memory_space<hbm>>) target(%dma_start3A_371 : memref<1x8x32xf32, #tpu.memory_space<vmem>>) target_semaphore(%arg18 : memref<!tpu.dma_semaphore, #tpu.memory_space<semaphore_mem>>)
      %add3A_375 = arith.constant 16 : i32
      %add3A_376 = arith.addi %mul3A_58, %add3A_375 : i32
      %get3A_377 = arith.index_cast %add3A_376 : i32 to index
      %get3A_378 = tpu.vector_load %arg11[%get3A_377] {strides = array<i32>} : memref<512xi32, #tpu.memory_space<vmem>>, vector<16xi32>,
      %shift_right_logical3A_379 = arith.constant 3 : i32
      %shift_right_logical3A_380 = vector.broadcast %shift_right_logical3A_379 : i32 to vector<16xi32>
      %shift_right_logical3A_381 = arith.shrui %get3A_378, %shift_right_logical3A_380 : vector<16xi32>
      %slice3A_382 = vector.extract_strided_slice %shift_right_logical3A_381 {offsets = [0], sizes = [1], strides = [1]} : vector<16xi32> to vector<1xi32>
      %squeeze3A_383 = vector.extract %slice3A_382[0] : i32 from vector<1xi32>
      %dma_start3A_384 = arith.constant 0 : i32
      %dma_start3A_385 = arith.constant 16 : i32
      %dma_start3A_386 = arith.constant 0 : i32
      %dma_start3A_387 = arith.constant 0 : i32
      %dma_start3A_388 = tpu.memref_slice %arg16[%dma_start3A_384, %dma_start3A_385, %dma_start3A_386, %dma_start3A_387] : memref<3x32x8x32xf32, #tpu.memory_space<vmem>> -> memref<1x1x8x32xf32, #tpu.memory_space<vmem>>
      %dma_start3A_389 = tpu.memref_squeeze %dma_start3A_388 : memref<1x1x8x32xf32, #tpu.memory_space<vmem>> -> memref<1x8x32xf32, #tpu.memory_space<vmem>>
      %dma_start3A_390 = arith.constant 0 : i32
      %dma_start3A_391 = arith.constant 0 : i32
      %dma_start3A_392 = tpu.memref_slice %arg7[%squeeze3A_383, %dma_start3A_390, %dma_start3A_391] : memref<125x8x32xf32, #tpu.memory_space<hbm>> -> memref<1x8x32xf32, #tpu.memory_space<hbm>>
      %dma_start3A_393 = arith.constant 16 : i32
      %dma_start3A_394 = arith.constant 0 : i32
      %dma_start3A_395 = arith.constant 0 : i32
      %dma_start3A_396 = tpu.memref_slice %arg16[%dma_start3A_384, %dma_start3A_393, %dma_start3A_394, %dma_start3A_395] : memref<3x32x8x32xf32, #tpu.memory_space<vmem>> -> memref<1x1x8x32xf32, #tpu.memory_space<vmem>>
      %dma_start3A_397 = tpu.memref_squeeze %dma_start3A_396 : memref<1x1x8x32xf32, #tpu.memory_space<vmem>> -> memref<1x8x32xf32, #tpu.memory_space<vmem>>
      %dma_start3A_398 = arith.constant 0 : i32
      %dma_start3A_399 = arith.constant 0 : i32
      %dma_start3A_400 = tpu.memref_slice %arg7[%squeeze3A_383, %dma_start3A_398, %dma_start3A_399] : memref<125x8x32xf32, #tpu.memory_space<hbm>> -> memref<1x8x32xf32, #tpu.memory_space<hbm>>
      tpu.enqueue_dma source(%dma_start3A_400 : memref<1x8x32xf32, #tpu.memory_space<hbm>>) target(%dma_start3A_397 : memref<1x8x32xf32, #tpu.memory_space<vmem>>) target_semaphore(%arg18 : memref<!tpu.dma_semaphore, #tpu.memory_space<semaphore_mem>>)
      %slice3A_401 = vector.extract_strided_slice %shift_right_logical3A_381 {offsets = [1], sizes = [1], strides = [1]} : vector<16xi32> to vector<1xi32>
      %squeeze3A_402 = vector.extract %slice3A_401[0] : i32 from vector<1xi32>
      %dma_start3A_403 = arith.constant 0 : i32
      %dma_start3A_404 = arith.constant 17 : i32
      %dma_start3A_405 = arith.constant 0 : i32
      %dma_start3A_406 = arith.constant 0 : i32
      %dma_start3A_407 = tpu.memref_slice %arg16[%dma_start3A_403, %dma_start3A_404, %dma_start3A_405, %dma_start3A_406] : memref<3x32x8x32xf32, #tpu.memory_space<vmem>> -> memref<1x1x8x32xf32, #tpu.memory_space<vmem>>
      %dma_start3A_408 = tpu.memref_squeeze %dma_start3A_407 : memref<1x1x8x32xf32, #tpu.memory_space<vmem>> -> memref<1x8x32xf32, #tpu.memory_space<vmem>>
      %dma_start3A_409 = arith.constant 0 : i32
      %dma_start3A_410 = arith.constant 0 : i32
      %dma_start3A_411 = tpu.memref_slice %arg7[%squeeze3A_402, %dma_start3A_409, %dma_start3A_410] : memref<125x8x32xf32, #tpu.memory_space<hbm>> -> memref<1x8x32xf32, #tpu.memory_space<hbm>>
      %dma_start3A_412 = arith.constant 17 : i32
      %dma_start3A_413 = arith.constant 0 : i32
      %dma_start3A_414 = arith.constant 0 : i32
      %dma_start3A_415 = tpu.memref_slice %arg16[%dma_start3A_403, %dma_start3A_412, %dma_start3A_413, %dma_start3A_414] : memref<3x32x8x32xf32, #tpu.memory_space<vmem>> -> memref<1x1x8x32xf32, #tpu.memory_space<vmem>>
      %dma_start3A_416 = tpu.memref_squeeze %dma_start3A_415 : memref<1x1x8x32xf32, #tpu.memory_space<vmem>> -> memref<1x8x32xf32, #tpu.memory_space<vmem>>
      %dma_start3A_417 = arith.constant 0 : i32
      %dma_start3A_418 = arith.constant 0 : i32
      %dma_start3A_419 = tpu.memref_slice %arg7[%squeeze3A_402, %dma_start3A_417, %dma_start3A_418] : memref<125x8x32xf32, #tpu.memory_space<hbm>> -> memref<1x8x32xf32, #tpu.memory_space<hbm>>
      tpu.enqueue_dma source(%dma_start3A_419 : memref<1x8x32xf32, #tpu.memory_space<hbm>>) target(%dma_start3A_416 : memref<1x8x32xf32, #tpu.memory_space<vmem>>) target_semaphore(%arg18 : memref<!tpu.dma_semaphore, #tpu.memory_space<semaphore_mem>>)
      %slice3A_420 = vector.extract_strided_slice %shift_right_logical3A_381 {offsets = [2], sizes = [1], strides = [1]} : vector<16xi32> to vector<1xi32>
      %squeeze3A_421 = vector.extract %slice3A_420[0] : i32 from vector<1xi32>
      %dma_start3A_422 = arith.constant 0 : i32
      %dma_start3A_423 = arith.constant 18 : i32
      %dma_start3A_424 = arith.constant 0 : i32
      %dma_start3A_425 = arith.constant 0 : i32
      %dma_start3A_426 = tpu.memref_slice %arg16[%dma_start3A_422, %dma_start3A_423, %dma_start3A_424, %dma_start3A_425] : memref<3x32x8x32xf32, #tpu.memory_space<vmem>> -> memref<1x1x8x32xf32, #tpu.memory_space<vmem>>
      %dma_start3A_427 = tpu.memref_squeeze %dma_start3A_426 : memref<1x1x8x32xf32, #tpu.memory_space<vmem>> -> memref<1x8x32xf32, #tpu.memory_space<vmem>>
      %dma_start3A_428 = arith.constant 0 : i32
      %dma_start3A_429 = arith.constant 0 : i32
      %dma_start3A_430 = tpu.memref_slice %arg7[%squeeze3A_421, %dma_start3A_428, %dma_start3A_429] : memref<125x8x32xf32, #tpu.memory_space<hbm>> -> memref<1x8x32xf32, #tpu.memory_space<hbm>>
      %dma_start3A_431 = arith.constant 18 : i32
      %dma_start3A_432 = arith.constant 0 : i32
      %dma_start3A_433 = arith.constant 0 : i32
      %dma_start3A_434 = tpu.memref_slice %arg16[%dma_start3A_422, %dma_start3A_431, %dma_start3A_432, %dma_start3A_433] : memref<3x32x8x32xf32, #tpu.memory_space<vmem>> -> memref<1x1x8x32xf32, #tpu.memory_space<vmem>>
      %dma_start3A_435 = tpu.memref_squeeze %dma_start3A_434 : memref<1x1x8x32xf32, #tpu.memory_space<vmem>> -> memref<1x8x32xf32, #tpu.memory_space<vmem>>
      %dma_start3A_436 = arith.constant 0 : i32
      %dma_start3A_437 = arith.constant 0 : i32
      %dma_start3A_438 = tpu.memref_slice %arg7[%squeeze3A_421, %dma_start3A_436, %dma_start3A_437] : memref<125x8x32xf32, #tpu.memory_space<hbm>> -> memref<1x8x32xf32, #tpu.memory_space<hbm>>
      tpu.enqueue_dma source(%dma_start3A_438 : memref<1x8x32xf32, #tpu.memory_space<hbm>>) target(%dma_start3A_435 : memref<1x8x32xf32, #tpu.memory_space<vmem>>) target_semaphore(%arg18 : memref<!tpu.dma_semaphore, #tpu.memory_space<semaphore_mem>>)
      %slice3A_439 = vector.extract_strided_slice %shift_right_logical3A_381 {offsets = [3], sizes = [1], strides = [1]} : vector<16xi32> to vector<1xi32>
      %squeeze3A_440 = vector.extract %slice3A_439[0] : i32 from vector<1xi32>
      %dma_start3A_441 = arith.constant 0 : i32
      %dma_start3A_442 = arith.constant 19 : i32
      %dma_start3A_443 = arith.constant 0 : i32
      %dma_start3A_444 = arith.constant 0 : i32
      %dma_start3A_445 = tpu.memref_slice %arg16[%dma_start3A_441, %dma_start3A_442, %dma_start3A_443, %dma_start3A_444] : memref<3x32x8x32xf32, #tpu.memory_space<vmem>> -> memref<1x1x8x32xf32, #tpu.memory_space<vmem>>
      %dma_start3A_446 = tpu.memref_squeeze %dma_start3A_445 : memref<1x1x8x32xf32, #tpu.memory_space<vmem>> -> memref<1x8x32xf32, #tpu.memory_space<vmem>>
      %dma_start3A_447 = arith.constant 0 : i32
      %dma_start3A_448 = arith.constant 0 : i32
      %dma_start3A_449 = tpu.memref_slice %arg7[%squeeze3A_440, %dma_start3A_447, %dma_start3A_448] : memref<125x8x32xf32, #tpu.memory_space<hbm>> -> memref<1x8x32xf32, #tpu.memory_space<hbm>>
      %dma_start3A_450 = arith.constant 19 : i32
      %dma_start3A_451 = arith.constant 0 : i32
      %dma_start3A_452 = arith.constant 0 : i32
      %dma_start3A_453 = tpu.memref_slice %arg16[%dma_start3A_441, %dma_start3A_450, %dma_start3A_451, %dma_start3A_452] : memref<3x32x8x32xf32, #tpu.memory_space<vmem>> -> memref<1x1x8x32xf32, #tpu.memory_space<vmem>>
      %dma_start3A_454 = tpu.memref_squeeze %dma_start3A_453 : memref<1x1x8x32xf32, #tpu.memory_space<vmem>> -> memref<1x8x32xf32, #tpu.memory_space<vmem>>
      %dma_start3A_455 = arith.constant 0 : i32
      %dma_start3A_456 = arith.constant 0 : i32
      %dma_start3A_457 = tpu.memref_slice %arg7[%squeeze3A_440, %dma_start3A_455, %dma_start3A_456] : memref<125x8x32xf32, #tpu.memory_space<hbm>> -> memref<1x8x32xf32, #tpu.memory_space<hbm>>
      tpu.enqueue_dma source(%dma_start3A_457 : memref<1x8x32xf32, #tpu.memory_space<hbm>>) target(%dma_start3A_454 : memref<1x8x32xf32, #tpu.memory_space<vmem>>) target_semaphore(%arg18 : memref<!tpu.dma_semaphore, #tpu.memory_space<semaphore_mem>>)
      %slice3A_458 = vector.extract_strided_slice %shift_right_logical3A_381 {offsets = [4], sizes = [1], strides = [1]} : vector<16xi32> to vector<1xi32>
      %squeeze3A_459 = vector.extract %slice3A_458[0] : i32 from vector<1xi32>
      %dma_start3A_460 = arith.constant 0 : i32
      %dma_start3A_461 = arith.constant 20 : i32
      %dma_start3A_462 = arith.constant 0 : i32
      %dma_start3A_463 = arith.constant 0 : i32
      %dma_start3A_464 = tpu.memref_slice %arg16[%dma_start3A_460, %dma_start3A_461, %dma_start3A_462, %dma_start3A_463] : memref<3x32x8x32xf32, #tpu.memory_space<vmem>> -> memref<1x1x8x32xf32, #tpu.memory_space<vmem>>
      %dma_start3A_465 = tpu.memref_squeeze %dma_start3A_464 : memref<1x1x8x32xf32, #tpu.memory_space<vmem>> -> memref<1x8x32xf32, #tpu.memory_space<vmem>>
      %dma_start3A_466 = arith.constant 0 : i32
      %dma_start3A_467 = arith.constant 0 : i32
      %dma_start3A_468 = tpu.memref_slice %arg7[%squeeze3A_459, %dma_start3A_466, %dma_start3A_467] : memref<125x8x32xf32, #tpu.memory_space<hbm>> -> memref<1x8x32xf32, #tpu.memory_space<hbm>>
      %dma_start3A_469 = arith.constant 20 : i32
      %dma_start3A_470 = arith.constant 0 : i32
      %dma_start3A_471 = arith.constant 0 : i32
      %dma_start3A_472 = tpu.memref_slice %arg16[%dma_start3A_460, %dma_start3A_469, %dma_start3A_470, %dma_start3A_471] : memref<3x32x8x32xf32, #tpu.memory_space<vmem>> -> memref<1x1x8x32xf32, #tpu.memory_space<vmem>>
      %dma_start3A_473 = tpu.memref_squeeze %dma_start3A_472 : memref<1x1x8x32xf32, #tpu.memory_space<vmem>> -> memref<1x8x32xf32, #tpu.memory_space<vmem>>
      %dma_start3A_474 = arith.constant 0 : i32
      %dma_start3A_475 = arith.constant 0 : i32
      %dma_start3A_476 = tpu.memref_slice %arg7[%squeeze3A_459, %dma_start3A_474, %dma_start3A_475] : memref<125x8x32xf32, #tpu.memory_space<hbm>> -> memref<1x8x32xf32, #tpu.memory_space<hbm>>
      tpu.enqueue_dma source(%dma_start3A_476 : memref<1x8x32xf32, #tpu.memory_space<hbm>>) target(%dma_start3A_473 : memref<1x8x32xf32, #tpu.memory_space<vmem>>) target_semaphore(%arg18 : memref<!tpu.dma_semaphore, #tpu.memory_space<semaphore_mem>>)
      %slice3A_477 = vector.extract_strided_slice %shift_right_logical3A_381 {offsets = [5], sizes = [1], strides = [1]} : vector<16xi32> to vector<1xi32>
      %squeeze3A_478 = vector.extract %slice3A_477[0] : i32 from vector<1xi32>
      %dma_start3A_479 = arith.constant 0 : i32
      %dma_start3A_480 = arith.constant 21 : i32
      %dma_start3A_481 = arith.constant 0 : i32
      %dma_start3A_482 = arith.constant 0 : i32
      %dma_start3A_483 = tpu.memref_slice %arg16[%dma_start3A_479, %dma_start3A_480, %dma_start3A_481, %dma_start3A_482] : memref<3x32x8x32xf32, #tpu.memory_space<vmem>> -> memref<1x1x8x32xf32, #tpu.memory_space<vmem>>
      %dma_start3A_484 = tpu.memref_squeeze %dma_start3A_483 : memref<1x1x8x32xf32, #tpu.memory_space<vmem>> -> memref<1x8x32xf32, #tpu.memory_space<vmem>>
      %dma_start3A_485 = arith.constant 0 : i32
      %dma_start3A_486 = arith.constant 0 : i32
      %dma_start3A_487 = tpu.memref_slice %arg7[%squeeze3A_478, %dma_start3A_485, %dma_start3A_486] : memref<125x8x32xf32, #tpu.memory_space<hbm>> -> memref<1x8x32xf32, #tpu.memory_space<hbm>>
      %dma_start3A_488 = arith.constant 21 : i32
      %dma_start3A_489 = arith.constant 0 : i32
      %dma_start3A_490 = arith.constant 0 : i32
      %dma_start3A_491 = tpu.memref_slice %arg16[%dma_start3A_479, %dma_start3A_488, %dma_start3A_489, %dma_start3A_490] : memref<3x32x8x32xf32, #tpu.memory_space<vmem>> -> memref<1x1x8x32xf32, #tpu.memory_space<vmem>>
      %dma_start3A_492 = tpu.memref_squeeze %dma_start3A_491 : memref<1x1x8x32xf32, #tpu.memory_space<vmem>> -> memref<1x8x32xf32, #tpu.memory_space<vmem>>
      %dma_start3A_493 = arith.constant 0 : i32
      %dma_start3A_494 = arith.constant 0 : i32
      %dma_start3A_495 = tpu.memref_slice %arg7[%squeeze3A_478, %dma_start3A_493, %dma_start3A_494] : memref<125x8x32xf32, #tpu.memory_space<hbm>> -> memref<1x8x32xf32, #tpu.memory_space<hbm>>
      tpu.enqueue_dma source(%dma_start3A_495 : memref<1x8x32xf32, #tpu.memory_space<hbm>>) target(%dma_start3A_492 : memref<1x8x32xf32, #tpu.memory_space<vmem>>) target_semaphore(%arg18 : memref<!tpu.dma_semaphore, #tpu.memory_space<semaphore_mem>>)
      %slice3A_496 = vector.extract_strided_slice %shift_right_logical3A_381 {offsets = [6], sizes = [1], strides = [1]} : vector<16xi32> to vector<1xi32>
      %squeeze3A_497 = vector.extract %slice3A_496[0] : i32 from vector<1xi32>
      %dma_start3A_498 = arith.constant 0 : i32
      %dma_start3A_499 = arith.constant 22 : i32
      %dma_start3A_500 = arith.constant 0 : i32
      %dma_start3A_501 = arith.constant 0 : i32
      %dma_start3A_502 = tpu.memref_slice %arg16[%dma_start3A_498, %dma_start3A_499, %dma_start3A_500, %dma_start3A_501] : memref<3x32x8x32xf32, #tpu.memory_space<vmem>> -> memref<1x1x8x32xf32, #tpu.memory_space<vmem>>
      %dma_start3A_503 = tpu.memref_squeeze %dma_start3A_502 : memref<1x1x8x32xf32, #tpu.memory_space<vmem>> -> memref<1x8x32xf32, #tpu.memory_space<vmem>>
      %dma_start3A_504 = arith.constant 0 : i32
      %dma_start3A_505 = arith.constant 0 : i32
      %dma_start3A_506 = tpu.memref_slice %arg7[%squeeze3A_497, %dma_start3A_504, %dma_start3A_505] : memref<125x8x32xf32, #tpu.memory_space<hbm>> -> memref<1x8x32xf32, #tpu.memory_space<hbm>>
      %dma_start3A_507 = arith.constant 22 : i32
      %dma_start3A_508 = arith.constant 0 : i32
      %dma_start3A_509 = arith.constant 0 : i32
      %dma_start3A_510 = tpu.memref_slice %arg16[%dma_start3A_498, %dma_start3A_507, %dma_start3A_508, %dma_start3A_509] : memref<3x32x8x32xf32, #tpu.memory_space<vmem>> -> memref<1x1x8x32xf32, #tpu.memory_space<vmem>>
      %dma_start3A_511 = tpu.memref_squeeze %dma_start3A_510 : memref<1x1x8x32xf32, #tpu.memory_space<vmem>> -> memref<1x8x32xf32, #tpu.memory_space<vmem>>
      %dma_start3A_512 = arith.constant 0 : i32
      %dma_start3A_513 = arith.constant 0 : i32
      %dma_start3A_514 = tpu.memref_slice %arg7[%squeeze3A_497, %dma_start3A_512, %dma_start3A_513] : memref<125x8x32xf32, #tpu.memory_space<hbm>> -> memref<1x8x32xf32, #tpu.memory_space<hbm>>
      tpu.enqueue_dma source(%dma_start3A_514 : memref<1x8x32xf32, #tpu.memory_space<hbm>>) target(%dma_start3A_511 : memref<1x8x32xf32, #tpu.memory_space<vmem>>) target_semaphore(%arg18 : memref<!tpu.dma_semaphore, #tpu.memory_space<semaphore_mem>>)
      %slice3A_515 = vector.extract_strided_slice %shift_right_logical3A_381 {offsets = [7], sizes = [1], strides = [1]} : vector<16xi32> to vector<1xi32>
      %squeeze3A_516 = vector.extract %slice3A_515[0] : i32 from vector<1xi32>
      %dma_start3A_517 = arith.constant 0 : i32
      %dma_start3A_518 = arith.constant 23 : i32
      %dma_start3A_519 = arith.constant 0 : i32
      %dma_start3A_520 = arith.constant 0 : i32
      %dma_start3A_521 = tpu.memref_slice %arg16[%dma_start3A_517, %dma_start3A_518, %dma_start3A_519, %dma_start3A_520] : memref<3x32x8x32xf32, #tpu.memory_space<vmem>> -> memref<1x1x8x32xf32, #tpu.memory_space<vmem>>
      %dma_start3A_522 = tpu.memref_squeeze %dma_start3A_521 : memref<1x1x8x32xf32, #tpu.memory_space<vmem>> -> memref<1x8x32xf32, #tpu.memory_space<vmem>>
      %dma_start3A_523 = arith.constant 0 : i32
      %dma_start3A_524 = arith.constant 0 : i32
      %dma_start3A_525 = tpu.memref_slice %arg7[%squeeze3A_516, %dma_start3A_523, %dma_start3A_524] : memref<125x8x32xf32, #tpu.memory_space<hbm>> -> memref<1x8x32xf32, #tpu.memory_space<hbm>>
      %dma_start3A_526 = arith.constant 23 : i32
      %dma_start3A_527 = arith.constant 0 : i32
      %dma_start3A_528 = arith.constant 0 : i32
      %dma_start3A_529 = tpu.memref_slice %arg16[%dma_start3A_517, %dma_start3A_526, %dma_start3A_527, %dma_start3A_528] : memref<3x32x8x32xf32, #tpu.memory_space<vmem>> -> memref<1x1x8x32xf32, #tpu.memory_space<vmem>>
      %dma_start3A_530 = tpu.memref_squeeze %dma_start3A_529 : memref<1x1x8x32xf32, #tpu.memory_space<vmem>> -> memref<1x8x32xf32, #tpu.memory_space<vmem>>
      %dma_start3A_531 = arith.constant 0 : i32
      %dma_start3A_532 = arith.constant 0 : i32
      %dma_start3A_533 = tpu.memref_slice %arg7[%squeeze3A_516, %dma_start3A_531, %dma_start3A_532] : memref<125x8x32xf32, #tpu.memory_space<hbm>> -> memref<1x8x32xf32, #tpu.memory_space<hbm>>
      tpu.enqueue_dma source(%dma_start3A_533 : memref<1x8x32xf32, #tpu.memory_space<hbm>>) target(%dma_start3A_530 : memref<1x8x32xf32, #tpu.memory_space<vmem>>) target_semaphore(%arg18 : memref<!tpu.dma_semaphore, #tpu.memory_space<semaphore_mem>>)
      %slice3A_534 = vector.extract_strided_slice %shift_right_logical3A_381 {offsets = [8], sizes = [1], strides = [1]} : vector<16xi32> to vector<1xi32>
      %squeeze3A_535 = vector.extract %slice3A_534[0] : i32 from vector<1xi32>
      %dma_start3A_536 = arith.constant 0 : i32
      %dma_start3A_537 = arith.constant 24 : i32
      %dma_start3A_538 = arith.constant 0 : i32
      %dma_start3A_539 = arith.constant 0 : i32
      %dma_start3A_540 = tpu.memref_slice %arg16[%dma_start3A_536, %dma_start3A_537, %dma_start3A_538, %dma_start3A_539] : memref<3x32x8x32xf32, #tpu.memory_space<vmem>> -> memref<1x1x8x32xf32, #tpu.memory_space<vmem>>
      %dma_start3A_541 = tpu.memref_squeeze %dma_start3A_540 : memref<1x1x8x32xf32, #tpu.memory_space<vmem>> -> memref<1x8x32xf32, #tpu.memory_space<vmem>>
      %dma_start3A_542 = arith.constant 0 : i32
      %dma_start3A_543 = arith.constant 0 : i32
      %dma_start3A_544 = tpu.memref_slice %arg7[%squeeze3A_535, %dma_start3A_542, %dma_start3A_543] : memref<125x8x32xf32, #tpu.memory_space<hbm>> -> memref<1x8x32xf32, #tpu.memory_space<hbm>>
      %dma_start3A_545 = arith.constant 24 : i32
      %dma_start3A_546 = arith.constant 0 : i32
      %dma_start3A_547 = arith.constant 0 : i32
      %dma_start3A_548 = tpu.memref_slice %arg16[%dma_start3A_536, %dma_start3A_545, %dma_start3A_546, %dma_start3A_547] : memref<3x32x8x32xf32, #tpu.memory_space<vmem>> -> memref<1x1x8x32xf32, #tpu.memory_space<vmem>>
      %dma_start3A_549 = tpu.memref_squeeze %dma_start3A_548 : memref<1x1x8x32xf32, #tpu.memory_space<vmem>> -> memref<1x8x32xf32, #tpu.memory_space<vmem>>
      %dma_start3A_550 = arith.constant 0 : i32
      %dma_start3A_551 = arith.constant 0 : i32
      %dma_start3A_552 = tpu.memref_slice %arg7[%squeeze3A_535, %dma_start3A_550, %dma_start3A_551] : memref<125x8x32xf32, #tpu.memory_space<hbm>> -> memref<1x8x32xf32, #tpu.memory_space<hbm>>
      tpu.enqueue_dma source(%dma_start3A_552 : memref<1x8x32xf32, #tpu.memory_space<hbm>>) target(%dma_start3A_549 : memref<1x8x32xf32, #tpu.memory_space<vmem>>) target_semaphore(%arg18 : memref<!tpu.dma_semaphore, #tpu.memory_space<semaphore_mem>>)
      %slice3A_553 = vector.extract_strided_slice %shift_right_logical3A_381 {offsets = [9], sizes = [1], strides = [1]} : vector<16xi32> to vector<1xi32>
      %squeeze3A_554 = vector.extract %slice3A_553[0] : i32 from vector<1xi32>
      %dma_start3A_555 = arith.constant 0 : i32
      %dma_start3A_556 = arith.constant 25 : i32
      %dma_start3A_557 = arith.constant 0 : i32
      %dma_start3A_558 = arith.constant 0 : i32
      %dma_start3A_559 = tpu.memref_slice %arg16[%dma_start3A_555, %dma_start3A_556, %dma_start3A_557, %dma_start3A_558] : memref<3x32x8x32xf32, #tpu.memory_space<vmem>> -> memref<1x1x8x32xf32, #tpu.memory_space<vmem>>
      %dma_start3A_560 = tpu.memref_squeeze %dma_start3A_559 : memref<1x1x8x32xf32, #tpu.memory_space<vmem>> -> memref<1x8x32xf32, #tpu.memory_space<vmem>>
      %dma_start3A_561 = arith.constant 0 : i32
      %dma_start3A_562 = arith.constant 0 : i32
      %dma_start3A_563 = tpu.memref_slice %arg7[%squeeze3A_554, %dma_start3A_561, %dma_start3A_562] : memref<125x8x32xf32, #tpu.memory_space<hbm>> -> memref<1x8x32xf32, #tpu.memory_space<hbm>>
      %dma_start3A_564 = arith.constant 25 : i32
      %dma_start3A_565 = arith.constant 0 : i32
      %dma_start3A_566 = arith.constant 0 : i32
      %dma_start3A_567 = tpu.memref_slice %arg16[%dma_start3A_555, %dma_start3A_564, %dma_start3A_565, %dma_start3A_566] : memref<3x32x8x32xf32, #tpu.memory_space<vmem>> -> memref<1x1x8x32xf32, #tpu.memory_space<vmem>>
      %dma_start3A_568 = tpu.memref_squeeze %dma_start3A_567 : memref<1x1x8x32xf32, #tpu.memory_space<vmem>> -> memref<1x8x32xf32, #tpu.memory_space<vmem>>
      %dma_start3A_569 = arith.constant 0 : i32
      %dma_start3A_570 = arith.constant 0 : i32
      %dma_start3A_571 = tpu.memref_slice %arg7[%squeeze3A_554, %dma_start3A_569, %dma_start3A_570] : memref<125x8x32xf32, #tpu.memory_space<hbm>> -> memref<1x8x32xf32, #tpu.memory_space<hbm>>
      tpu.enqueue_dma source(%dma_start3A_571 : memref<1x8x32xf32, #tpu.memory_space<hbm>>) target(%dma_start3A_568 : memref<1x8x32xf32, #tpu.memory_space<vmem>>) target_semaphore(%arg18 : memref<!tpu.dma_semaphore, #tpu.memory_space<semaphore_mem>>)
      %slice3A_572 = vector.extract_strided_slice %shift_right_logical3A_381 {offsets = [10], sizes = [1], strides = [1]} : vector<16xi32> to vector<1xi32>
      %squeeze3A_573 = vector.extract %slice3A_572[0] : i32 from vector<1xi32>
      %dma_start3A_574 = arith.constant 0 : i32
      %dma_start3A_575 = arith.constant 26 : i32
      %dma_start3A_576 = arith.constant 0 : i32
      %dma_start3A_577 = arith.constant 0 : i32
      %dma_start3A_578 = tpu.memref_slice %arg16[%dma_start3A_574, %dma_start3A_575, %dma_start3A_576, %dma_start3A_577] : memref<3x32x8x32xf32, #tpu.memory_space<vmem>> -> memref<1x1x8x32xf32, #tpu.memory_space<vmem>>
      %dma_start3A_579 = tpu.memref_squeeze %dma_start3A_578 : memref<1x1x8x32xf32, #tpu.memory_space<vmem>> -> memref<1x8x32xf32, #tpu.memory_space<vmem>>
      %dma_start3A_580 = arith.constant 0 : i32
      %dma_start3A_581 = arith.constant 0 : i32
      %dma_start3A_582 = tpu.memref_slice %arg7[%squeeze3A_573, %dma_start3A_580, %dma_start3A_581] : memref<125x8x32xf32, #tpu.memory_space<hbm>> -> memref<1x8x32xf32, #tpu.memory_space<hbm>>
      %dma_start3A_583 = arith.constant 26 : i32
      %dma_start3A_584 = arith.constant 0 : i32
      %dma_start3A_585 = arith.constant 0 : i32
      %dma_start3A_586 = tpu.memref_slice %arg16[%dma_start3A_574, %dma_start3A_583, %dma_start3A_584, %dma_start3A_585] : memref<3x32x8x32xf32, #tpu.memory_space<vmem>> -> memref<1x1x8x32xf32, #tpu.memory_space<vmem>>
      %dma_start3A_587 = tpu.memref_squeeze %dma_start3A_586 : memref<1x1x8x32xf32, #tpu.memory_space<vmem>> -> memref<1x8x32xf32, #tpu.memory_space<vmem>>
      %dma_start3A_588 = arith.constant 0 : i32
      %dma_start3A_589 = arith.constant 0 : i32
      %dma_start3A_590 = tpu.memref_slice %arg7[%squeeze3A_573, %dma_start3A_588, %dma_start3A_589] : memref<125x8x32xf32, #tpu.memory_space<hbm>> -> memref<1x8x32xf32, #tpu.memory_space<hbm>>
      tpu.enqueue_dma source(%dma_start3A_590 : memref<1x8x32xf32, #tpu.memory_space<hbm>>) target(%dma_start3A_587 : memref<1x8x32xf32, #tpu.memory_space<vmem>>) target_semaphore(%arg18 : memref<!tpu.dma_semaphore, #tpu.memory_space<semaphore_mem>>)
      %slice3A_591 = vector.extract_strided_slice %shift_right_logical3A_381 {offsets = [11], sizes = [1], strides = [1]} : vector<16xi32> to vector<1xi32>
      %squeeze3A_592 = vector.extract %slice3A_591[0] : i32 from vector<1xi32>
      %dma_start3A_593 = arith.constant 0 : i32
      %dma_start3A_594 = arith.constant 27 : i32
      %dma_start3A_595 = arith.constant 0 : i32
      %dma_start3A_596 = arith.constant 0 : i32
      %dma_start3A_597 = tpu.memref_slice %arg16[%dma_start3A_593, %dma_start3A_594, %dma_start3A_595, %dma_start3A_596] : memref<3x32x8x32xf32, #tpu.memory_space<vmem>> -> memref<1x1x8x32xf32, #tpu.memory_space<vmem>>
      %dma_start3A_598 = tpu.memref_squeeze %dma_start3A_597 : memref<1x1x8x32xf32, #tpu.memory_space<vmem>> -> memref<1x8x32xf32, #tpu.memory_space<vmem>>
      %dma_start3A_599 = arith.constant 0 : i32
      %dma_start3A_600 = arith.constant 0 : i32
      %dma_start3A_601 = tpu.memref_slice %arg7[%squeeze3A_592, %dma_start3A_599, %dma_start3A_600] : memref<125x8x32xf32, #tpu.memory_space<hbm>> -> memref<1x8x32xf32, #tpu.memory_space<hbm>>
      %dma_start3A_602 = arith.constant 27 : i32
      %dma_start3A_603 = arith.constant 0 : i32
      %dma_start3A_604 = arith.constant 0 : i32
      %dma_start3A_605 = tpu.memref_slice %arg16[%dma_start3A_593, %dma_start3A_602, %dma_start3A_603, %dma_start3A_604] : memref<3x32x8x32xf32, #tpu.memory_space<vmem>> -> memref<1x1x8x32xf32, #tpu.memory_space<vmem>>
      %dma_start3A_606 = tpu.memref_squeeze %dma_start3A_605 : memref<1x1x8x32xf32, #tpu.memory_space<vmem>> -> memref<1x8x32xf32, #tpu.memory_space<vmem>>
      %dma_start3A_607 = arith.constant 0 : i32
      %dma_start3A_608 = arith.constant 0 : i32
      %dma_start3A_609 = tpu.memref_slice %arg7[%squeeze3A_592, %dma_start3A_607, %dma_start3A_608] : memref<125x8x32xf32, #tpu.memory_space<hbm>> -> memref<1x8x32xf32, #tpu.memory_space<hbm>>
      tpu.enqueue_dma source(%dma_start3A_609 : memref<1x8x32xf32, #tpu.memory_space<hbm>>) target(%dma_start3A_606 : memref<1x8x32xf32, #tpu.memory_space<vmem>>) target_semaphore(%arg18 : memref<!tpu.dma_semaphore, #tpu.memory_space<semaphore_mem>>)
      %slice3A_610 = vector.extract_strided_slice %shift_right_logical3A_381 {offsets = [12], sizes = [1], strides = [1]} : vector<16xi32> to vector<1xi32>
      %squeeze3A_611 = vector.extract %slice3A_610[0] : i32 from vector<1xi32>
      %dma_start3A_612 = arith.constant 0 : i32
      %dma_start3A_613 = arith.constant 28 : i32
      %dma_start3A_614 = arith.constant 0 : i32
      %dma_start3A_615 = arith.constant 0 : i32
      %dma_start3A_616 = tpu.memref_slice %arg16[%dma_start3A_612, %dma_start3A_613, %dma_start3A_614, %dma_start3A_615] : memref<3x32x8x32xf32, #tpu.memory_space<vmem>> -> memref<1x1x8x32xf32, #tpu.memory_space<vmem>>
      %dma_start3A_617 = tpu.memref_squeeze %dma_start3A_616 : memref<1x1x8x32xf32, #tpu.memory_space<vmem>> -> memref<1x8x32xf32, #tpu.memory_space<vmem>>
      %dma_start3A_618 = arith.constant 0 : i32
      %dma_start3A_619 = arith.constant 0 : i32
      %dma_start3A_620 = tpu.memref_slice %arg7[%squeeze3A_611, %dma_start3A_618, %dma_start3A_619] : memref<125x8x32xf32, #tpu.memory_space<hbm>> -> memref<1x8x32xf32, #tpu.memory_space<hbm>>
      %dma_start3A_621 = arith.constant 28 : i32
      %dma_start3A_622 = arith.constant 0 : i32
      %dma_start3A_623 = arith.constant 0 : i32
      %dma_start3A_624 = tpu.memref_slice %arg16[%dma_start3A_612, %dma_start3A_621, %dma_start3A_622, %dma_start3A_623] : memref<3x32x8x32xf32, #tpu.memory_space<vmem>> -> memref<1x1x8x32xf32, #tpu.memory_space<vmem>>
      %dma_start3A_625 = tpu.memref_squeeze %dma_start3A_624 : memref<1x1x8x32xf32, #tpu.memory_space<vmem>> -> memref<1x8x32xf32, #tpu.memory_space<vmem>>
      %dma_start3A_626 = arith.constant 0 : i32
      %dma_start3A_627 = arith.constant 0 : i32
      %dma_start3A_628 = tpu.memref_slice %arg7[%squeeze3A_611, %dma_start3A_626, %dma_start3A_627] : memref<125x8x32xf32, #tpu.memory_space<hbm>> -> memref<1x8x32xf32, #tpu.memory_space<hbm>>
      tpu.enqueue_dma source(%dma_start3A_628 : memref<1x8x32xf32, #tpu.memory_space<hbm>>) target(%dma_start3A_625 : memref<1x8x32xf32, #tpu.memory_space<vmem>>) target_semaphore(%arg18 : memref<!tpu.dma_semaphore, #tpu.memory_space<semaphore_mem>>)
      %slice3A_629 = vector.extract_strided_slice %shift_right_logical3A_381 {offsets = [13], sizes = [1], strides = [1]} : vector<16xi32> to vector<1xi32>
      %squeeze3A_630 = vector.extract %slice3A_629[0] : i32 from vector<1xi32>
      %dma_start3A_631 = arith.constant 0 : i32
      %dma_start3A_632 = arith.constant 29 : i32
      %dma_start3A_633 = arith.constant 0 : i32
      %dma_start3A_634 = arith.constant 0 : i32
      %dma_start3A_635 = tpu.memref_slice %arg16[%dma_start3A_631, %dma_start3A_632, %dma_start3A_633, %dma_start3A_634] : memref<3x32x8x32xf32, #tpu.memory_space<vmem>> -> memref<1x1x8x32xf32, #tpu.memory_space<vmem>>
      %dma_start3A_636 = tpu.memref_squeeze %dma_start3A_635 : memref<1x1x8x32xf32, #tpu.memory_space<vmem>> -> memref<1x8x32xf32, #tpu.memory_space<vmem>>
      %dma_start3A_637 = arith.constant 0 : i32
      %dma_start3A_638 = arith.constant 0 : i32
      %dma_start3A_639 = tpu.memref_slice %arg7[%squeeze3A_630, %dma_start3A_637, %dma_start3A_638] : memref<125x8x32xf32, #tpu.memory_space<hbm>> -> memref<1x8x32xf32, #tpu.memory_space<hbm>>
      %dma_start3A_640 = arith.constant 29 : i32
      %dma_start3A_641 = arith.constant 0 : i32
      %dma_start3A_642 = arith.constant 0 : i32
      %dma_start3A_643 = tpu.memref_slice %arg16[%dma_start3A_631, %dma_start3A_640, %dma_start3A_641, %dma_start3A_642] : memref<3x32x8x32xf32, #tpu.memory_space<vmem>> -> memref<1x1x8x32xf32, #tpu.memory_space<vmem>>
      %dma_start3A_644 = tpu.memref_squeeze %dma_start3A_643 : memref<1x1x8x32xf32, #tpu.memory_space<vmem>> -> memref<1x8x32xf32, #tpu.memory_space<vmem>>
      %dma_start3A_645 = arith.constant 0 : i32
      %dma_start3A_646 = arith.constant 0 : i32
      %dma_start3A_647 = tpu.memref_slice %arg7[%squeeze3A_630, %dma_start3A_645, %dma_start3A_646] : memref<125x8x32xf32, #tpu.memory_space<hbm>> -> memref<1x8x32xf32, #tpu.memory_space<hbm>>
      tpu.enqueue_dma source(%dma_start3A_647 : memref<1x8x32xf32, #tpu.memory_space<hbm>>) target(%dma_start3A_644 : memref<1x8x32xf32, #tpu.memory_space<vmem>>) target_semaphore(%arg18 : memref<!tpu.dma_semaphore, #tpu.memory_space<semaphore_mem>>)
      %slice3A_648 = vector.extract_strided_slice %shift_right_logical3A_381 {offsets = [14], sizes = [1], strides = [1]} : vector<16xi32> to vector<1xi32>
      %squeeze3A_649 = vector.extract %slice3A_648[0] : i32 from vector<1xi32>
      %dma_start3A_650 = arith.constant 0 : i32
      %dma_start3A_651 = arith.constant 30 : i32
      %dma_start3A_652 = arith.constant 0 : i32
      %dma_start3A_653 = arith.constant 0 : i32
      %dma_start3A_654 = tpu.memref_slice %arg16[%dma_start3A_650, %dma_start3A_651, %dma_start3A_652, %dma_start3A_653] : memref<3x32x8x32xf32, #tpu.memory_space<vmem>> -> memref<1x1x8x32xf32, #tpu.memory_space<vmem>>
      %dma_start3A_655 = tpu.memref_squeeze %dma_start3A_654 : memref<1x1x8x32xf32, #tpu.memory_space<vmem>> -> memref<1x8x32xf32, #tpu.memory_space<vmem>>
      %dma_start3A_656 = arith.constant 0 : i32
      %dma_start3A_657 = arith.constant 0 : i32
      %dma_start3A_658 = tpu.memref_slice %arg7[%squeeze3A_649, %dma_start3A_656, %dma_start3A_657] : memref<125x8x32xf32, #tpu.memory_space<hbm>> -> memref<1x8x32xf32, #tpu.memory_space<hbm>>
      %dma_start3A_659 = arith.constant 30 : i32
      %dma_start3A_660 = arith.constant 0 : i32
      %dma_start3A_661 = arith.constant 0 : i32
      %dma_start3A_662 = tpu.memref_slice %arg16[%dma_start3A_650, %dma_start3A_659, %dma_start3A_660, %dma_start3A_661] : memref<3x32x8x32xf32, #tpu.memory_space<vmem>> -> memref<1x1x8x32xf32, #tpu.memory_space<vmem>>
      %dma_start3A_663 = tpu.memref_squeeze %dma_start3A_662 : memref<1x1x8x32xf32, #tpu.memory_space<vmem>> -> memref<1x8x32xf32, #tpu.memory_space<vmem>>
      %dma_start3A_664 = arith.constant 0 : i32
      %dma_start3A_665 = arith.constant 0 : i32
      %dma_start3A_666 = tpu.memref_slice %arg7[%squeeze3A_649, %dma_start3A_664, %dma_start3A_665] : memref<125x8x32xf32, #tpu.memory_space<hbm>> -> memref<1x8x32xf32, #tpu.memory_space<hbm>>
      tpu.enqueue_dma source(%dma_start3A_666 : memref<1x8x32xf32, #tpu.memory_space<hbm>>) target(%dma_start3A_663 : memref<1x8x32xf32, #tpu.memory_space<vmem>>) target_semaphore(%arg18 : memref<!tpu.dma_semaphore, #tpu.memory_space<semaphore_mem>>)
      %slice3A_667 = vector.extract_strided_slice %shift_right_logical3A_381 {offsets = [15], sizes = [1], strides = [1]} : vector<16xi32> to vector<1xi32>
      %squeeze3A_668 = vector.extract %slice3A_667[0] : i32 from vector<1xi32>
      %dma_start3A_669 = arith.constant 0 : i32
      %dma_start3A_670 = arith.constant 31 : i32
      %dma_start3A_671 = arith.constant 0 : i32
      %dma_start3A_672 = arith.constant 0 : i32
      %dma_start3A_673 = tpu.memref_slice %arg16[%dma_start3A_669, %dma_start3A_670, %dma_start3A_671, %dma_start3A_672] : memref<3x32x8x32xf32, #tpu.memory_space<vmem>> -> memref<1x1x8x32xf32, #tpu.memory_space<vmem>>
      %dma_start3A_674 = tpu.memref_squeeze %dma_start3A_673 : memref<1x1x8x32xf32, #tpu.memory_space<vmem>> -> memref<1x8x32xf32, #tpu.memory_space<vmem>>
      %dma_start3A_675 = arith.constant 0 : i32
      %dma_start3A_676 = arith.constant 0 : i32
      %dma_start3A_677 = tpu.memref_slice %arg7[%squeeze3A_668, %dma_start3A_675, %dma_start3A_676] : memref<125x8x32xf32, #tpu.memory_space<hbm>> -> memref<1x8x32xf32, #tpu.memory_space<hbm>>
      %dma_start3A_678 = arith.constant 31 : i32
      %dma_start3A_679 = arith.constant 0 : i32
      %dma_start3A_680 = arith.constant 0 : i32
      %dma_start3A_681 = tpu.memref_slice %arg16[%dma_start3A_669, %dma_start3A_678, %dma_start3A_679, %dma_start3A_680] : memref<3x32x8x32xf32, #tpu.memory_space<vmem>> -> memref<1x1x8x32xf32, #tpu.memory_space<vmem>>
      %dma_start3A_682 = tpu.memref_squeeze %dma_start3A_681 : memref<1x1x8x32xf32, #tpu.memory_space<vmem>> -> memref<1x8x32xf32, #tpu.memory_space<vmem>>
      %dma_start3A_683 = arith.constant 0 : i32
      %dma_start3A_684 = arith.constant 0 : i32
      %dma_start3A_685 = tpu.memref_slice %arg7[%squeeze3A_668, %dma_start3A_683, %dma_start3A_684] : memref<125x8x32xf32, #tpu.memory_space<hbm>> -> memref<1x8x32xf32, #tpu.memory_space<hbm>>
      tpu.enqueue_dma source(%dma_start3A_685 : memref<1x8x32xf32, #tpu.memory_space<hbm>>) target(%dma_start3A_682 : memref<1x8x32xf32, #tpu.memory_space<vmem>>) target_semaphore(%arg18 : memref<!tpu.dma_semaphore, #tpu.memory_space<semaphore_mem>>)
      %add3A_686 = arith.constant 0 : i32
      %add3A_687 = arith.addi %mul3A_58, %add3A_686 : i32
      %get3A_688 = arith.index_cast %add3A_687 : i32 to index
      %get3A_689 = tpu.vector_load %arg12[%get3A_688] {strides = array<i32>} : memref<512xi32, #tpu.memory_space<vmem>>, vector<16xi32>,
      %shift_right_logical3A_690 = arith.constant 3 : i32
      %shift_right_logical3A_691 = vector.broadcast %shift_right_logical3A_690 : i32 to vector<16xi32>
      %shift_right_logical3A_692 = arith.shrui %get3A_689, %shift_right_logical3A_691 : vector<16xi32>
      %slice3A_693 = vector.extract_strided_slice %shift_right_logical3A_692 {offsets = [0], sizes = [1], strides = [1]} : vector<16xi32> to vector<1xi32>
      %squeeze3A_694 = vector.extract %slice3A_693[0] : i32 from vector<1xi32>
      %dma_start3A_695 = arith.constant 1 : i32
      %dma_start3A_696 = arith.constant 0 : i32
      %dma_start3A_697 = arith.constant 0 : i32
      %dma_start3A_698 = arith.constant 0 : i32
      %dma_start3A_699 = tpu.memref_slice %arg16[%dma_start3A_695, %dma_start3A_696, %dma_start3A_697, %dma_start3A_698] : memref<3x32x8x32xf32, #tpu.memory_space<vmem>> -> memref<1x1x8x32xf32, #tpu.memory_space<vmem>>
      %dma_start3A_700 = tpu.memref_squeeze %dma_start3A_699 : memref<1x1x8x32xf32, #tpu.memory_space<vmem>> -> memref<1x8x32xf32, #tpu.memory_space<vmem>>
      %dma_start3A_701 = arith.constant 0 : i32
      %dma_start3A_702 = arith.constant 0 : i32
      %dma_start3A_703 = tpu.memref_slice %arg8[%squeeze3A_694, %dma_start3A_701, %dma_start3A_702] : memref<12500x8x32xf32, #tpu.memory_space<hbm>> -> memref<1x8x32xf32, #tpu.memory_space<hbm>>
      %dma_start3A_704 = arith.constant 0 : i32
      %dma_start3A_705 = arith.constant 0 : i32
      %dma_start3A_706 = arith.constant 0 : i32
      %dma_start3A_707 = tpu.memref_slice %arg16[%dma_start3A_695, %dma_start3A_704, %dma_start3A_705, %dma_start3A_706] : memref<3x32x8x32xf32, #tpu.memory_space<vmem>> -> memref<1x1x8x32xf32, #tpu.memory_space<vmem>>
      %dma_start3A_708 = tpu.memref_squeeze %dma_start3A_707 : memref<1x1x8x32xf32, #tpu.memory_space<vmem>> -> memref<1x8x32xf32, #tpu.memory_space<vmem>>
      %dma_start3A_709 = arith.constant 0 : i32
      %dma_start3A_710 = arith.constant 0 : i32
      %dma_start3A_711 = tpu.memref_slice %arg8[%squeeze3A_694, %dma_start3A_709, %dma_start3A_710] : memref<12500x8x32xf32, #tpu.memory_space<hbm>> -> memref<1x8x32xf32, #tpu.memory_space<hbm>>
      tpu.enqueue_dma source(%dma_start3A_711 : memref<1x8x32xf32, #tpu.memory_space<hbm>>) target(%dma_start3A_708 : memref<1x8x32xf32, #tpu.memory_space<vmem>>) target_semaphore(%arg18 : memref<!tpu.dma_semaphore, #tpu.memory_space<semaphore_mem>>)
      %slice3A_712 = vector.extract_strided_slice %shift_right_logical3A_692 {offsets = [1], sizes = [1], strides = [1]} : vector<16xi32> to vector<1xi32>
      %squeeze3A_713 = vector.extract %slice3A_712[0] : i32 from vector<1xi32>
      %dma_start3A_714 = arith.constant 1 : i32
      %dma_start3A_715 = arith.constant 1 : i32
      %dma_start3A_716 = arith.constant 0 : i32
      %dma_start3A_717 = arith.constant 0 : i32
      %dma_start3A_718 = tpu.memref_slice %arg16[%dma_start3A_714, %dma_start3A_715, %dma_start3A_716, %dma_start3A_717] : memref<3x32x8x32xf32, #tpu.memory_space<vmem>> -> memref<1x1x8x32xf32, #tpu.memory_space<vmem>>
      %dma_start3A_719 = tpu.memref_squeeze %dma_start3A_718 : memref<1x1x8x32xf32, #tpu.memory_space<vmem>> -> memref<1x8x32xf32, #tpu.memory_space<vmem>>
      %dma_start3A_720 = arith.constant 0 : i32
      %dma_start3A_721 = arith.constant 0 : i32
      %dma_start3A_722 = tpu.memref_slice %arg8[%squeeze3A_713, %dma_start3A_720, %dma_start3A_721] : memref<12500x8x32xf32, #tpu.memory_space<hbm>> -> memref<1x8x32xf32, #tpu.memory_space<hbm>>
      %dma_start3A_723 = arith.constant 1 : i32
      %dma_start3A_724 = arith.constant 0 : i32
      %dma_start3A_725 = arith.constant 0 : i32
      %dma_start3A_726 = tpu.memref_slice %arg16[%dma_start3A_714, %dma_start3A_723, %dma_start3A_724, %dma_start3A_725] : memref<3x32x8x32xf32, #tpu.memory_space<vmem>> -> memref<1x1x8x32xf32, #tpu.memory_space<vmem>>
      %dma_start3A_727 = tpu.memref_squeeze %dma_start3A_726 : memref<1x1x8x32xf32, #tpu.memory_space<vmem>> -> memref<1x8x32xf32, #tpu.memory_space<vmem>>
      %dma_start3A_728 = arith.constant 0 : i32
      %dma_start3A_729 = arith.constant 0 : i32
      %dma_start3A_730 = tpu.memref_slice %arg8[%squeeze3A_713, %dma_start3A_728, %dma_start3A_729] : memref<12500x8x32xf32, #tpu.memory_space<hbm>> -> memref<1x8x32xf32, #tpu.memory_space<hbm>>
      tpu.enqueue_dma source(%dma_start3A_730 : memref<1x8x32xf32, #tpu.memory_space<hbm>>) target(%dma_start3A_727 : memref<1x8x32xf32, #tpu.memory_space<vmem>>) target_semaphore(%arg18 : memref<!tpu.dma_semaphore, #tpu.memory_space<semaphore_mem>>)
      %slice3A_731 = vector.extract_strided_slice %shift_right_logical3A_692 {offsets = [2], sizes = [1], strides = [1]} : vector<16xi32> to vector<1xi32>
      %squeeze3A_732 = vector.extract %slice3A_731[0] : i32 from vector<1xi32>
      %dma_start3A_733 = arith.constant 1 : i32
      %dma_start3A_734 = arith.constant 2 : i32
      %dma_start3A_735 = arith.constant 0 : i32
      %dma_start3A_736 = arith.constant 0 : i32
      %dma_start3A_737 = tpu.memref_slice %arg16[%dma_start3A_733, %dma_start3A_734, %dma_start3A_735, %dma_start3A_736] : memref<3x32x8x32xf32, #tpu.memory_space<vmem>> -> memref<1x1x8x32xf32, #tpu.memory_space<vmem>>
      %dma_start3A_738 = tpu.memref_squeeze %dma_start3A_737 : memref<1x1x8x32xf32, #tpu.memory_space<vmem>> -> memref<1x8x32xf32, #tpu.memory_space<vmem>>
      %dma_start3A_739 = arith.constant 0 : i32
      %dma_start3A_740 = arith.constant 0 : i32
      %dma_start3A_741 = tpu.memref_slice %arg8[%squeeze3A_732, %dma_start3A_739, %dma_start3A_740] : memref<12500x8x32xf32, #tpu.memory_space<hbm>> -> memref<1x8x32xf32, #tpu.memory_space<hbm>>
      %dma_start3A_742 = arith.constant 2 : i32
      %dma_start3A_743 = arith.constant 0 : i32
      %dma_start3A_744 = arith.constant 0 : i32
      %dma_start3A_745 = tpu.memref_slice %arg16[%dma_start3A_733, %dma_start3A_742, %dma_start3A_743, %dma_start3A_744] : memref<3x32x8x32xf32, #tpu.memory_space<vmem>> -> memref<1x1x8x32xf32, #tpu.memory_space<vmem>>
      %dma_start3A_746 = tpu.memref_squeeze %dma_start3A_745 : memref<1x1x8x32xf32, #tpu.memory_space<vmem>> -> memref<1x8x32xf32, #tpu.memory_space<vmem>>
      %dma_start3A_747 = arith.constant 0 : i32
      %dma_start3A_748 = arith.constant 0 : i32
      %dma_start3A_749 = tpu.memref_slice %arg8[%squeeze3A_732, %dma_start3A_747, %dma_start3A_748] : memref<12500x8x32xf32, #tpu.memory_space<hbm>> -> memref<1x8x32xf32, #tpu.memory_space<hbm>>
      tpu.enqueue_dma source(%dma_start3A_749 : memref<1x8x32xf32, #tpu.memory_space<hbm>>) target(%dma_start3A_746 : memref<1x8x32xf32, #tpu.memory_space<vmem>>) target_semaphore(%arg18 : memref<!tpu.dma_semaphore, #tpu.memory_space<semaphore_mem>>)
      %slice3A_750 = vector.extract_strided_slice %shift_right_logical3A_692 {offsets = [3], sizes = [1], strides = [1]} : vector<16xi32> to vector<1xi32>
      %squeeze3A_751 = vector.extract %slice3A_750[0] : i32 from vector<1xi32>
      %dma_start3A_752 = arith.constant 1 : i32
      %dma_start3A_753 = arith.constant 3 : i32
      %dma_start3A_754 = arith.constant 0 : i32
      %dma_start3A_755 = arith.constant 0 : i32
      %dma_start3A_756 = tpu.memref_slice %arg16[%dma_start3A_752, %dma_start3A_753, %dma_start3A_754, %dma_start3A_755] : memref<3x32x8x32xf32, #tpu.memory_space<vmem>> -> memref<1x1x8x32xf32, #tpu.memory_space<vmem>>
      %dma_start3A_757 = tpu.memref_squeeze %dma_start3A_756 : memref<1x1x8x32xf32, #tpu.memory_space<vmem>> -> memref<1x8x32xf32, #tpu.memory_space<vmem>>
      %dma_start3A_758 = arith.constant 0 : i32
      %dma_start3A_759 = arith.constant 0 : i32
      %dma_start3A_760 = tpu.memref_slice %arg8[%squeeze3A_751, %dma_start3A_758, %dma_start3A_759] : memref<12500x8x32xf32, #tpu.memory_space<hbm>> -> memref<1x8x32xf32, #tpu.memory_space<hbm>>
      %dma_start3A_761 = arith.constant 3 : i32
      %dma_start3A_762 = arith.constant 0 : i32
      %dma_start3A_763 = arith.constant 0 : i32
      %dma_start3A_764 = tpu.memref_slice %arg16[%dma_start3A_752, %dma_start3A_761, %dma_start3A_762, %dma_start3A_763] : memref<3x32x8x32xf32, #tpu.memory_space<vmem>> -> memref<1x1x8x32xf32, #tpu.memory_space<vmem>>
      %dma_start3A_765 = tpu.memref_squeeze %dma_start3A_764 : memref<1x1x8x32xf32, #tpu.memory_space<vmem>> -> memref<1x8x32xf32, #tpu.memory_space<vmem>>
      %dma_start3A_766 = arith.constant 0 : i32
      %dma_start3A_767 = arith.constant 0 : i32
      %dma_start3A_768 = tpu.memref_slice %arg8[%squeeze3A_751, %dma_start3A_766, %dma_start3A_767] : memref<12500x8x32xf32, #tpu.memory_space<hbm>> -> memref<1x8x32xf32, #tpu.memory_space<hbm>>
      tpu.enqueue_dma source(%dma_start3A_768 : memref<1x8x32xf32, #tpu.memory_space<hbm>>) target(%dma_start3A_765 : memref<1x8x32xf32, #tpu.memory_space<vmem>>) target_semaphore(%arg18 : memref<!tpu.dma_semaphore, #tpu.memory_space<semaphore_mem>>)
      %slice3A_769 = vector.extract_strided_slice %shift_right_logical3A_692 {offsets = [4], sizes = [1], strides = [1]} : vector<16xi32> to vector<1xi32>
      %squeeze3A_770 = vector.extract %slice3A_769[0] : i32 from vector<1xi32>
      %dma_start3A_771 = arith.constant 1 : i32
      %dma_start3A_772 = arith.constant 4 : i32
      %dma_start3A_773 = arith.constant 0 : i32
      %dma_start3A_774 = arith.constant 0 : i32
      %dma_start3A_775 = tpu.memref_slice %arg16[%dma_start3A_771, %dma_start3A_772, %dma_start3A_773, %dma_start3A_774] : memref<3x32x8x32xf32, #tpu.memory_space<vmem>> -> memref<1x1x8x32xf32, #tpu.memory_space<vmem>>
      %dma_start3A_776 = tpu.memref_squeeze %dma_start3A_775 : memref<1x1x8x32xf32, #tpu.memory_space<vmem>> -> memref<1x8x32xf32, #tpu.memory_space<vmem>>
      %dma_start3A_777 = arith.constant 0 : i32
      %dma_start3A_778 = arith.constant 0 : i32
      %dma_start3A_779 = tpu.memref_slice %arg8[%squeeze3A_770, %dma_start3A_777, %dma_start3A_778] : memref<12500x8x32xf32, #tpu.memory_space<hbm>> -> memref<1x8x32xf32, #tpu.memory_space<hbm>>
      %dma_start3A_780 = arith.constant 4 : i32
      %dma_start3A_781 = arith.constant 0 : i32
      %dma_start3A_782 = arith.constant 0 : i32
      %dma_start3A_783 = tpu.memref_slice %arg16[%dma_start3A_771, %dma_start3A_780, %dma_start3A_781, %dma_start3A_782] : memref<3x32x8x32xf32, #tpu.memory_space<vmem>> -> memref<1x1x8x32xf32, #tpu.memory_space<vmem>>
      %dma_start3A_784 = tpu.memref_squeeze %dma_start3A_783 : memref<1x1x8x32xf32, #tpu.memory_space<vmem>> -> memref<1x8x32xf32, #tpu.memory_space<vmem>>
      %dma_start3A_785 = arith.constant 0 : i32
      %dma_start3A_786 = arith.constant 0 : i32
      %dma_start3A_787 = tpu.memref_slice %arg8[%squeeze3A_770, %dma_start3A_785, %dma_start3A_786] : memref<12500x8x32xf32, #tpu.memory_space<hbm>> -> memref<1x8x32xf32, #tpu.memory_space<hbm>>
      tpu.enqueue_dma source(%dma_start3A_787 : memref<1x8x32xf32, #tpu.memory_space<hbm>>) target(%dma_start3A_784 : memref<1x8x32xf32, #tpu.memory_space<vmem>>) target_semaphore(%arg18 : memref<!tpu.dma_semaphore, #tpu.memory_space<semaphore_mem>>)
      %slice3A_788 = vector.extract_strided_slice %shift_right_logical3A_692 {offsets = [5], sizes = [1], strides = [1]} : vector<16xi32> to vector<1xi32>
      %squeeze3A_789 = vector.extract %slice3A_788[0] : i32 from vector<1xi32>
      %dma_start3A_790 = arith.constant 1 : i32
      %dma_start3A_791 = arith.constant 5 : i32
      %dma_start3A_792 = arith.constant 0 : i32
      %dma_start3A_793 = arith.constant 0 : i32
      %dma_start3A_794 = tpu.memref_slice %arg16[%dma_start3A_790, %dma_start3A_791, %dma_start3A_792, %dma_start3A_793] : memref<3x32x8x32xf32, #tpu.memory_space<vmem>> -> memref<1x1x8x32xf32, #tpu.memory_space<vmem>>
      %dma_start3A_795 = tpu.memref_squeeze %dma_start3A_794 : memref<1x1x8x32xf32, #tpu.memory_space<vmem>> -> memref<1x8x32xf32, #tpu.memory_space<vmem>>
      %dma_start3A_796 = arith.constant 0 : i32
      %dma_start3A_797 = arith.constant 0 : i32
      %dma_start3A_798 = tpu.memref_slice %arg8[%squeeze3A_789, %dma_start3A_796, %dma_start3A_797] : memref<12500x8x32xf32, #tpu.memory_space<hbm>> -> memref<1x8x32xf32, #tpu.memory_space<hbm>>
      %dma_start3A_799 = arith.constant 5 : i32
      %dma_start3A_800 = arith.constant 0 : i32
      %dma_start3A_801 = arith.constant 0 : i32
      %dma_start3A_802 = tpu.memref_slice %arg16[%dma_start3A_790, %dma_start3A_799, %dma_start3A_800, %dma_start3A_801] : memref<3x32x8x32xf32, #tpu.memory_space<vmem>> -> memref<1x1x8x32xf32, #tpu.memory_space<vmem>>
      %dma_start3A_803 = tpu.memref_squeeze %dma_start3A_802 : memref<1x1x8x32xf32, #tpu.memory_space<vmem>> -> memref<1x8x32xf32, #tpu.memory_space<vmem>>
      %dma_start3A_804 = arith.constant 0 : i32
      %dma_start3A_805 = arith.constant 0 : i32
      %dma_start3A_806 = tpu.memref_slice %arg8[%squeeze3A_789, %dma_start3A_804, %dma_start3A_805] : memref<12500x8x32xf32, #tpu.memory_space<hbm>> -> memref<1x8x32xf32, #tpu.memory_space<hbm>>
      tpu.enqueue_dma source(%dma_start3A_806 : memref<1x8x32xf32, #tpu.memory_space<hbm>>) target(%dma_start3A_803 : memref<1x8x32xf32, #tpu.memory_space<vmem>>) target_semaphore(%arg18 : memref<!tpu.dma_semaphore, #tpu.memory_space<semaphore_mem>>)
      %slice3A_807 = vector.extract_strided_slice %shift_right_logical3A_692 {offsets = [6], sizes = [1], strides = [1]} : vector<16xi32> to vector<1xi32>
      %squeeze3A_808 = vector.extract %slice3A_807[0] : i32 from vector<1xi32>
      %dma_start3A_809 = arith.constant 1 : i32
      %dma_start3A_810 = arith.constant 6 : i32
      %dma_start3A_811 = arith.constant 0 : i32
      %dma_start3A_812 = arith.constant 0 : i32
      %dma_start3A_813 = tpu.memref_slice %arg16[%dma_start3A_809, %dma_start3A_810, %dma_start3A_811, %dma_start3A_812] : memref<3x32x8x32xf32, #tpu.memory_space<vmem>> -> memref<1x1x8x32xf32, #tpu.memory_space<vmem>>
      %dma_start3A_814 = tpu.memref_squeeze %dma_start3A_813 : memref<1x1x8x32xf32, #tpu.memory_space<vmem>> -> memref<1x8x32xf32, #tpu.memory_space<vmem>>
      %dma_start3A_815 = arith.constant 0 : i32
      %dma_start3A_816 = arith.constant 0 : i32
      %dma_start3A_817 = tpu.memref_slice %arg8[%squeeze3A_808, %dma_start3A_815, %dma_start3A_816] : memref<12500x8x32xf32, #tpu.memory_space<hbm>> -> memref<1x8x32xf32, #tpu.memory_space<hbm>>
      %dma_start3A_818 = arith.constant 6 : i32
      %dma_start3A_819 = arith.constant 0 : i32
      %dma_start3A_820 = arith.constant 0 : i32
      %dma_start3A_821 = tpu.memref_slice %arg16[%dma_start3A_809, %dma_start3A_818, %dma_start3A_819, %dma_start3A_820] : memref<3x32x8x32xf32, #tpu.memory_space<vmem>> -> memref<1x1x8x32xf32, #tpu.memory_space<vmem>>
      %dma_start3A_822 = tpu.memref_squeeze %dma_start3A_821 : memref<1x1x8x32xf32, #tpu.memory_space<vmem>> -> memref<1x8x32xf32, #tpu.memory_space<vmem>>
      %dma_start3A_823 = arith.constant 0 : i32
      %dma_start3A_824 = arith.constant 0 : i32
      %dma_start3A_825 = tpu.memref_slice %arg8[%squeeze3A_808, %dma_start3A_823, %dma_start3A_824] : memref<12500x8x32xf32, #tpu.memory_space<hbm>> -> memref<1x8x32xf32, #tpu.memory_space<hbm>>
      tpu.enqueue_dma source(%dma_start3A_825 : memref<1x8x32xf32, #tpu.memory_space<hbm>>) target(%dma_start3A_822 : memref<1x8x32xf32, #tpu.memory_space<vmem>>) target_semaphore(%arg18 : memref<!tpu.dma_semaphore, #tpu.memory_space<semaphore_mem>>)
      %slice3A_826 = vector.extract_strided_slice %shift_right_logical3A_692 {offsets = [7], sizes = [1], strides = [1]} : vector<16xi32> to vector<1xi32>
      %squeeze3A_827 = vector.extract %slice3A_826[0] : i32 from vector<1xi32>
      %dma_start3A_828 = arith.constant 1 : i32
      %dma_start3A_829 = arith.constant 7 : i32
      %dma_start3A_830 = arith.constant 0 : i32
      %dma_start3A_831 = arith.constant 0 : i32
      %dma_start3A_832 = tpu.memref_slice %arg16[%dma_start3A_828, %dma_start3A_829, %dma_start3A_830, %dma_start3A_831] : memref<3x32x8x32xf32, #tpu.memory_space<vmem>> -> memref<1x1x8x32xf32, #tpu.memory_space<vmem>>
      %dma_start3A_833 = tpu.memref_squeeze %dma_start3A_832 : memref<1x1x8x32xf32, #tpu.memory_space<vmem>> -> memref<1x8x32xf32, #tpu.memory_space<vmem>>
      %dma_start3A_834 = arith.constant 0 : i32
      %dma_start3A_835 = arith.constant 0 : i32
      %dma_start3A_836 = tpu.memref_slice %arg8[%squeeze3A_827, %dma_start3A_834, %dma_start3A_835] : memref<12500x8x32xf32, #tpu.memory_space<hbm>> -> memref<1x8x32xf32, #tpu.memory_space<hbm>>
      %dma_start3A_837 = arith.constant 7 : i32
      %dma_start3A_838 = arith.constant 0 : i32
      %dma_start3A_839 = arith.constant 0 : i32
      %dma_start3A_840 = tpu.memref_slice %arg16[%dma_start3A_828, %dma_start3A_837, %dma_start3A_838, %dma_start3A_839] : memref<3x32x8x32xf32, #tpu.memory_space<vmem>> -> memref<1x1x8x32xf32, #tpu.memory_space<vmem>>
      %dma_start3A_841 = tpu.memref_squeeze %dma_start3A_840 : memref<1x1x8x32xf32, #tpu.memory_space<vmem>> -> memref<1x8x32xf32, #tpu.memory_space<vmem>>
      %dma_start3A_842 = arith.constant 0 : i32
      %dma_start3A_843 = arith.constant 0 : i32
      %dma_start3A_844 = tpu.memref_slice %arg8[%squeeze3A_827, %dma_start3A_842, %dma_start3A_843] : memref<12500x8x32xf32, #tpu.memory_space<hbm>> -> memref<1x8x32xf32, #tpu.memory_space<hbm>>
      tpu.enqueue_dma source(%dma_start3A_844 : memref<1x8x32xf32, #tpu.memory_space<hbm>>) target(%dma_start3A_841 : memref<1x8x32xf32, #tpu.memory_space<vmem>>) target_semaphore(%arg18 : memref<!tpu.dma_semaphore, #tpu.memory_space<semaphore_mem>>)
      %slice3A_845 = vector.extract_strided_slice %shift_right_logical3A_692 {offsets = [8], sizes = [1], strides = [1]} : vector<16xi32> to vector<1xi32>
      %squeeze3A_846 = vector.extract %slice3A_845[0] : i32 from vector<1xi32>
      %dma_start3A_847 = arith.constant 1 : i32
      %dma_start3A_848 = arith.constant 8 : i32
      %dma_start3A_849 = arith.constant 0 : i32
      %dma_start3A_850 = arith.constant 0 : i32
      %dma_start3A_851 = tpu.memref_slice %arg16[%dma_start3A_847, %dma_start3A_848, %dma_start3A_849, %dma_start3A_850] : memref<3x32x8x32xf32, #tpu.memory_space<vmem>> -> memref<1x1x8x32xf32, #tpu.memory_space<vmem>>
      %dma_start3A_852 = tpu.memref_squeeze %dma_start3A_851 : memref<1x1x8x32xf32, #tpu.memory_space<vmem>> -> memref<1x8x32xf32, #tpu.memory_space<vmem>>
      %dma_start3A_853 = arith.constant 0 : i32
      %dma_start3A_854 = arith.constant 0 : i32
      %dma_start3A_855 = tpu.memref_slice %arg8[%squeeze3A_846, %dma_start3A_853, %dma_start3A_854] : memref<12500x8x32xf32, #tpu.memory_space<hbm>> -> memref<1x8x32xf32, #tpu.memory_space<hbm>>
      %dma_start3A_856 = arith.constant 8 : i32
      %dma_start3A_857 = arith.constant 0 : i32
      %dma_start3A_858 = arith.constant 0 : i32
      %dma_start3A_859 = tpu.memref_slice %arg16[%dma_start3A_847, %dma_start3A_856, %dma_start3A_857, %dma_start3A_858] : memref<3x32x8x32xf32, #tpu.memory_space<vmem>> -> memref<1x1x8x32xf32, #tpu.memory_space<vmem>>
      %dma_start3A_860 = tpu.memref_squeeze %dma_start3A_859 : memref<1x1x8x32xf32, #tpu.memory_space<vmem>> -> memref<1x8x32xf32, #tpu.memory_space<vmem>>
      %dma_start3A_861 = arith.constant 0 : i32
      %dma_start3A_862 = arith.constant 0 : i32
      %dma_start3A_863 = tpu.memref_slice %arg8[%squeeze3A_846, %dma_start3A_861, %dma_start3A_862] : memref<12500x8x32xf32, #tpu.memory_space<hbm>> -> memref<1x8x32xf32, #tpu.memory_space<hbm>>
      tpu.enqueue_dma source(%dma_start3A_863 : memref<1x8x32xf32, #tpu.memory_space<hbm>>) target(%dma_start3A_860 : memref<1x8x32xf32, #tpu.memory_space<vmem>>) target_semaphore(%arg18 : memref<!tpu.dma_semaphore, #tpu.memory_space<semaphore_mem>>)
      %slice3A_864 = vector.extract_strided_slice %shift_right_logical3A_692 {offsets = [9], sizes = [1], strides = [1]} : vector<16xi32> to vector<1xi32>
      %squeeze3A_865 = vector.extract %slice3A_864[0] : i32 from vector<1xi32>
      %dma_start3A_866 = arith.constant 1 : i32
      %dma_start3A_867 = arith.constant 9 : i32
      %dma_start3A_868 = arith.constant 0 : i32
      %dma_start3A_869 = arith.constant 0 : i32
      %dma_start3A_870 = tpu.memref_slice %arg16[%dma_start3A_866, %dma_start3A_867, %dma_start3A_868, %dma_start3A_869] : memref<3x32x8x32xf32, #tpu.memory_space<vmem>> -> memref<1x1x8x32xf32, #tpu.memory_space<vmem>>
      %dma_start3A_871 = tpu.memref_squeeze %dma_start3A_870 : memref<1x1x8x32xf32, #tpu.memory_space<vmem>> -> memref<1x8x32xf32, #tpu.memory_space<vmem>>
      %dma_start3A_872 = arith.constant 0 : i32
      %dma_start3A_873 = arith.constant 0 : i32
      %dma_start3A_874 = tpu.memref_slice %arg8[%squeeze3A_865, %dma_start3A_872, %dma_start3A_873] : memref<12500x8x32xf32, #tpu.memory_space<hbm>> -> memref<1x8x32xf32, #tpu.memory_space<hbm>>
      %dma_start3A_875 = arith.constant 9 : i32
      %dma_start3A_876 = arith.constant 0 : i32
      %dma_start3A_877 = arith.constant 0 : i32
      %dma_start3A_878 = tpu.memref_slice %arg16[%dma_start3A_866, %dma_start3A_875, %dma_start3A_876, %dma_start3A_877] : memref<3x32x8x32xf32, #tpu.memory_space<vmem>> -> memref<1x1x8x32xf32, #tpu.memory_space<vmem>>
      %dma_start3A_879 = tpu.memref_squeeze %dma_start3A_878 : memref<1x1x8x32xf32, #tpu.memory_space<vmem>> -> memref<1x8x32xf32, #tpu.memory_space<vmem>>
      %dma_start3A_880 = arith.constant 0 : i32
      %dma_start3A_881 = arith.constant 0 : i32
      %dma_start3A_882 = tpu.memref_slice %arg8[%squeeze3A_865, %dma_start3A_880, %dma_start3A_881] : memref<12500x8x32xf32, #tpu.memory_space<hbm>> -> memref<1x8x32xf32, #tpu.memory_space<hbm>>
      tpu.enqueue_dma source(%dma_start3A_882 : memref<1x8x32xf32, #tpu.memory_space<hbm>>) target(%dma_start3A_879 : memref<1x8x32xf32, #tpu.memory_space<vmem>>) target_semaphore(%arg18 : memref<!tpu.dma_semaphore, #tpu.memory_space<semaphore_mem>>)
      %slice3A_883 = vector.extract_strided_slice %shift_right_logical3A_692 {offsets = [10], sizes = [1], strides = [1]} : vector<16xi32> to vector<1xi32>
      %squeeze3A_884 = vector.extract %slice3A_883[0] : i32 from vector<1xi32>
      %dma_start3A_885 = arith.constant 1 : i32
      %dma_start3A_886 = arith.constant 10 : i32
      %dma_start3A_887 = arith.constant 0 : i32
      %dma_start3A_888 = arith.constant 0 : i32
      %dma_start3A_889 = tpu.memref_slice %arg16[%dma_start3A_885, %dma_start3A_886, %dma_start3A_887, %dma_start3A_888] : memref<3x32x8x32xf32, #tpu.memory_space<vmem>> -> memref<1x1x8x32xf32, #tpu.memory_space<vmem>>
      %dma_start3A_890 = tpu.memref_squeeze %dma_start3A_889 : memref<1x1x8x32xf32, #tpu.memory_space<vmem>> -> memref<1x8x32xf32, #tpu.memory_space<vmem>>
      %dma_start3A_891 = arith.constant 0 : i32
      %dma_start3A_892 = arith.constant 0 : i32
      %dma_start3A_893 = tpu.memref_slice %arg8[%squeeze3A_884, %dma_start3A_891, %dma_start3A_892] : memref<12500x8x32xf32, #tpu.memory_space<hbm>> -> memref<1x8x32xf32, #tpu.memory_space<hbm>>
      %dma_start3A_894 = arith.constant 10 : i32
      %dma_start3A_895 = arith.constant 0 : i32
      %dma_start3A_896 = arith.constant 0 : i32
      %dma_start3A_897 = tpu.memref_slice %arg16[%dma_start3A_885, %dma_start3A_894, %dma_start3A_895, %dma_start3A_896] : memref<3x32x8x32xf32, #tpu.memory_space<vmem>> -> memref<1x1x8x32xf32, #tpu.memory_space<vmem>>
      %dma_start3A_898 = tpu.memref_squeeze %dma_start3A_897 : memref<1x1x8x32xf32, #tpu.memory_space<vmem>> -> memref<1x8x32xf32, #tpu.memory_space<vmem>>
      %dma_start3A_899 = arith.constant 0 : i32
      %dma_start3A_900 = arith.constant 0 : i32
      %dma_start3A_901 = tpu.memref_slice %arg8[%squeeze3A_884, %dma_start3A_899, %dma_start3A_900] : memref<12500x8x32xf32, #tpu.memory_space<hbm>> -> memref<1x8x32xf32, #tpu.memory_space<hbm>>
      tpu.enqueue_dma source(%dma_start3A_901 : memref<1x8x32xf32, #tpu.memory_space<hbm>>) target(%dma_start3A_898 : memref<1x8x32xf32, #tpu.memory_space<vmem>>) target_semaphore(%arg18 : memref<!tpu.dma_semaphore, #tpu.memory_space<semaphore_mem>>)
      %slice3A_902 = vector.extract_strided_slice %shift_right_logical3A_692 {offsets = [11], sizes = [1], strides = [1]} : vector<16xi32> to vector<1xi32>
      %squeeze3A_903 = vector.extract %slice3A_902[0] : i32 from vector<1xi32>
      %dma_start3A_904 = arith.constant 1 : i32
      %dma_start3A_905 = arith.constant 11 : i32
      %dma_start3A_906 = arith.constant 0 : i32
      %dma_start3A_907 = arith.constant 0 : i32
      %dma_start3A_908 = tpu.memref_slice %arg16[%dma_start3A_904, %dma_start3A_905, %dma_start3A_906, %dma_start3A_907] : memref<3x32x8x32xf32, #tpu.memory_space<vmem>> -> memref<1x1x8x32xf32, #tpu.memory_space<vmem>>
      %dma_start3A_909 = tpu.memref_squeeze %dma_start3A_908 : memref<1x1x8x32xf32, #tpu.memory_space<vmem>> -> memref<1x8x32xf32, #tpu.memory_space<vmem>>
      %dma_start3A_910 = arith.constant 0 : i32
      %dma_start3A_911 = arith.constant 0 : i32
      %dma_start3A_912 = tpu.memref_slice %arg8[%squeeze3A_903, %dma_start3A_910, %dma_start3A_911] : memref<12500x8x32xf32, #tpu.memory_space<hbm>> -> memref<1x8x32xf32, #tpu.memory_space<hbm>>
      %dma_start3A_913 = arith.constant 11 : i32
      %dma_start3A_914 = arith.constant 0 : i32
      %dma_start3A_915 = arith.constant 0 : i32
      %dma_start3A_916 = tpu.memref_slice %arg16[%dma_start3A_904, %dma_start3A_913, %dma_start3A_914, %dma_start3A_915] : memref<3x32x8x32xf32, #tpu.memory_space<vmem>> -> memref<1x1x8x32xf32, #tpu.memory_space<vmem>>
      %dma_start3A_917 = tpu.memref_squeeze %dma_start3A_916 : memref<1x1x8x32xf32, #tpu.memory_space<vmem>> -> memref<1x8x32xf32, #tpu.memory_space<vmem>>
      %dma_start3A_918 = arith.constant 0 : i32
      %dma_start3A_919 = arith.constant 0 : i32
      %dma_start3A_920 = tpu.memref_slice %arg8[%squeeze3A_903, %dma_start3A_918, %dma_start3A_919] : memref<12500x8x32xf32, #tpu.memory_space<hbm>> -> memref<1x8x32xf32, #tpu.memory_space<hbm>>
      tpu.enqueue_dma source(%dma_start3A_920 : memref<1x8x32xf32, #tpu.memory_space<hbm>>) target(%dma_start3A_917 : memref<1x8x32xf32, #tpu.memory_space<vmem>>) target_semaphore(%arg18 : memref<!tpu.dma_semaphore, #tpu.memory_space<semaphore_mem>>)
      %slice3A_921 = vector.extract_strided_slice %shift_right_logical3A_692 {offsets = [12], sizes = [1], strides = [1]} : vector<16xi32> to vector<1xi32>
      %squeeze3A_922 = vector.extract %slice3A_921[0] : i32 from vector<1xi32>
      %dma_start3A_923 = arith.constant 1 : i32
      %dma_start3A_924 = arith.constant 12 : i32
      %dma_start3A_925 = arith.constant 0 : i32
      %dma_start3A_926 = arith.constant 0 : i32
      %dma_start3A_927 = tpu.memref_slice %arg16[%dma_start3A_923, %dma_start3A_924, %dma_start3A_925, %dma_start3A_926] : memref<3x32x8x32xf32, #tpu.memory_space<vmem>> -> memref<1x1x8x32xf32, #tpu.memory_space<vmem>>
      %dma_start3A_928 = tpu.memref_squeeze %dma_start3A_927 : memref<1x1x8x32xf32, #tpu.memory_space<vmem>> -> memref<1x8x32xf32, #tpu.memory_space<vmem>>
      %dma_start3A_929 = arith.constant 0 : i32
      %dma_start3A_930 = arith.constant 0 : i32
      %dma_start3A_931 = tpu.memref_slice %arg8[%squeeze3A_922, %dma_start3A_929, %dma_start3A_930] : memref<12500x8x32xf32, #tpu.memory_space<hbm>> -> memref<1x8x32xf32, #tpu.memory_space<hbm>>
      %dma_start3A_932 = arith.constant 12 : i32
      %dma_start3A_933 = arith.constant 0 : i32
      %dma_start3A_934 = arith.constant 0 : i32
      %dma_start3A_935 = tpu.memref_slice %arg16[%dma_start3A_923, %dma_start3A_932, %dma_start3A_933, %dma_start3A_934] : memref<3x32x8x32xf32, #tpu.memory_space<vmem>> -> memref<1x1x8x32xf32, #tpu.memory_space<vmem>>
      %dma_start3A_936 = tpu.memref_squeeze %dma_start3A_935 : memref<1x1x8x32xf32, #tpu.memory_space<vmem>> -> memref<1x8x32xf32, #tpu.memory_space<vmem>>
      %dma_start3A_937 = arith.constant 0 : i32
      %dma_start3A_938 = arith.constant 0 : i32
      %dma_start3A_939 = tpu.memref_slice %arg8[%squeeze3A_922, %dma_start3A_937, %dma_start3A_938] : memref<12500x8x32xf32, #tpu.memory_space<hbm>> -> memref<1x8x32xf32, #tpu.memory_space<hbm>>
      tpu.enqueue_dma source(%dma_start3A_939 : memref<1x8x32xf32, #tpu.memory_space<hbm>>) target(%dma_start3A_936 : memref<1x8x32xf32, #tpu.memory_space<vmem>>) target_semaphore(%arg18 : memref<!tpu.dma_semaphore, #tpu.memory_space<semaphore_mem>>)
      %slice3A_940 = vector.extract_strided_slice %shift_right_logical3A_692 {offsets = [13], sizes = [1], strides = [1]} : vector<16xi32> to vector<1xi32>
      %squeeze3A_941 = vector.extract %slice3A_940[0] : i32 from vector<1xi32>
      %dma_start3A_942 = arith.constant 1 : i32
      %dma_start3A_943 = arith.constant 13 : i32
      %dma_start3A_944 = arith.constant 0 : i32
      %dma_start3A_945 = arith.constant 0 : i32
      %dma_start3A_946 = tpu.memref_slice %arg16[%dma_start3A_942, %dma_start3A_943, %dma_start3A_944, %dma_start3A_945] : memref<3x32x8x32xf32, #tpu.memory_space<vmem>> -> memref<1x1x8x32xf32, #tpu.memory_space<vmem>>
      %dma_start3A_947 = tpu.memref_squeeze %dma_start3A_946 : memref<1x1x8x32xf32, #tpu.memory_space<vmem>> -> memref<1x8x32xf32, #tpu.memory_space<vmem>>
      %dma_start3A_948 = arith.constant 0 : i32
      %dma_start3A_949 = arith.constant 0 : i32
      %dma_start3A_950 = tpu.memref_slice %arg8[%squeeze3A_941, %dma_start3A_948, %dma_start3A_949] : memref<12500x8x32xf32, #tpu.memory_space<hbm>> -> memref<1x8x32xf32, #tpu.memory_space<hbm>>
      %dma_start3A_951 = arith.constant 13 : i32
      %dma_start3A_952 = arith.constant 0 : i32
      %dma_start3A_953 = arith.constant 0 : i32
      %dma_start3A_954 = tpu.memref_slice %arg16[%dma_start3A_942, %dma_start3A_951, %dma_start3A_952, %dma_start3A_953] : memref<3x32x8x32xf32, #tpu.memory_space<vmem>> -> memref<1x1x8x32xf32, #tpu.memory_space<vmem>>
      %dma_start3A_955 = tpu.memref_squeeze %dma_start3A_954 : memref<1x1x8x32xf32, #tpu.memory_space<vmem>> -> memref<1x8x32xf32, #tpu.memory_space<vmem>>
      %dma_start3A_956 = arith.constant 0 : i32
      %dma_start3A_957 = arith.constant 0 : i32
      %dma_start3A_958 = tpu.memref_slice %arg8[%squeeze3A_941, %dma_start3A_956, %dma_start3A_957] : memref<12500x8x32xf32, #tpu.memory_space<hbm>> -> memref<1x8x32xf32, #tpu.memory_space<hbm>>
      tpu.enqueue_dma source(%dma_start3A_958 : memref<1x8x32xf32, #tpu.memory_space<hbm>>) target(%dma_start3A_955 : memref<1x8x32xf32, #tpu.memory_space<vmem>>) target_semaphore(%arg18 : memref<!tpu.dma_semaphore, #tpu.memory_space<semaphore_mem>>)
      %slice3A_959 = vector.extract_strided_slice %shift_right_logical3A_692 {offsets = [14], sizes = [1], strides = [1]} : vector<16xi32> to vector<1xi32>
      %squeeze3A_960 = vector.extract %slice3A_959[0] : i32 from vector<1xi32>
      %dma_start3A_961 = arith.constant 1 : i32
      %dma_start3A_962 = arith.constant 14 : i32
      %dma_start3A_963 = arith.constant 0 : i32
      %dma_start3A_964 = arith.constant 0 : i32
      %dma_start3A_965 = tpu.memref_slice %arg16[%dma_start3A_961, %dma_start3A_962, %dma_start3A_963, %dma_start3A_964] : memref<3x32x8x32xf32, #tpu.memory_space<vmem>> -> memref<1x1x8x32xf32, #tpu.memory_space<vmem>>
      %dma_start3A_966 = tpu.memref_squeeze %dma_start3A_965 : memref<1x1x8x32xf32, #tpu.memory_space<vmem>> -> memref<1x8x32xf32, #tpu.memory_space<vmem>>
      %dma_start3A_967 = arith.constant 0 : i32
      %dma_start3A_968 = arith.constant 0 : i32
      %dma_start3A_969 = tpu.memref_slice %arg8[%squeeze3A_960, %dma_start3A_967, %dma_start3A_968] : memref<12500x8x32xf32, #tpu.memory_space<hbm>> -> memref<1x8x32xf32, #tpu.memory_space<hbm>>
      %dma_start3A_970 = arith.constant 14 : i32
      %dma_start3A_971 = arith.constant 0 : i32
      %dma_start3A_972 = arith.constant 0 : i32
      %dma_start3A_973 = tpu.memref_slice %arg16[%dma_start3A_961, %dma_start3A_970, %dma_start3A_971, %dma_start3A_972] : memref<3x32x8x32xf32, #tpu.memory_space<vmem>> -> memref<1x1x8x32xf32, #tpu.memory_space<vmem>>
      %dma_start3A_974 = tpu.memref_squeeze %dma_start3A_973 : memref<1x1x8x32xf32, #tpu.memory_space<vmem>> -> memref<1x8x32xf32, #tpu.memory_space<vmem>>
      %dma_start3A_975 = arith.constant 0 : i32
      %dma_start3A_976 = arith.constant 0 : i32
      %dma_start3A_977 = tpu.memref_slice %arg8[%squeeze3A_960, %dma_start3A_975, %dma_start3A_976] : memref<12500x8x32xf32, #tpu.memory_space<hbm>> -> memref<1x8x32xf32, #tpu.memory_space<hbm>>
      tpu.enqueue_dma source(%dma_start3A_977 : memref<1x8x32xf32, #tpu.memory_space<hbm>>) target(%dma_start3A_974 : memref<1x8x32xf32, #tpu.memory_space<vmem>>) target_semaphore(%arg18 : memref<!tpu.dma_semaphore, #tpu.memory_space<semaphore_mem>>)
      %slice3A_978 = vector.extract_strided_slice %shift_right_logical3A_692 {offsets = [15], sizes = [1], strides = [1]} : vector<16xi32> to vector<1xi32>
      %squeeze3A_979 = vector.extract %slice3A_978[0] : i32 from vector<1xi32>
      %dma_start3A_980 = arith.constant 1 : i32
      %dma_start3A_981 = arith.constant 15 : i32
      %dma_start3A_982 = arith.constant 0 : i32
      %dma_start3A_983 = arith.constant 0 : i32
      %dma_start3A_984 = tpu.memref_slice %arg16[%dma_start3A_980, %dma_start3A_981, %dma_start3A_982, %dma_start3A_983] : memref<3x32x8x32xf32, #tpu.memory_space<vmem>> -> memref<1x1x8x32xf32, #tpu.memory_space<vmem>>
      %dma_start3A_985 = tpu.memref_squeeze %dma_start3A_984 : memref<1x1x8x32xf32, #tpu.memory_space<vmem>> -> memref<1x8x32xf32, #tpu.memory_space<vmem>>
      %dma_start3A_986 = arith.constant 0 : i32
      %dma_start3A_987 = arith.constant 0 : i32
      %dma_start3A_988 = tpu.memref_slice %arg8[%squeeze3A_979, %dma_start3A_986, %dma_start3A_987] : memref<12500x8x32xf32, #tpu.memory_space<hbm>> -> memref<1x8x32xf32, #tpu.memory_space<hbm>>
      %dma_start3A_989 = arith.constant 15 : i32
      %dma_start3A_990 = arith.constant 0 : i32
      %dma_start3A_991 = arith.constant 0 : i32
      %dma_start3A_992 = tpu.memref_slice %arg16[%dma_start3A_980, %dma_start3A_989, %dma_start3A_990, %dma_start3A_991] : memref<3x32x8x32xf32, #tpu.memory_space<vmem>> -> memref<1x1x8x32xf32, #tpu.memory_space<vmem>>
      %dma_start3A_993 = tpu.memref_squeeze %dma_start3A_992 : memref<1x1x8x32xf32, #tpu.memory_space<vmem>> -> memref<1x8x32xf32, #tpu.memory_space<vmem>>
      %dma_start3A_994 = arith.constant 0 : i32
      %dma_start3A_995 = arith.constant 0 : i32
      %dma_start3A_996 = tpu.memref_slice %arg8[%squeeze3A_979, %dma_start3A_994, %dma_start3A_995] : memref<12500x8x32xf32, #tpu.memory_space<hbm>> -> memref<1x8x32xf32, #tpu.memory_space<hbm>>
      tpu.enqueue_dma source(%dma_start3A_996 : memref<1x8x32xf32, #tpu.memory_space<hbm>>) target(%dma_start3A_993 : memref<1x8x32xf32, #tpu.memory_space<vmem>>) target_semaphore(%arg18 : memref<!tpu.dma_semaphore, #tpu.memory_space<semaphore_mem>>)
      %add3A_997 = arith.constant 16 : i32
      %add3A_998 = arith.addi %mul3A_58, %add3A_997 : i32
      %get3A_999 = arith.index_cast %add3A_998 : i32 to index
      %get3A_1000 = tpu.vector_load %arg12[%get3A_999] {strides = array<i32>} : memref<512xi32, #tpu.memory_space<vmem>>, vector<16xi32>,
      %shift_right_logical3A_1001 = arith.constant 3 : i32
      %shift_right_logical3A_1002 = vector.broadcast %shift_right_logical3A_1001 : i32 to vector<16xi32>
      %shift_right_logical3A_1003 = arith.shrui %get3A_1000, %shift_right_logical3A_1002 : vector<16xi32>
      %slice3A_1004 = vector.extract_strided_slice %shift_right_logical3A_1003 {offsets = [0], sizes = [1], strides = [1]} : vector<16xi32> to vector<1xi32>
      %squeeze3A_1005 = vector.extract %slice3A_1004[0] : i32 from vector<1xi32>
      %dma_start3A_1006 = arith.constant 1 : i32
      %dma_start3A_1007 = arith.constant 16 : i32
      %dma_start3A_1008 = arith.constant 0 : i32
      %dma_start3A_1009 = arith.constant 0 : i32
      %dma_start3A_1010 = tpu.memref_slice %arg16[%dma_start3A_1006, %dma_start3A_1007, %dma_start3A_1008, %dma_start3A_1009] : memref<3x32x8x32xf32, #tpu.memory_space<vmem>> -> memref<1x1x8x32xf32, #tpu.memory_space<vmem>>
      %dma_start3A_1011 = tpu.memref_squeeze %dma_start3A_1010 : memref<1x1x8x32xf32, #tpu.memory_space<vmem>> -> memref<1x8x32xf32, #tpu.memory_space<vmem>>
      %dma_start3A_1012 = arith.constant 0 : i32
      %dma_start3A_1013 = arith.constant 0 : i32
      %dma_start3A_1014 = tpu.memref_slice %arg8[%squeeze3A_1005, %dma_start3A_1012, %dma_start3A_1013] : memref<12500x8x32xf32, #tpu.memory_space<hbm>> -> memref<1x8x32xf32, #tpu.memory_space<hbm>>
      %dma_start3A_1015 = arith.constant 16 : i32
      %dma_start3A_1016 = arith.constant 0 : i32
      %dma_start3A_1017 = arith.constant 0 : i32
      %dma_start3A_1018 = tpu.memref_slice %arg16[%dma_start3A_1006, %dma_start3A_1015, %dma_start3A_1016, %dma_start3A_1017] : memref<3x32x8x32xf32, #tpu.memory_space<vmem>> -> memref<1x1x8x32xf32, #tpu.memory_space<vmem>>
      %dma_start3A_1019 = tpu.memref_squeeze %dma_start3A_1018 : memref<1x1x8x32xf32, #tpu.memory_space<vmem>> -> memref<1x8x32xf32, #tpu.memory_space<vmem>>
      %dma_start3A_1020 = arith.constant 0 : i32
      %dma_start3A_1021 = arith.constant 0 : i32
      %dma_start3A_1022 = tpu.memref_slice %arg8[%squeeze3A_1005, %dma_start3A_1020, %dma_start3A_1021] : memref<12500x8x32xf32, #tpu.memory_space<hbm>> -> memref<1x8x32xf32, #tpu.memory_space<hbm>>
      tpu.enqueue_dma source(%dma_start3A_1022 : memref<1x8x32xf32, #tpu.memory_space<hbm>>) target(%dma_start3A_1019 : memref<1x8x32xf32, #tpu.memory_space<vmem>>) target_semaphore(%arg18 : memref<!tpu.dma_semaphore, #tpu.memory_space<semaphore_mem>>)
      %slice3A_1023 = vector.extract_strided_slice %shift_right_logical3A_1003 {offsets = [1], sizes = [1], strides = [1]} : vector<16xi32> to vector<1xi32>
      %squeeze3A_1024 = vector.extract %slice3A_1023[0] : i32 from vector<1xi32>
      %dma_start3A_1025 = arith.constant 1 : i32
      %dma_start3A_1026 = arith.constant 17 : i32
      %dma_start3A_1027 = arith.constant 0 : i32
      %dma_start3A_1028 = arith.constant 0 : i32
      %dma_start3A_1029 = tpu.memref_slice %arg16[%dma_start3A_1025, %dma_start3A_1026, %dma_start3A_1027, %dma_start3A_1028] : memref<3x32x8x32xf32, #tpu.memory_space<vmem>> -> memref<1x1x8x32xf32, #tpu.memory_space<vmem>>
      %dma_start3A_1030 = tpu.memref_squeeze %dma_start3A_1029 : memref<1x1x8x32xf32, #tpu.memory_space<vmem>> -> memref<1x8x32xf32, #tpu.memory_space<vmem>>
      %dma_start3A_1031 = arith.constant 0 : i32
      %dma_start3A_1032 = arith.constant 0 : i32
      %dma_start3A_1033 = tpu.memref_slice %arg8[%squeeze3A_1024, %dma_start3A_1031, %dma_start3A_1032] : memref<12500x8x32xf32, #tpu.memory_space<hbm>> -> memref<1x8x32xf32, #tpu.memory_space<hbm>>
      %dma_start3A_1034 = arith.constant 17 : i32
      %dma_start3A_1035 = arith.constant 0 : i32
      %dma_start3A_1036 = arith.constant 0 : i32
      %dma_start3A_1037 = tpu.memref_slice %arg16[%dma_start3A_1025, %dma_start3A_1034, %dma_start3A_1035, %dma_start3A_1036] : memref<3x32x8x32xf32, #tpu.memory_space<vmem>> -> memref<1x1x8x32xf32, #tpu.memory_space<vmem>>
      %dma_start3A_1038 = tpu.memref_squeeze %dma_start3A_1037 : memref<1x1x8x32xf32, #tpu.memory_space<vmem>> -> memref<1x8x32xf32, #tpu.memory_space<vmem>>
      %dma_start3A_1039 = arith.constant 0 : i32
      %dma_start3A_1040 = arith.constant 0 : i32
      %dma_start3A_1041 = tpu.memref_slice %arg8[%squeeze3A_1024, %dma_start3A_1039, %dma_start3A_1040] : memref<12500x8x32xf32, #tpu.memory_space<hbm>> -> memref<1x8x32xf32, #tpu.memory_space<hbm>>
      tpu.enqueue_dma source(%dma_start3A_1041 : memref<1x8x32xf32, #tpu.memory_space<hbm>>) target(%dma_start3A_1038 : memref<1x8x32xf32, #tpu.memory_space<vmem>>) target_semaphore(%arg18 : memref<!tpu.dma_semaphore, #tpu.memory_space<semaphore_mem>>)
      %slice3A_1042 = vector.extract_strided_slice %shift_right_logical3A_1003 {offsets = [2], sizes = [1], strides = [1]} : vector<16xi32> to vector<1xi32>
      %squeeze3A_1043 = vector.extract %slice3A_1042[0] : i32 from vector<1xi32>
      %dma_start3A_1044 = arith.constant 1 : i32
      %dma_start3A_1045 = arith.constant 18 : i32
      %dma_start3A_1046 = arith.constant 0 : i32
      %dma_start3A_1047 = arith.constant 0 : i32
      %dma_start3A_1048 = tpu.memref_slice %arg16[%dma_start3A_1044, %dma_start3A_1045, %dma_start3A_1046, %dma_start3A_1047] : memref<3x32x8x32xf32, #tpu.memory_space<vmem>> -> memref<1x1x8x32xf32, #tpu.memory_space<vmem>>
      %dma_start3A_1049 = tpu.memref_squeeze %dma_start3A_1048 : memref<1x1x8x32xf32, #tpu.memory_space<vmem>> -> memref<1x8x32xf32, #tpu.memory_space<vmem>>
      %dma_start3A_1050 = arith.constant 0 : i32
      %dma_start3A_1051 = arith.constant 0 : i32
      %dma_start3A_1052 = tpu.memref_slice %arg8[%squeeze3A_1043, %dma_start3A_1050, %dma_start3A_1051] : memref<12500x8x32xf32, #tpu.memory_space<hbm>> -> memref<1x8x32xf32, #tpu.memory_space<hbm>>
      %dma_start3A_1053 = arith.constant 18 : i32
      %dma_start3A_1054 = arith.constant 0 : i32
      %dma_start3A_1055 = arith.constant 0 : i32
      %dma_start3A_1056 = tpu.memref_slice %arg16[%dma_start3A_1044, %dma_start3A_1053, %dma_start3A_1054, %dma_start3A_1055] : memref<3x32x8x32xf32, #tpu.memory_space<vmem>> -> memref<1x1x8x32xf32, #tpu.memory_space<vmem>>
      %dma_start3A_1057 = tpu.memref_squeeze %dma_start3A_1056 : memref<1x1x8x32xf32, #tpu.memory_space<vmem>> -> memref<1x8x32xf32, #tpu.memory_space<vmem>>
      %dma_start3A_1058 = arith.constant 0 : i32
      %dma_start3A_1059 = arith.constant 0 : i32
      %dma_start3A_1060 = tpu.memref_slice %arg8[%squeeze3A_1043, %dma_start3A_1058, %dma_start3A_1059] : memref<12500x8x32xf32, #tpu.memory_space<hbm>> -> memref<1x8x32xf32, #tpu.memory_space<hbm>>
      tpu.enqueue_dma source(%dma_start3A_1060 : memref<1x8x32xf32, #tpu.memory_space<hbm>>) target(%dma_start3A_1057 : memref<1x8x32xf32, #tpu.memory_space<vmem>>) target_semaphore(%arg18 : memref<!tpu.dma_semaphore, #tpu.memory_space<semaphore_mem>>)
      %slice3A_1061 = vector.extract_strided_slice %shift_right_logical3A_1003 {offsets = [3], sizes = [1], strides = [1]} : vector<16xi32> to vector<1xi32>
      %squeeze3A_1062 = vector.extract %slice3A_1061[0] : i32 from vector<1xi32>
      %dma_start3A_1063 = arith.constant 1 : i32
      %dma_start3A_1064 = arith.constant 19 : i32
      %dma_start3A_1065 = arith.constant 0 : i32
      %dma_start3A_1066 = arith.constant 0 : i32
      %dma_start3A_1067 = tpu.memref_slice %arg16[%dma_start3A_1063, %dma_start3A_1064, %dma_start3A_1065, %dma_start3A_1066] : memref<3x32x8x32xf32, #tpu.memory_space<vmem>> -> memref<1x1x8x32xf32, #tpu.memory_space<vmem>>
      %dma_start3A_1068 = tpu.memref_squeeze %dma_start3A_1067 : memref<1x1x8x32xf32, #tpu.memory_space<vmem>> -> memref<1x8x32xf32, #tpu.memory_space<vmem>>
      %dma_start3A_1069 = arith.constant 0 : i32
      %dma_start3A_1070 = arith.constant 0 : i32
      %dma_start3A_1071 = tpu.memref_slice %arg8[%squeeze3A_1062, %dma_start3A_1069, %dma_start3A_1070] : memref<12500x8x32xf32, #tpu.memory_space<hbm>> -> memref<1x8x32xf32, #tpu.memory_space<hbm>>
      %dma_start3A_1072 = arith.constant 19 : i32
      %dma_start3A_1073 = arith.constant 0 : i32
      %dma_start3A_1074 = arith.constant 0 : i32
      %dma_start3A_1075 = tpu.memref_slice %arg16[%dma_start3A_1063, %dma_start3A_1072, %dma_start3A_1073, %dma_start3A_1074] : memref<3x32x8x32xf32, #tpu.memory_space<vmem>> -> memref<1x1x8x32xf32, #tpu.memory_space<vmem>>
      %dma_start3A_1076 = tpu.memref_squeeze %dma_start3A_1075 : memref<1x1x8x32xf32, #tpu.memory_space<vmem>> -> memref<1x8x32xf32, #tpu.memory_space<vmem>>
      %dma_start3A_1077 = arith.constant 0 : i32
      %dma_start3A_1078 = arith.constant 0 : i32
      %dma_start3A_1079 = tpu.memref_slice %arg8[%squeeze3A_1062, %dma_start3A_1077, %dma_start3A_1078] : memref<12500x8x32xf32, #tpu.memory_space<hbm>> -> memref<1x8x32xf32, #tpu.memory_space<hbm>>
      tpu.enqueue_dma source(%dma_start3A_1079 : memref<1x8x32xf32, #tpu.memory_space<hbm>>) target(%dma_start3A_1076 : memref<1x8x32xf32, #tpu.memory_space<vmem>>) target_semaphore(%arg18 : memref<!tpu.dma_semaphore, #tpu.memory_space<semaphore_mem>>)
      %slice3A_1080 = vector.extract_strided_slice %shift_right_logical3A_1003 {offsets = [4], sizes = [1], strides = [1]} : vector<16xi32> to vector<1xi32>
      %squeeze3A_1081 = vector.extract %slice3A_1080[0] : i32 from vector<1xi32>
      %dma_start3A_1082 = arith.constant 1 : i32
      %dma_start3A_1083 = arith.constant 20 : i32
      %dma_start3A_1084 = arith.constant 0 : i32
      %dma_start3A_1085 = arith.constant 0 : i32
      %dma_start3A_1086 = tpu.memref_slice %arg16[%dma_start3A_1082, %dma_start3A_1083, %dma_start3A_1084, %dma_start3A_1085] : memref<3x32x8x32xf32, #tpu.memory_space<vmem>> -> memref<1x1x8x32xf32, #tpu.memory_space<vmem>>
      %dma_start3A_1087 = tpu.memref_squeeze %dma_start3A_1086 : memref<1x1x8x32xf32, #tpu.memory_space<vmem>> -> memref<1x8x32xf32, #tpu.memory_space<vmem>>
      %dma_start3A_1088 = arith.constant 0 : i32
      %dma_start3A_1089 = arith.constant 0 : i32
      %dma_start3A_1090 = tpu.memref_slice %arg8[%squeeze3A_1081, %dma_start3A_1088, %dma_start3A_1089] : memref<12500x8x32xf32, #tpu.memory_space<hbm>> -> memref<1x8x32xf32, #tpu.memory_space<hbm>>
      %dma_start3A_1091 = arith.constant 20 : i32
      %dma_start3A_1092 = arith.constant 0 : i32
      %dma_start3A_1093 = arith.constant 0 : i32
      %dma_start3A_1094 = tpu.memref_slice %arg16[%dma_start3A_1082, %dma_start3A_1091, %dma_start3A_1092, %dma_start3A_1093] : memref<3x32x8x32xf32, #tpu.memory_space<vmem>> -> memref<1x1x8x32xf32, #tpu.memory_space<vmem>>
      %dma_start3A_1095 = tpu.memref_squeeze %dma_start3A_1094 : memref<1x1x8x32xf32, #tpu.memory_space<vmem>> -> memref<1x8x32xf32, #tpu.memory_space<vmem>>
      %dma_start3A_1096 = arith.constant 0 : i32
      %dma_start3A_1097 = arith.constant 0 : i32
      %dma_start3A_1098 = tpu.memref_slice %arg8[%squeeze3A_1081, %dma_start3A_1096, %dma_start3A_1097] : memref<12500x8x32xf32, #tpu.memory_space<hbm>> -> memref<1x8x32xf32, #tpu.memory_space<hbm>>
      tpu.enqueue_dma source(%dma_start3A_1098 : memref<1x8x32xf32, #tpu.memory_space<hbm>>) target(%dma_start3A_1095 : memref<1x8x32xf32, #tpu.memory_space<vmem>>) target_semaphore(%arg18 : memref<!tpu.dma_semaphore, #tpu.memory_space<semaphore_mem>>)
      %slice3A_1099 = vector.extract_strided_slice %shift_right_logical3A_1003 {offsets = [5], sizes = [1], strides = [1]} : vector<16xi32> to vector<1xi32>
      %squeeze3A_1100 = vector.extract %slice3A_1099[0] : i32 from vector<1xi32>
      %dma_start3A_1101 = arith.constant 1 : i32
      %dma_start3A_1102 = arith.constant 21 : i32
      %dma_start3A_1103 = arith.constant 0 : i32
      %dma_start3A_1104 = arith.constant 0 : i32
      %dma_start3A_1105 = tpu.memref_slice %arg16[%dma_start3A_1101, %dma_start3A_1102, %dma_start3A_1103, %dma_start3A_1104] : memref<3x32x8x32xf32, #tpu.memory_space<vmem>> -> memref<1x1x8x32xf32, #tpu.memory_space<vmem>>
      %dma_start3A_1106 = tpu.memref_squeeze %dma_start3A_1105 : memref<1x1x8x32xf32, #tpu.memory_space<vmem>> -> memref<1x8x32xf32, #tpu.memory_space<vmem>>
      %dma_start3A_1107 = arith.constant 0 : i32
      %dma_start3A_1108 = arith.constant 0 : i32
      %dma_start3A_1109 = tpu.memref_slice %arg8[%squeeze3A_1100, %dma_start3A_1107, %dma_start3A_1108] : memref<12500x8x32xf32, #tpu.memory_space<hbm>> -> memref<1x8x32xf32, #tpu.memory_space<hbm>>
      %dma_start3A_1110 = arith.constant 21 : i32
      %dma_start3A_1111 = arith.constant 0 : i32
      %dma_start3A_1112 = arith.constant 0 : i32
      %dma_start3A_1113 = tpu.memref_slice %arg16[%dma_start3A_1101, %dma_start3A_1110, %dma_start3A_1111, %dma_start3A_1112] : memref<3x32x8x32xf32, #tpu.memory_space<vmem>> -> memref<1x1x8x32xf32, #tpu.memory_space<vmem>>
      %dma_start3A_1114 = tpu.memref_squeeze %dma_start3A_1113 : memref<1x1x8x32xf32, #tpu.memory_space<vmem>> -> memref<1x8x32xf32, #tpu.memory_space<vmem>>
      %dma_start3A_1115 = arith.constant 0 : i32
      %dma_start3A_1116 = arith.constant 0 : i32
      %dma_start3A_1117 = tpu.memref_slice %arg8[%squeeze3A_1100, %dma_start3A_1115, %dma_start3A_1116] : memref<12500x8x32xf32, #tpu.memory_space<hbm>> -> memref<1x8x32xf32, #tpu.memory_space<hbm>>
      tpu.enqueue_dma source(%dma_start3A_1117 : memref<1x8x32xf32, #tpu.memory_space<hbm>>) target(%dma_start3A_1114 : memref<1x8x32xf32, #tpu.memory_space<vmem>>) target_semaphore(%arg18 : memref<!tpu.dma_semaphore, #tpu.memory_space<semaphore_mem>>)
      %slice3A_1118 = vector.extract_strided_slice %shift_right_logical3A_1003 {offsets = [6], sizes = [1], strides = [1]} : vector<16xi32> to vector<1xi32>
      %squeeze3A_1119 = vector.extract %slice3A_1118[0] : i32 from vector<1xi32>
      %dma_start3A_1120 = arith.constant 1 : i32
      %dma_start3A_1121 = arith.constant 22 : i32
      %dma_start3A_1122 = arith.constant 0 : i32
      %dma_start3A_1123 = arith.constant 0 : i32
      %dma_start3A_1124 = tpu.memref_slice %arg16[%dma_start3A_1120, %dma_start3A_1121, %dma_start3A_1122, %dma_start3A_1123] : memref<3x32x8x32xf32, #tpu.memory_space<vmem>> -> memref<1x1x8x32xf32, #tpu.memory_space<vmem>>
      %dma_start3A_1125 = tpu.memref_squeeze %dma_start3A_1124 : memref<1x1x8x32xf32, #tpu.memory_space<vmem>> -> memref<1x8x32xf32, #tpu.memory_space<vmem>>
      %dma_start3A_1126 = arith.constant 0 : i32
      %dma_start3A_1127 = arith.constant 0 : i32
      %dma_start3A_1128 = tpu.memref_slice %arg8[%squeeze3A_1119, %dma_start3A_1126, %dma_start3A_1127] : memref<12500x8x32xf32, #tpu.memory_space<hbm>> -> memref<1x8x32xf32, #tpu.memory_space<hbm>>
      %dma_start3A_1129 = arith.constant 22 : i32
      %dma_start3A_1130 = arith.constant 0 : i32
      %dma_start3A_1131 = arith.constant 0 : i32
      %dma_start3A_1132 = tpu.memref_slice %arg16[%dma_start3A_1120, %dma_start3A_1129, %dma_start3A_1130, %dma_start3A_1131] : memref<3x32x8x32xf32, #tpu.memory_space<vmem>> -> memref<1x1x8x32xf32, #tpu.memory_space<vmem>>
      %dma_start3A_1133 = tpu.memref_squeeze %dma_start3A_1132 : memref<1x1x8x32xf32, #tpu.memory_space<vmem>> -> memref<1x8x32xf32, #tpu.memory_space<vmem>>
      %dma_start3A_1134 = arith.constant 0 : i32
      %dma_start3A_1135 = arith.constant 0 : i32
      %dma_start3A_1136 = tpu.memref_slice %arg8[%squeeze3A_1119, %dma_start3A_1134, %dma_start3A_1135] : memref<12500x8x32xf32, #tpu.memory_space<hbm>> -> memref<1x8x32xf32, #tpu.memory_space<hbm>>
      tpu.enqueue_dma source(%dma_start3A_1136 : memref<1x8x32xf32, #tpu.memory_space<hbm>>) target(%dma_start3A_1133 : memref<1x8x32xf32, #tpu.memory_space<vmem>>) target_semaphore(%arg18 : memref<!tpu.dma_semaphore, #tpu.memory_space<semaphore_mem>>)
      %slice3A_1137 = vector.extract_strided_slice %shift_right_logical3A_1003 {offsets = [7], sizes = [1], strides = [1]} : vector<16xi32> to vector<1xi32>
      %squeeze3A_1138 = vector.extract %slice3A_1137[0] : i32 from vector<1xi32>
      %dma_start3A_1139 = arith.constant 1 : i32
      %dma_start3A_1140 = arith.constant 23 : i32
      %dma_start3A_1141 = arith.constant 0 : i32
      %dma_start3A_1142 = arith.constant 0 : i32
      %dma_start3A_1143 = tpu.memref_slice %arg16[%dma_start3A_1139, %dma_start3A_1140, %dma_start3A_1141, %dma_start3A_1142] : memref<3x32x8x32xf32, #tpu.memory_space<vmem>> -> memref<1x1x8x32xf32, #tpu.memory_space<vmem>>
      %dma_start3A_1144 = tpu.memref_squeeze %dma_start3A_1143 : memref<1x1x8x32xf32, #tpu.memory_space<vmem>> -> memref<1x8x32xf32, #tpu.memory_space<vmem>>
      %dma_start3A_1145 = arith.constant 0 : i32
      %dma_start3A_1146 = arith.constant 0 : i32
      %dma_start3A_1147 = tpu.memref_slice %arg8[%squeeze3A_1138, %dma_start3A_1145, %dma_start3A_1146] : memref<12500x8x32xf32, #tpu.memory_space<hbm>> -> memref<1x8x32xf32, #tpu.memory_space<hbm>>
      %dma_start3A_1148 = arith.constant 23 : i32
      %dma_start3A_1149 = arith.constant 0 : i32
      %dma_start3A_1150 = arith.constant 0 : i32
      %dma_start3A_1151 = tpu.memref_slice %arg16[%dma_start3A_1139, %dma_start3A_1148, %dma_start3A_1149, %dma_start3A_1150] : memref<3x32x8x32xf32, #tpu.memory_space<vmem>> -> memref<1x1x8x32xf32, #tpu.memory_space<vmem>>
      %dma_start3A_1152 = tpu.memref_squeeze %dma_start3A_1151 : memref<1x1x8x32xf32, #tpu.memory_space<vmem>> -> memref<1x8x32xf32, #tpu.memory_space<vmem>>
      %dma_start3A_1153 = arith.constant 0 : i32
      %dma_start3A_1154 = arith.constant 0 : i32
      %dma_start3A_1155 = tpu.memref_slice %arg8[%squeeze3A_1138, %dma_start3A_1153, %dma_start3A_1154] : memref<12500x8x32xf32, #tpu.memory_space<hbm>> -> memref<1x8x32xf32, #tpu.memory_space<hbm>>
      tpu.enqueue_dma source(%dma_start3A_1155 : memref<1x8x32xf32, #tpu.memory_space<hbm>>) target(%dma_start3A_1152 : memref<1x8x32xf32, #tpu.memory_space<vmem>>) target_semaphore(%arg18 : memref<!tpu.dma_semaphore, #tpu.memory_space<semaphore_mem>>)
      %slice3A_1156 = vector.extract_strided_slice %shift_right_logical3A_1003 {offsets = [8], sizes = [1], strides = [1]} : vector<16xi32> to vector<1xi32>
      %squeeze3A_1157 = vector.extract %slice3A_1156[0] : i32 from vector<1xi32>
      %dma_start3A_1158 = arith.constant 1 : i32
      %dma_start3A_1159 = arith.constant 24 : i32
      %dma_start3A_1160 = arith.constant 0 : i32
      %dma_start3A_1161 = arith.constant 0 : i32
      %dma_start3A_1162 = tpu.memref_slice %arg16[%dma_start3A_1158, %dma_start3A_1159, %dma_start3A_1160, %dma_start3A_1161] : memref<3x32x8x32xf32, #tpu.memory_space<vmem>> -> memref<1x1x8x32xf32, #tpu.memory_space<vmem>>
      %dma_start3A_1163 = tpu.memref_squeeze %dma_start3A_1162 : memref<1x1x8x32xf32, #tpu.memory_space<vmem>> -> memref<1x8x32xf32, #tpu.memory_space<vmem>>
      %dma_start3A_1164 = arith.constant 0 : i32
      %dma_start3A_1165 = arith.constant 0 : i32
      %dma_start3A_1166 = tpu.memref_slice %arg8[%squeeze3A_1157, %dma_start3A_1164, %dma_start3A_1165] : memref<12500x8x32xf32, #tpu.memory_space<hbm>> -> memref<1x8x32xf32, #tpu.memory_space<hbm>>
      %dma_start3A_1167 = arith.constant 24 : i32
      %dma_start3A_1168 = arith.constant 0 : i32
      %dma_start3A_1169 = arith.constant 0 : i32
      %dma_start3A_1170 = tpu.memref_slice %arg16[%dma_start3A_1158, %dma_start3A_1167, %dma_start3A_1168, %dma_start3A_1169] : memref<3x32x8x32xf32, #tpu.memory_space<vmem>> -> memref<1x1x8x32xf32, #tpu.memory_space<vmem>>
      %dma_start3A_1171 = tpu.memref_squeeze %dma_start3A_1170 : memref<1x1x8x32xf32, #tpu.memory_space<vmem>> -> memref<1x8x32xf32, #tpu.memory_space<vmem>>
      %dma_start3A_1172 = arith.constant 0 : i32
      %dma_start3A_1173 = arith.constant 0 : i32
      %dma_start3A_1174 = tpu.memref_slice %arg8[%squeeze3A_1157, %dma_start3A_1172, %dma_start3A_1173] : memref<12500x8x32xf32, #tpu.memory_space<hbm>> -> memref<1x8x32xf32, #tpu.memory_space<hbm>>
      tpu.enqueue_dma source(%dma_start3A_1174 : memref<1x8x32xf32, #tpu.memory_space<hbm>>) target(%dma_start3A_1171 : memref<1x8x32xf32, #tpu.memory_space<vmem>>) target_semaphore(%arg18 : memref<!tpu.dma_semaphore, #tpu.memory_space<semaphore_mem>>)
      %slice3A_1175 = vector.extract_strided_slice %shift_right_logical3A_1003 {offsets = [9], sizes = [1], strides = [1]} : vector<16xi32> to vector<1xi32>
      %squeeze3A_1176 = vector.extract %slice3A_1175[0] : i32 from vector<1xi32>
      %dma_start3A_1177 = arith.constant 1 : i32
      %dma_start3A_1178 = arith.constant 25 : i32
      %dma_start3A_1179 = arith.constant 0 : i32
      %dma_start3A_1180 = arith.constant 0 : i32
      %dma_start3A_1181 = tpu.memref_slice %arg16[%dma_start3A_1177, %dma_start3A_1178, %dma_start3A_1179, %dma_start3A_1180] : memref<3x32x8x32xf32, #tpu.memory_space<vmem>> -> memref<1x1x8x32xf32, #tpu.memory_space<vmem>>
      %dma_start3A_1182 = tpu.memref_squeeze %dma_start3A_1181 : memref<1x1x8x32xf32, #tpu.memory_space<vmem>> -> memref<1x8x32xf32, #tpu.memory_space<vmem>>
      %dma_start3A_1183 = arith.constant 0 : i32
      %dma_start3A_1184 = arith.constant 0 : i32
      %dma_start3A_1185 = tpu.memref_slice %arg8[%squeeze3A_1176, %dma_start3A_1183, %dma_start3A_1184] : memref<12500x8x32xf32, #tpu.memory_space<hbm>> -> memref<1x8x32xf32, #tpu.memory_space<hbm>>
      %dma_start3A_1186 = arith.constant 25 : i32
      %dma_start3A_1187 = arith.constant 0 : i32
      %dma_start3A_1188 = arith.constant 0 : i32
      %dma_start3A_1189 = tpu.memref_slice %arg16[%dma_start3A_1177, %dma_start3A_1186, %dma_start3A_1187, %dma_start3A_1188] : memref<3x32x8x32xf32, #tpu.memory_space<vmem>> -> memref<1x1x8x32xf32, #tpu.memory_space<vmem>>
      %dma_start3A_1190 = tpu.memref_squeeze %dma_start3A_1189 : memref<1x1x8x32xf32, #tpu.memory_space<vmem>> -> memref<1x8x32xf32, #tpu.memory_space<vmem>>
      %dma_start3A_1191 = arith.constant 0 : i32
      %dma_start3A_1192 = arith.constant 0 : i32
      %dma_start3A_1193 = tpu.memref_slice %arg8[%squeeze3A_1176, %dma_start3A_1191, %dma_start3A_1192] : memref<12500x8x32xf32, #tpu.memory_space<hbm>> -> memref<1x8x32xf32, #tpu.memory_space<hbm>>
      tpu.enqueue_dma source(%dma_start3A_1193 : memref<1x8x32xf32, #tpu.memory_space<hbm>>) target(%dma_start3A_1190 : memref<1x8x32xf32, #tpu.memory_space<vmem>>) target_semaphore(%arg18 : memref<!tpu.dma_semaphore, #tpu.memory_space<semaphore_mem>>)
      %slice3A_1194 = vector.extract_strided_slice %shift_right_logical3A_1003 {offsets = [10], sizes = [1], strides = [1]} : vector<16xi32> to vector<1xi32>
      %squeeze3A_1195 = vector.extract %slice3A_1194[0] : i32 from vector<1xi32>
      %dma_start3A_1196 = arith.constant 1 : i32
      %dma_start3A_1197 = arith.constant 26 : i32
      %dma_start3A_1198 = arith.constant 0 : i32
      %dma_start3A_1199 = arith.constant 0 : i32
      %dma_start3A_1200 = tpu.memref_slice %arg16[%dma_start3A_1196, %dma_start3A_1197, %dma_start3A_1198, %dma_start3A_1199] : memref<3x32x8x32xf32, #tpu.memory_space<vmem>> -> memref<1x1x8x32xf32, #tpu.memory_space<vmem>>
      %dma_start3A_1201 = tpu.memref_squeeze %dma_start3A_1200 : memref<1x1x8x32xf32, #tpu.memory_space<vmem>> -> memref<1x8x32xf32, #tpu.memory_space<vmem>>
      %dma_start3A_1202 = arith.constant 0 : i32
      %dma_start3A_1203 = arith.constant 0 : i32
      %dma_start3A_1204 = tpu.memref_slice %arg8[%squeeze3A_1195, %dma_start3A_1202, %dma_start3A_1203] : memref<12500x8x32xf32, #tpu.memory_space<hbm>> -> memref<1x8x32xf32, #tpu.memory_space<hbm>>
      %dma_start3A_1205 = arith.constant 26 : i32
      %dma_start3A_1206 = arith.constant 0 : i32
      %dma_start3A_1207 = arith.constant 0 : i32
      %dma_start3A_1208 = tpu.memref_slice %arg16[%dma_start3A_1196, %dma_start3A_1205, %dma_start3A_1206, %dma_start3A_1207] : memref<3x32x8x32xf32, #tpu.memory_space<vmem>> -> memref<1x1x8x32xf32, #tpu.memory_space<vmem>>
      %dma_start3A_1209 = tpu.memref_squeeze %dma_start3A_1208 : memref<1x1x8x32xf32, #tpu.memory_space<vmem>> -> memref<1x8x32xf32, #tpu.memory_space<vmem>>
      %dma_start3A_1210 = arith.constant 0 : i32
      %dma_start3A_1211 = arith.constant 0 : i32
      %dma_start3A_1212 = tpu.memref_slice %arg8[%squeeze3A_1195, %dma_start3A_1210, %dma_start3A_1211] : memref<12500x8x32xf32, #tpu.memory_space<hbm>> -> memref<1x8x32xf32, #tpu.memory_space<hbm>>
      tpu.enqueue_dma source(%dma_start3A_1212 : memref<1x8x32xf32, #tpu.memory_space<hbm>>) target(%dma_start3A_1209 : memref<1x8x32xf32, #tpu.memory_space<vmem>>) target_semaphore(%arg18 : memref<!tpu.dma_semaphore, #tpu.memory_space<semaphore_mem>>)
      %slice3A_1213 = vector.extract_strided_slice %shift_right_logical3A_1003 {offsets = [11], sizes = [1], strides = [1]} : vector<16xi32> to vector<1xi32>
      %squeeze3A_1214 = vector.extract %slice3A_1213[0] : i32 from vector<1xi32>
      %dma_start3A_1215 = arith.constant 1 : i32
      %dma_start3A_1216 = arith.constant 27 : i32
      %dma_start3A_1217 = arith.constant 0 : i32
      %dma_start3A_1218 = arith.constant 0 : i32
      %dma_start3A_1219 = tpu.memref_slice %arg16[%dma_start3A_1215, %dma_start3A_1216, %dma_start3A_1217, %dma_start3A_1218] : memref<3x32x8x32xf32, #tpu.memory_space<vmem>> -> memref<1x1x8x32xf32, #tpu.memory_space<vmem>>
      %dma_start3A_1220 = tpu.memref_squeeze %dma_start3A_1219 : memref<1x1x8x32xf32, #tpu.memory_space<vmem>> -> memref<1x8x32xf32, #tpu.memory_space<vmem>>
      %dma_start3A_1221 = arith.constant 0 : i32
      %dma_start3A_1222 = arith.constant 0 : i32
      %dma_start3A_1223 = tpu.memref_slice %arg8[%squeeze3A_1214, %dma_start3A_1221, %dma_start3A_1222] : memref<12500x8x32xf32, #tpu.memory_space<hbm>> -> memref<1x8x32xf32, #tpu.memory_space<hbm>>
      %dma_start3A_1224 = arith.constant 27 : i32
      %dma_start3A_1225 = arith.constant 0 : i32
      %dma_start3A_1226 = arith.constant 0 : i32
      %dma_start3A_1227 = tpu.memref_slice %arg16[%dma_start3A_1215, %dma_start3A_1224, %dma_start3A_1225, %dma_start3A_1226] : memref<3x32x8x32xf32, #tpu.memory_space<vmem>> -> memref<1x1x8x32xf32, #tpu.memory_space<vmem>>
      %dma_start3A_1228 = tpu.memref_squeeze %dma_start3A_1227 : memref<1x1x8x32xf32, #tpu.memory_space<vmem>> -> memref<1x8x32xf32, #tpu.memory_space<vmem>>
      %dma_start3A_1229 = arith.constant 0 : i32
      %dma_start3A_1230 = arith.constant 0 : i32
      %dma_start3A_1231 = tpu.memref_slice %arg8[%squeeze3A_1214, %dma_start3A_1229, %dma_start3A_1230] : memref<12500x8x32xf32, #tpu.memory_space<hbm>> -> memref<1x8x32xf32, #tpu.memory_space<hbm>>
      tpu.enqueue_dma source(%dma_start3A_1231 : memref<1x8x32xf32, #tpu.memory_space<hbm>>) target(%dma_start3A_1228 : memref<1x8x32xf32, #tpu.memory_space<vmem>>) target_semaphore(%arg18 : memref<!tpu.dma_semaphore, #tpu.memory_space<semaphore_mem>>)
      %slice3A_1232 = vector.extract_strided_slice %shift_right_logical3A_1003 {offsets = [12], sizes = [1], strides = [1]} : vector<16xi32> to vector<1xi32>
      %squeeze3A_1233 = vector.extract %slice3A_1232[0] : i32 from vector<1xi32>
      %dma_start3A_1234 = arith.constant 1 : i32
      %dma_start3A_1235 = arith.constant 28 : i32
      %dma_start3A_1236 = arith.constant 0 : i32
      %dma_start3A_1237 = arith.constant 0 : i32
      %dma_start3A_1238 = tpu.memref_slice %arg16[%dma_start3A_1234, %dma_start3A_1235, %dma_start3A_1236, %dma_start3A_1237] : memref<3x32x8x32xf32, #tpu.memory_space<vmem>> -> memref<1x1x8x32xf32, #tpu.memory_space<vmem>>
      %dma_start3A_1239 = tpu.memref_squeeze %dma_start3A_1238 : memref<1x1x8x32xf32, #tpu.memory_space<vmem>> -> memref<1x8x32xf32, #tpu.memory_space<vmem>>
      %dma_start3A_1240 = arith.constant 0 : i32
      %dma_start3A_1241 = arith.constant 0 : i32
      %dma_start3A_1242 = tpu.memref_slice %arg8[%squeeze3A_1233, %dma_start3A_1240, %dma_start3A_1241] : memref<12500x8x32xf32, #tpu.memory_space<hbm>> -> memref<1x8x32xf32, #tpu.memory_space<hbm>>
      %dma_start3A_1243 = arith.constant 28 : i32
      %dma_start3A_1244 = arith.constant 0 : i32
      %dma_start3A_1245 = arith.constant 0 : i32
      %dma_start3A_1246 = tpu.memref_slice %arg16[%dma_start3A_1234, %dma_start3A_1243, %dma_start3A_1244, %dma_start3A_1245] : memref<3x32x8x32xf32, #tpu.memory_space<vmem>> -> memref<1x1x8x32xf32, #tpu.memory_space<vmem>>
      %dma_start3A_1247 = tpu.memref_squeeze %dma_start3A_1246 : memref<1x1x8x32xf32, #tpu.memory_space<vmem>> -> memref<1x8x32xf32, #tpu.memory_space<vmem>>
      %dma_start3A_1248 = arith.constant 0 : i32
      %dma_start3A_1249 = arith.constant 0 : i32
      %dma_start3A_1250 = tpu.memref_slice %arg8[%squeeze3A_1233, %dma_start3A_1248, %dma_start3A_1249] : memref<12500x8x32xf32, #tpu.memory_space<hbm>> -> memref<1x8x32xf32, #tpu.memory_space<hbm>>
      tpu.enqueue_dma source(%dma_start3A_1250 : memref<1x8x32xf32, #tpu.memory_space<hbm>>) target(%dma_start3A_1247 : memref<1x8x32xf32, #tpu.memory_space<vmem>>) target_semaphore(%arg18 : memref<!tpu.dma_semaphore, #tpu.memory_space<semaphore_mem>>)
      %slice3A_1251 = vector.extract_strided_slice %shift_right_logical3A_1003 {offsets = [13], sizes = [1], strides = [1]} : vector<16xi32> to vector<1xi32>
      %squeeze3A_1252 = vector.extract %slice3A_1251[0] : i32 from vector<1xi32>
      %dma_start3A_1253 = arith.constant 1 : i32
      %dma_start3A_1254 = arith.constant 29 : i32
      %dma_start3A_1255 = arith.constant 0 : i32
      %dma_start3A_1256 = arith.constant 0 : i32
      %dma_start3A_1257 = tpu.memref_slice %arg16[%dma_start3A_1253, %dma_start3A_1254, %dma_start3A_1255, %dma_start3A_1256] : memref<3x32x8x32xf32, #tpu.memory_space<vmem>> -> memref<1x1x8x32xf32, #tpu.memory_space<vmem>>
      %dma_start3A_1258 = tpu.memref_squeeze %dma_start3A_1257 : memref<1x1x8x32xf32, #tpu.memory_space<vmem>> -> memref<1x8x32xf32, #tpu.memory_space<vmem>>
      %dma_start3A_1259 = arith.constant 0 : i32
      %dma_start3A_1260 = arith.constant 0 : i32
      %dma_start3A_1261 = tpu.memref_slice %arg8[%squeeze3A_1252, %dma_start3A_1259, %dma_start3A_1260] : memref<12500x8x32xf32, #tpu.memory_space<hbm>> -> memref<1x8x32xf32, #tpu.memory_space<hbm>>
      %dma_start3A_1262 = arith.constant 29 : i32
      %dma_start3A_1263 = arith.constant 0 : i32
      %dma_start3A_1264 = arith.constant 0 : i32
      %dma_start3A_1265 = tpu.memref_slice %arg16[%dma_start3A_1253, %dma_start3A_1262, %dma_start3A_1263, %dma_start3A_1264] : memref<3x32x8x32xf32, #tpu.memory_space<vmem>> -> memref<1x1x8x32xf32, #tpu.memory_space<vmem>>
      %dma_start3A_1266 = tpu.memref_squeeze %dma_start3A_1265 : memref<1x1x8x32xf32, #tpu.memory_space<vmem>> -> memref<1x8x32xf32, #tpu.memory_space<vmem>>
      %dma_start3A_1267 = arith.constant 0 : i32
      %dma_start3A_1268 = arith.constant 0 : i32
      %dma_start3A_1269 = tpu.memref_slice %arg8[%squeeze3A_1252, %dma_start3A_1267, %dma_start3A_1268] : memref<12500x8x32xf32, #tpu.memory_space<hbm>> -> memref<1x8x32xf32, #tpu.memory_space<hbm>>
      tpu.enqueue_dma source(%dma_start3A_1269 : memref<1x8x32xf32, #tpu.memory_space<hbm>>) target(%dma_start3A_1266 : memref<1x8x32xf32, #tpu.memory_space<vmem>>) target_semaphore(%arg18 : memref<!tpu.dma_semaphore, #tpu.memory_space<semaphore_mem>>)
      %slice3A_1270 = vector.extract_strided_slice %shift_right_logical3A_1003 {offsets = [14], sizes = [1], strides = [1]} : vector<16xi32> to vector<1xi32>
      %squeeze3A_1271 = vector.extract %slice3A_1270[0] : i32 from vector<1xi32>
      %dma_start3A_1272 = arith.constant 1 : i32
      %dma_start3A_1273 = arith.constant 30 : i32
      %dma_start3A_1274 = arith.constant 0 : i32
      %dma_start3A_1275 = arith.constant 0 : i32
      %dma_start3A_1276 = tpu.memref_slice %arg16[%dma_start3A_1272, %dma_start3A_1273, %dma_start3A_1274, %dma_start3A_1275] : memref<3x32x8x32xf32, #tpu.memory_space<vmem>> -> memref<1x1x8x32xf32, #tpu.memory_space<vmem>>
      %dma_start3A_1277 = tpu.memref_squeeze %dma_start3A_1276 : memref<1x1x8x32xf32, #tpu.memory_space<vmem>> -> memref<1x8x32xf32, #tpu.memory_space<vmem>>
      %dma_start3A_1278 = arith.constant 0 : i32
      %dma_start3A_1279 = arith.constant 0 : i32
      %dma_start3A_1280 = tpu.memref_slice %arg8[%squeeze3A_1271, %dma_start3A_1278, %dma_start3A_1279] : memref<12500x8x32xf32, #tpu.memory_space<hbm>> -> memref<1x8x32xf32, #tpu.memory_space<hbm>>
      %dma_start3A_1281 = arith.constant 30 : i32
      %dma_start3A_1282 = arith.constant 0 : i32
      %dma_start3A_1283 = arith.constant 0 : i32
      %dma_start3A_1284 = tpu.memref_slice %arg16[%dma_start3A_1272, %dma_start3A_1281, %dma_start3A_1282, %dma_start3A_1283] : memref<3x32x8x32xf32, #tpu.memory_space<vmem>> -> memref<1x1x8x32xf32, #tpu.memory_space<vmem>>
      %dma_start3A_1285 = tpu.memref_squeeze %dma_start3A_1284 : memref<1x1x8x32xf32, #tpu.memory_space<vmem>> -> memref<1x8x32xf32, #tpu.memory_space<vmem>>
      %dma_start3A_1286 = arith.constant 0 : i32
      %dma_start3A_1287 = arith.constant 0 : i32
      %dma_start3A_1288 = tpu.memref_slice %arg8[%squeeze3A_1271, %dma_start3A_1286, %dma_start3A_1287] : memref<12500x8x32xf32, #tpu.memory_space<hbm>> -> memref<1x8x32xf32, #tpu.memory_space<hbm>>
      tpu.enqueue_dma source(%dma_start3A_1288 : memref<1x8x32xf32, #tpu.memory_space<hbm>>) target(%dma_start3A_1285 : memref<1x8x32xf32, #tpu.memory_space<vmem>>) target_semaphore(%arg18 : memref<!tpu.dma_semaphore, #tpu.memory_space<semaphore_mem>>)
      %slice3A_1289 = vector.extract_strided_slice %shift_right_logical3A_1003 {offsets = [15], sizes = [1], strides = [1]} : vector<16xi32> to vector<1xi32>
      %squeeze3A_1290 = vector.extract %slice3A_1289[0] : i32 from vector<1xi32>
      %dma_start3A_1291 = arith.constant 1 : i32
      %dma_start3A_1292 = arith.constant 31 : i32
      %dma_start3A_1293 = arith.constant 0 : i32
      %dma_start3A_1294 = arith.constant 0 : i32
      %dma_start3A_1295 = tpu.memref_slice %arg16[%dma_start3A_1291, %dma_start3A_1292, %dma_start3A_1293, %dma_start3A_1294] : memref<3x32x8x32xf32, #tpu.memory_space<vmem>> -> memref<1x1x8x32xf32, #tpu.memory_space<vmem>>
      %dma_start3A_1296 = tpu.memref_squeeze %dma_start3A_1295 : memref<1x1x8x32xf32, #tpu.memory_space<vmem>> -> memref<1x8x32xf32, #tpu.memory_space<vmem>>
      %dma_start3A_1297 = arith.constant 0 : i32
      %dma_start3A_1298 = arith.constant 0 : i32
      %dma_start3A_1299 = tpu.memref_slice %arg8[%squeeze3A_1290, %dma_start3A_1297, %dma_start3A_1298] : memref<12500x8x32xf32, #tpu.memory_space<hbm>> -> memref<1x8x32xf32, #tpu.memory_space<hbm>>
      %dma_start3A_1300 = arith.constant 31 : i32
      %dma_start3A_1301 = arith.constant 0 : i32
      %dma_start3A_1302 = arith.constant 0 : i32
      %dma_start3A_1303 = tpu.memref_slice %arg16[%dma_start3A_1291, %dma_start3A_1300, %dma_start3A_1301, %dma_start3A_1302] : memref<3x32x8x32xf32, #tpu.memory_space<vmem>> -> memref<1x1x8x32xf32, #tpu.memory_space<vmem>>
      %dma_start3A_1304 = tpu.memref_squeeze %dma_start3A_1303 : memref<1x1x8x32xf32, #tpu.memory_space<vmem>> -> memref<1x8x32xf32, #tpu.memory_space<vmem>>
      %dma_start3A_1305 = arith.constant 0 : i32
      %dma_start3A_1306 = arith.constant 0 : i32
      %dma_start3A_1307 = tpu.memref_slice %arg8[%squeeze3A_1290, %dma_start3A_1305, %dma_start3A_1306] : memref<12500x8x32xf32, #tpu.memory_space<hbm>> -> memref<1x8x32xf32, #tpu.memory_space<hbm>>
      tpu.enqueue_dma source(%dma_start3A_1307 : memref<1x8x32xf32, #tpu.memory_space<hbm>>) target(%dma_start3A_1304 : memref<1x8x32xf32, #tpu.memory_space<vmem>>) target_semaphore(%arg18 : memref<!tpu.dma_semaphore, #tpu.memory_space<semaphore_mem>>)
      %add3A_1308 = arith.constant 0 : i32
      %add3A_1309 = arith.addi %mul3A_58, %add3A_1308 : i32
      %get3A_1310 = arith.index_cast %add3A_1309 : i32 to index
      %get3A_1311 = tpu.vector_load %arg13[%get3A_1310] {strides = array<i32>} : memref<512xi32, #tpu.memory_space<vmem>>, vector<16xi32>,
      %shift_right_logical3A_1312 = arith.constant 3 : i32
      %shift_right_logical3A_1313 = vector.broadcast %shift_right_logical3A_1312 : i32 to vector<16xi32>
      %shift_right_logical3A_1314 = arith.shrui %get3A_1311, %shift_right_logical3A_1313 : vector<16xi32>
      %slice3A_1315 = vector.extract_strided_slice %shift_right_logical3A_1314 {offsets = [0], sizes = [1], strides = [1]} : vector<16xi32> to vector<1xi32>
      %squeeze3A_1316 = vector.extract %slice3A_1315[0] : i32 from vector<1xi32>
      %dma_start3A_1317 = arith.constant 2 : i32
      %dma_start3A_1318 = arith.constant 0 : i32
      %dma_start3A_1319 = arith.constant 0 : i32
      %dma_start3A_1320 = arith.constant 0 : i32
      %dma_start3A_1321 = tpu.memref_slice %arg16[%dma_start3A_1317, %dma_start3A_1318, %dma_start3A_1319, %dma_start3A_1320] : memref<3x32x8x32xf32, #tpu.memory_space<vmem>> -> memref<1x1x8x32xf32, #tpu.memory_space<vmem>>
      %dma_start3A_1322 = tpu.memref_squeeze %dma_start3A_1321 : memref<1x1x8x32xf32, #tpu.memory_space<vmem>> -> memref<1x8x32xf32, #tpu.memory_space<vmem>>
      %dma_start3A_1323 = arith.constant 0 : i32
      %dma_start3A_1324 = arith.constant 0 : i32
      %dma_start3A_1325 = tpu.memref_slice %arg9[%squeeze3A_1316, %dma_start3A_1323, %dma_start3A_1324] : memref<125000x8x32xf32, #tpu.memory_space<hbm>> -> memref<1x8x32xf32, #tpu.memory_space<hbm>>
      %dma_start3A_1326 = arith.constant 0 : i32
      %dma_start3A_1327 = arith.constant 0 : i32
      %dma_start3A_1328 = arith.constant 0 : i32
      %dma_start3A_1329 = tpu.memref_slice %arg16[%dma_start3A_1317, %dma_start3A_1326, %dma_start3A_1327, %dma_start3A_1328] : memref<3x32x8x32xf32, #tpu.memory_space<vmem>> -> memref<1x1x8x32xf32, #tpu.memory_space<vmem>>
      %dma_start3A_1330 = tpu.memref_squeeze %dma_start3A_1329 : memref<1x1x8x32xf32, #tpu.memory_space<vmem>> -> memref<1x8x32xf32, #tpu.memory_space<vmem>>
      %dma_start3A_1331 = arith.constant 0 : i32
      %dma_start3A_1332 = arith.constant 0 : i32
      %dma_start3A_1333 = tpu.memref_slice %arg9[%squeeze3A_1316, %dma_start3A_1331, %dma_start3A_1332] : memref<125000x8x32xf32, #tpu.memory_space<hbm>> -> memref<1x8x32xf32, #tpu.memory_space<hbm>>
      tpu.enqueue_dma source(%dma_start3A_1333 : memref<1x8x32xf32, #tpu.memory_space<hbm>>) target(%dma_start3A_1330 : memref<1x8x32xf32, #tpu.memory_space<vmem>>) target_semaphore(%arg18 : memref<!tpu.dma_semaphore, #tpu.memory_space<semaphore_mem>>)
      %slice3A_1334 = vector.extract_strided_slice %shift_right_logical3A_1314 {offsets = [1], sizes = [1], strides = [1]} : vector<16xi32> to vector<1xi32>
      %squeeze3A_1335 = vector.extract %slice3A_1334[0] : i32 from vector<1xi32>
      %dma_start3A_1336 = arith.constant 2 : i32
      %dma_start3A_1337 = arith.constant 1 : i32
      %dma_start3A_1338 = arith.constant 0 : i32
      %dma_start3A_1339 = arith.constant 0 : i32
      %dma_start3A_1340 = tpu.memref_slice %arg16[%dma_start3A_1336, %dma_start3A_1337, %dma_start3A_1338, %dma_start3A_1339] : memref<3x32x8x32xf32, #tpu.memory_space<vmem>> -> memref<1x1x8x32xf32, #tpu.memory_space<vmem>>
      %dma_start3A_1341 = tpu.memref_squeeze %dma_start3A_1340 : memref<1x1x8x32xf32, #tpu.memory_space<vmem>> -> memref<1x8x32xf32, #tpu.memory_space<vmem>>
      %dma_start3A_1342 = arith.constant 0 : i32
      %dma_start3A_1343 = arith.constant 0 : i32
      %dma_start3A_1344 = tpu.memref_slice %arg9[%squeeze3A_1335, %dma_start3A_1342, %dma_start3A_1343] : memref<125000x8x32xf32, #tpu.memory_space<hbm>> -> memref<1x8x32xf32, #tpu.memory_space<hbm>>
      %dma_start3A_1345 = arith.constant 1 : i32
      %dma_start3A_1346 = arith.constant 0 : i32
      %dma_start3A_1347 = arith.constant 0 : i32
      %dma_start3A_1348 = tpu.memref_slice %arg16[%dma_start3A_1336, %dma_start3A_1345, %dma_start3A_1346, %dma_start3A_1347] : memref<3x32x8x32xf32, #tpu.memory_space<vmem>> -> memref<1x1x8x32xf32, #tpu.memory_space<vmem>>
      %dma_start3A_1349 = tpu.memref_squeeze %dma_start3A_1348 : memref<1x1x8x32xf32, #tpu.memory_space<vmem>> -> memref<1x8x32xf32, #tpu.memory_space<vmem>>
      %dma_start3A_1350 = arith.constant 0 : i32
      %dma_start3A_1351 = arith.constant 0 : i32
      %dma_start3A_1352 = tpu.memref_slice %arg9[%squeeze3A_1335, %dma_start3A_1350, %dma_start3A_1351] : memref<125000x8x32xf32, #tpu.memory_space<hbm>> -> memref<1x8x32xf32, #tpu.memory_space<hbm>>
      tpu.enqueue_dma source(%dma_start3A_1352 : memref<1x8x32xf32, #tpu.memory_space<hbm>>) target(%dma_start3A_1349 : memref<1x8x32xf32, #tpu.memory_space<vmem>>) target_semaphore(%arg18 : memref<!tpu.dma_semaphore, #tpu.memory_space<semaphore_mem>>)
      %slice3A_1353 = vector.extract_strided_slice %shift_right_logical3A_1314 {offsets = [2], sizes = [1], strides = [1]} : vector<16xi32> to vector<1xi32>
      %squeeze3A_1354 = vector.extract %slice3A_1353[0] : i32 from vector<1xi32>
      %dma_start3A_1355 = arith.constant 2 : i32
      %dma_start3A_1356 = arith.constant 2 : i32
      %dma_start3A_1357 = arith.constant 0 : i32
      %dma_start3A_1358 = arith.constant 0 : i32
      %dma_start3A_1359 = tpu.memref_slice %arg16[%dma_start3A_1355, %dma_start3A_1356, %dma_start3A_1357, %dma_start3A_1358] : memref<3x32x8x32xf32, #tpu.memory_space<vmem>> -> memref<1x1x8x32xf32, #tpu.memory_space<vmem>>
      %dma_start3A_1360 = tpu.memref_squeeze %dma_start3A_1359 : memref<1x1x8x32xf32, #tpu.memory_space<vmem>> -> memref<1x8x32xf32, #tpu.memory_space<vmem>>
      %dma_start3A_1361 = arith.constant 0 : i32
      %dma_start3A_1362 = arith.constant 0 : i32
      %dma_start3A_1363 = tpu.memref_slice %arg9[%squeeze3A_1354, %dma_start3A_1361, %dma_start3A_1362] : memref<125000x8x32xf32, #tpu.memory_space<hbm>> -> memref<1x8x32xf32, #tpu.memory_space<hbm>>
      %dma_start3A_1364 = arith.constant 2 : i32
      %dma_start3A_1365 = arith.constant 0 : i32
      %dma_start3A_1366 = arith.constant 0 : i32
      %dma_start3A_1367 = tpu.memref_slice %arg16[%dma_start3A_1355, %dma_start3A_1364, %dma_start3A_1365, %dma_start3A_1366] : memref<3x32x8x32xf32, #tpu.memory_space<vmem>> -> memref<1x1x8x32xf32, #tpu.memory_space<vmem>>
      %dma_start3A_1368 = tpu.memref_squeeze %dma_start3A_1367 : memref<1x1x8x32xf32, #tpu.memory_space<vmem>> -> memref<1x8x32xf32, #tpu.memory_space<vmem>>
      %dma_start3A_1369 = arith.constant 0 : i32
      %dma_start3A_1370 = arith.constant 0 : i32
      %dma_start3A_1371 = tpu.memref_slice %arg9[%squeeze3A_1354, %dma_start3A_1369, %dma_start3A_1370] : memref<125000x8x32xf32, #tpu.memory_space<hbm>> -> memref<1x8x32xf32, #tpu.memory_space<hbm>>
      tpu.enqueue_dma source(%dma_start3A_1371 : memref<1x8x32xf32, #tpu.memory_space<hbm>>) target(%dma_start3A_1368 : memref<1x8x32xf32, #tpu.memory_space<vmem>>) target_semaphore(%arg18 : memref<!tpu.dma_semaphore, #tpu.memory_space<semaphore_mem>>)
      %slice3A_1372 = vector.extract_strided_slice %shift_right_logical3A_1314 {offsets = [3], sizes = [1], strides = [1]} : vector<16xi32> to vector<1xi32>
      %squeeze3A_1373 = vector.extract %slice3A_1372[0] : i32 from vector<1xi32>
      %dma_start3A_1374 = arith.constant 2 : i32
      %dma_start3A_1375 = arith.constant 3 : i32
      %dma_start3A_1376 = arith.constant 0 : i32
      %dma_start3A_1377 = arith.constant 0 : i32
      %dma_start3A_1378 = tpu.memref_slice %arg16[%dma_start3A_1374, %dma_start3A_1375, %dma_start3A_1376, %dma_start3A_1377] : memref<3x32x8x32xf32, #tpu.memory_space<vmem>> -> memref<1x1x8x32xf32, #tpu.memory_space<vmem>>
      %dma_start3A_1379 = tpu.memref_squeeze %dma_start3A_1378 : memref<1x1x8x32xf32, #tpu.memory_space<vmem>> -> memref<1x8x32xf32, #tpu.memory_space<vmem>>
      %dma_start3A_1380 = arith.constant 0 : i32
      %dma_start3A_1381 = arith.constant 0 : i32
      %dma_start3A_1382 = tpu.memref_slice %arg9[%squeeze3A_1373, %dma_start3A_1380, %dma_start3A_1381] : memref<125000x8x32xf32, #tpu.memory_space<hbm>> -> memref<1x8x32xf32, #tpu.memory_space<hbm>>
      %dma_start3A_1383 = arith.constant 3 : i32
      %dma_start3A_1384 = arith.constant 0 : i32
      %dma_start3A_1385 = arith.constant 0 : i32
      %dma_start3A_1386 = tpu.memref_slice %arg16[%dma_start3A_1374, %dma_start3A_1383, %dma_start3A_1384, %dma_start3A_1385] : memref<3x32x8x32xf32, #tpu.memory_space<vmem>> -> memref<1x1x8x32xf32, #tpu.memory_space<vmem>>
      %dma_start3A_1387 = tpu.memref_squeeze %dma_start3A_1386 : memref<1x1x8x32xf32, #tpu.memory_space<vmem>> -> memref<1x8x32xf32, #tpu.memory_space<vmem>>
      %dma_start3A_1388 = arith.constant 0 : i32
      %dma_start3A_1389 = arith.constant 0 : i32
      %dma_start3A_1390 = tpu.memref_slice %arg9[%squeeze3A_1373, %dma_start3A_1388, %dma_start3A_1389] : memref<125000x8x32xf32, #tpu.memory_space<hbm>> -> memref<1x8x32xf32, #tpu.memory_space<hbm>>
      tpu.enqueue_dma source(%dma_start3A_1390 : memref<1x8x32xf32, #tpu.memory_space<hbm>>) target(%dma_start3A_1387 : memref<1x8x32xf32, #tpu.memory_space<vmem>>) target_semaphore(%arg18 : memref<!tpu.dma_semaphore, #tpu.memory_space<semaphore_mem>>)
      %slice3A_1391 = vector.extract_strided_slice %shift_right_logical3A_1314 {offsets = [4], sizes = [1], strides = [1]} : vector<16xi32> to vector<1xi32>
      %squeeze3A_1392 = vector.extract %slice3A_1391[0] : i32 from vector<1xi32>
      %dma_start3A_1393 = arith.constant 2 : i32
      %dma_start3A_1394 = arith.constant 4 : i32
      %dma_start3A_1395 = arith.constant 0 : i32
      %dma_start3A_1396 = arith.constant 0 : i32
      %dma_start3A_1397 = tpu.memref_slice %arg16[%dma_start3A_1393, %dma_start3A_1394, %dma_start3A_1395, %dma_start3A_1396] : memref<3x32x8x32xf32, #tpu.memory_space<vmem>> -> memref<1x1x8x32xf32, #tpu.memory_space<vmem>>
      %dma_start3A_1398 = tpu.memref_squeeze %dma_start3A_1397 : memref<1x1x8x32xf32, #tpu.memory_space<vmem>> -> memref<1x8x32xf32, #tpu.memory_space<vmem>>
      %dma_start3A_1399 = arith.constant 0 : i32
      %dma_start3A_1400 = arith.constant 0 : i32
      %dma_start3A_1401 = tpu.memref_slice %arg9[%squeeze3A_1392, %dma_start3A_1399, %dma_start3A_1400] : memref<125000x8x32xf32, #tpu.memory_space<hbm>> -> memref<1x8x32xf32, #tpu.memory_space<hbm>>
      %dma_start3A_1402 = arith.constant 4 : i32
      %dma_start3A_1403 = arith.constant 0 : i32
      %dma_start3A_1404 = arith.constant 0 : i32
      %dma_start3A_1405 = tpu.memref_slice %arg16[%dma_start3A_1393, %dma_start3A_1402, %dma_start3A_1403, %dma_start3A_1404] : memref<3x32x8x32xf32, #tpu.memory_space<vmem>> -> memref<1x1x8x32xf32, #tpu.memory_space<vmem>>
      %dma_start3A_1406 = tpu.memref_squeeze %dma_start3A_1405 : memref<1x1x8x32xf32, #tpu.memory_space<vmem>> -> memref<1x8x32xf32, #tpu.memory_space<vmem>>
      %dma_start3A_1407 = arith.constant 0 : i32
      %dma_start3A_1408 = arith.constant 0 : i32
      %dma_start3A_1409 = tpu.memref_slice %arg9[%squeeze3A_1392, %dma_start3A_1407, %dma_start3A_1408] : memref<125000x8x32xf32, #tpu.memory_space<hbm>> -> memref<1x8x32xf32, #tpu.memory_space<hbm>>
      tpu.enqueue_dma source(%dma_start3A_1409 : memref<1x8x32xf32, #tpu.memory_space<hbm>>) target(%dma_start3A_1406 : memref<1x8x32xf32, #tpu.memory_space<vmem>>) target_semaphore(%arg18 : memref<!tpu.dma_semaphore, #tpu.memory_space<semaphore_mem>>)
      %slice3A_1410 = vector.extract_strided_slice %shift_right_logical3A_1314 {offsets = [5], sizes = [1], strides = [1]} : vector<16xi32> to vector<1xi32>
      %squeeze3A_1411 = vector.extract %slice3A_1410[0] : i32 from vector<1xi32>
      %dma_start3A_1412 = arith.constant 2 : i32
      %dma_start3A_1413 = arith.constant 5 : i32
      %dma_start3A_1414 = arith.constant 0 : i32
      %dma_start3A_1415 = arith.constant 0 : i32
      %dma_start3A_1416 = tpu.memref_slice %arg16[%dma_start3A_1412, %dma_start3A_1413, %dma_start3A_1414, %dma_start3A_1415] : memref<3x32x8x32xf32, #tpu.memory_space<vmem>> -> memref<1x1x8x32xf32, #tpu.memory_space<vmem>>
      %dma_start3A_1417 = tpu.memref_squeeze %dma_start3A_1416 : memref<1x1x8x32xf32, #tpu.memory_space<vmem>> -> memref<1x8x32xf32, #tpu.memory_space<vmem>>
      %dma_start3A_1418 = arith.constant 0 : i32
      %dma_start3A_1419 = arith.constant 0 : i32
      %dma_start3A_1420 = tpu.memref_slice %arg9[%squeeze3A_1411, %dma_start3A_1418, %dma_start3A_1419] : memref<125000x8x32xf32, #tpu.memory_space<hbm>> -> memref<1x8x32xf32, #tpu.memory_space<hbm>>
      %dma_start3A_1421 = arith.constant 5 : i32
      %dma_start3A_1422 = arith.constant 0 : i32
      %dma_start3A_1423 = arith.constant 0 : i32
      %dma_start3A_1424 = tpu.memref_slice %arg16[%dma_start3A_1412, %dma_start3A_1421, %dma_start3A_1422, %dma_start3A_1423] : memref<3x32x8x32xf32, #tpu.memory_space<vmem>> -> memref<1x1x8x32xf32, #tpu.memory_space<vmem>>
      %dma_start3A_1425 = tpu.memref_squeeze %dma_start3A_1424 : memref<1x1x8x32xf32, #tpu.memory_space<vmem>> -> memref<1x8x32xf32, #tpu.memory_space<vmem>>
      %dma_start3A_1426 = arith.constant 0 : i32
      %dma_start3A_1427 = arith.constant 0 : i32
      %dma_start3A_1428 = tpu.memref_slice %arg9[%squeeze3A_1411, %dma_start3A_1426, %dma_start3A_1427] : memref<125000x8x32xf32, #tpu.memory_space<hbm>> -> memref<1x8x32xf32, #tpu.memory_space<hbm>>
      tpu.enqueue_dma source(%dma_start3A_1428 : memref<1x8x32xf32, #tpu.memory_space<hbm>>) target(%dma_start3A_1425 : memref<1x8x32xf32, #tpu.memory_space<vmem>>) target_semaphore(%arg18 : memref<!tpu.dma_semaphore, #tpu.memory_space<semaphore_mem>>)
      %slice3A_1429 = vector.extract_strided_slice %shift_right_logical3A_1314 {offsets = [6], sizes = [1], strides = [1]} : vector<16xi32> to vector<1xi32>
      %squeeze3A_1430 = vector.extract %slice3A_1429[0] : i32 from vector<1xi32>
      %dma_start3A_1431 = arith.constant 2 : i32
      %dma_start3A_1432 = arith.constant 6 : i32
      %dma_start3A_1433 = arith.constant 0 : i32
      %dma_start3A_1434 = arith.constant 0 : i32
      %dma_start3A_1435 = tpu.memref_slice %arg16[%dma_start3A_1431, %dma_start3A_1432, %dma_start3A_1433, %dma_start3A_1434] : memref<3x32x8x32xf32, #tpu.memory_space<vmem>> -> memref<1x1x8x32xf32, #tpu.memory_space<vmem>>
      %dma_start3A_1436 = tpu.memref_squeeze %dma_start3A_1435 : memref<1x1x8x32xf32, #tpu.memory_space<vmem>> -> memref<1x8x32xf32, #tpu.memory_space<vmem>>
      %dma_start3A_1437 = arith.constant 0 : i32
      %dma_start3A_1438 = arith.constant 0 : i32
      %dma_start3A_1439 = tpu.memref_slice %arg9[%squeeze3A_1430, %dma_start3A_1437, %dma_start3A_1438] : memref<125000x8x32xf32, #tpu.memory_space<hbm>> -> memref<1x8x32xf32, #tpu.memory_space<hbm>>
      %dma_start3A_1440 = arith.constant 6 : i32
      %dma_start3A_1441 = arith.constant 0 : i32
      %dma_start3A_1442 = arith.constant 0 : i32
      %dma_start3A_1443 = tpu.memref_slice %arg16[%dma_start3A_1431, %dma_start3A_1440, %dma_start3A_1441, %dma_start3A_1442] : memref<3x32x8x32xf32, #tpu.memory_space<vmem>> -> memref<1x1x8x32xf32, #tpu.memory_space<vmem>>
      %dma_start3A_1444 = tpu.memref_squeeze %dma_start3A_1443 : memref<1x1x8x32xf32, #tpu.memory_space<vmem>> -> memref<1x8x32xf32, #tpu.memory_space<vmem>>
      %dma_start3A_1445 = arith.constant 0 : i32
      %dma_start3A_1446 = arith.constant 0 : i32
      %dma_start3A_1447 = tpu.memref_slice %arg9[%squeeze3A_1430, %dma_start3A_1445, %dma_start3A_1446] : memref<125000x8x32xf32, #tpu.memory_space<hbm>> -> memref<1x8x32xf32, #tpu.memory_space<hbm>>
      tpu.enqueue_dma source(%dma_start3A_1447 : memref<1x8x32xf32, #tpu.memory_space<hbm>>) target(%dma_start3A_1444 : memref<1x8x32xf32, #tpu.memory_space<vmem>>) target_semaphore(%arg18 : memref<!tpu.dma_semaphore, #tpu.memory_space<semaphore_mem>>)
      %slice3A_1448 = vector.extract_strided_slice %shift_right_logical3A_1314 {offsets = [7], sizes = [1], strides = [1]} : vector<16xi32> to vector<1xi32>
      %squeeze3A_1449 = vector.extract %slice3A_1448[0] : i32 from vector<1xi32>
      %dma_start3A_1450 = arith.constant 2 : i32
      %dma_start3A_1451 = arith.constant 7 : i32
      %dma_start3A_1452 = arith.constant 0 : i32
      %dma_start3A_1453 = arith.constant 0 : i32
      %dma_start3A_1454 = tpu.memref_slice %arg16[%dma_start3A_1450, %dma_start3A_1451, %dma_start3A_1452, %dma_start3A_1453] : memref<3x32x8x32xf32, #tpu.memory_space<vmem>> -> memref<1x1x8x32xf32, #tpu.memory_space<vmem>>
      %dma_start3A_1455 = tpu.memref_squeeze %dma_start3A_1454 : memref<1x1x8x32xf32, #tpu.memory_space<vmem>> -> memref<1x8x32xf32, #tpu.memory_space<vmem>>
      %dma_start3A_1456 = arith.constant 0 : i32
      %dma_start3A_1457 = arith.constant 0 : i32
      %dma_start3A_1458 = tpu.memref_slice %arg9[%squeeze3A_1449, %dma_start3A_1456, %dma_start3A_1457] : memref<125000x8x32xf32, #tpu.memory_space<hbm>> -> memref<1x8x32xf32, #tpu.memory_space<hbm>>
      %dma_start3A_1459 = arith.constant 7 : i32
      %dma_start3A_1460 = arith.constant 0 : i32
      %dma_start3A_1461 = arith.constant 0 : i32
      %dma_start3A_1462 = tpu.memref_slice %arg16[%dma_start3A_1450, %dma_start3A_1459, %dma_start3A_1460, %dma_start3A_1461] : memref<3x32x8x32xf32, #tpu.memory_space<vmem>> -> memref<1x1x8x32xf32, #tpu.memory_space<vmem>>
      %dma_start3A_1463 = tpu.memref_squeeze %dma_start3A_1462 : memref<1x1x8x32xf32, #tpu.memory_space<vmem>> -> memref<1x8x32xf32, #tpu.memory_space<vmem>>
      %dma_start3A_1464 = arith.constant 0 : i32
      %dma_start3A_1465 = arith.constant 0 : i32
      %dma_start3A_1466 = tpu.memref_slice %arg9[%squeeze3A_1449, %dma_start3A_1464, %dma_start3A_1465] : memref<125000x8x32xf32, #tpu.memory_space<hbm>> -> memref<1x8x32xf32, #tpu.memory_space<hbm>>
      tpu.enqueue_dma source(%dma_start3A_1466 : memref<1x8x32xf32, #tpu.memory_space<hbm>>) target(%dma_start3A_1463 : memref<1x8x32xf32, #tpu.memory_space<vmem>>) target_semaphore(%arg18 : memref<!tpu.dma_semaphore, #tpu.memory_space<semaphore_mem>>)
      %slice3A_1467 = vector.extract_strided_slice %shift_right_logical3A_1314 {offsets = [8], sizes = [1], strides = [1]} : vector<16xi32> to vector<1xi32>
      %squeeze3A_1468 = vector.extract %slice3A_1467[0] : i32 from vector<1xi32>
      %dma_start3A_1469 = arith.constant 2 : i32
      %dma_start3A_1470 = arith.constant 8 : i32
      %dma_start3A_1471 = arith.constant 0 : i32
      %dma_start3A_1472 = arith.constant 0 : i32
      %dma_start3A_1473 = tpu.memref_slice %arg16[%dma_start3A_1469, %dma_start3A_1470, %dma_start3A_1471, %dma_start3A_1472] : memref<3x32x8x32xf32, #tpu.memory_space<vmem>> -> memref<1x1x8x32xf32, #tpu.memory_space<vmem>>
      %dma_start3A_1474 = tpu.memref_squeeze %dma_start3A_1473 : memref<1x1x8x32xf32, #tpu.memory_space<vmem>> -> memref<1x8x32xf32, #tpu.memory_space<vmem>>
      %dma_start3A_1475 = arith.constant 0 : i32
      %dma_start3A_1476 = arith.constant 0 : i32
      %dma_start3A_1477 = tpu.memref_slice %arg9[%squeeze3A_1468, %dma_start3A_1475, %dma_start3A_1476] : memref<125000x8x32xf32, #tpu.memory_space<hbm>> -> memref<1x8x32xf32, #tpu.memory_space<hbm>>
      %dma_start3A_1478 = arith.constant 8 : i32
      %dma_start3A_1479 = arith.constant 0 : i32
      %dma_start3A_1480 = arith.constant 0 : i32
      %dma_start3A_1481 = tpu.memref_slice %arg16[%dma_start3A_1469, %dma_start3A_1478, %dma_start3A_1479, %dma_start3A_1480] : memref<3x32x8x32xf32, #tpu.memory_space<vmem>> -> memref<1x1x8x32xf32, #tpu.memory_space<vmem>>
      %dma_start3A_1482 = tpu.memref_squeeze %dma_start3A_1481 : memref<1x1x8x32xf32, #tpu.memory_space<vmem>> -> memref<1x8x32xf32, #tpu.memory_space<vmem>>
      %dma_start3A_1483 = arith.constant 0 : i32
      %dma_start3A_1484 = arith.constant 0 : i32
      %dma_start3A_1485 = tpu.memref_slice %arg9[%squeeze3A_1468, %dma_start3A_1483, %dma_start3A_1484] : memref<125000x8x32xf32, #tpu.memory_space<hbm>> -> memref<1x8x32xf32, #tpu.memory_space<hbm>>
      tpu.enqueue_dma source(%dma_start3A_1485 : memref<1x8x32xf32, #tpu.memory_space<hbm>>) target(%dma_start3A_1482 : memref<1x8x32xf32, #tpu.memory_space<vmem>>) target_semaphore(%arg18 : memref<!tpu.dma_semaphore, #tpu.memory_space<semaphore_mem>>)
      %slice3A_1486 = vector.extract_strided_slice %shift_right_logical3A_1314 {offsets = [9], sizes = [1], strides = [1]} : vector<16xi32> to vector<1xi32>
      %squeeze3A_1487 = vector.extract %slice3A_1486[0] : i32 from vector<1xi32>
      %dma_start3A_1488 = arith.constant 2 : i32
      %dma_start3A_1489 = arith.constant 9 : i32
      %dma_start3A_1490 = arith.constant 0 : i32
      %dma_start3A_1491 = arith.constant 0 : i32
      %dma_start3A_1492 = tpu.memref_slice %arg16[%dma_start3A_1488, %dma_start3A_1489, %dma_start3A_1490, %dma_start3A_1491] : memref<3x32x8x32xf32, #tpu.memory_space<vmem>> -> memref<1x1x8x32xf32, #tpu.memory_space<vmem>>
      %dma_start3A_1493 = tpu.memref_squeeze %dma_start3A_1492 : memref<1x1x8x32xf32, #tpu.memory_space<vmem>> -> memref<1x8x32xf32, #tpu.memory_space<vmem>>
      %dma_start3A_1494 = arith.constant 0 : i32
      %dma_start3A_1495 = arith.constant 0 : i32
      %dma_start3A_1496 = tpu.memref_slice %arg9[%squeeze3A_1487, %dma_start3A_1494, %dma_start3A_1495] : memref<125000x8x32xf32, #tpu.memory_space<hbm>> -> memref<1x8x32xf32, #tpu.memory_space<hbm>>
      %dma_start3A_1497 = arith.constant 9 : i32
      %dma_start3A_1498 = arith.constant 0 : i32
      %dma_start3A_1499 = arith.constant 0 : i32
      %dma_start3A_1500 = tpu.memref_slice %arg16[%dma_start3A_1488, %dma_start3A_1497, %dma_start3A_1498, %dma_start3A_1499] : memref<3x32x8x32xf32, #tpu.memory_space<vmem>> -> memref<1x1x8x32xf32, #tpu.memory_space<vmem>>
      %dma_start3A_1501 = tpu.memref_squeeze %dma_start3A_1500 : memref<1x1x8x32xf32, #tpu.memory_space<vmem>> -> memref<1x8x32xf32, #tpu.memory_space<vmem>>
      %dma_start3A_1502 = arith.constant 0 : i32
      %dma_start3A_1503 = arith.constant 0 : i32
      %dma_start3A_1504 = tpu.memref_slice %arg9[%squeeze3A_1487, %dma_start3A_1502, %dma_start3A_1503] : memref<125000x8x32xf32, #tpu.memory_space<hbm>> -> memref<1x8x32xf32, #tpu.memory_space<hbm>>
      tpu.enqueue_dma source(%dma_start3A_1504 : memref<1x8x32xf32, #tpu.memory_space<hbm>>) target(%dma_start3A_1501 : memref<1x8x32xf32, #tpu.memory_space<vmem>>) target_semaphore(%arg18 : memref<!tpu.dma_semaphore, #tpu.memory_space<semaphore_mem>>)
      %slice3A_1505 = vector.extract_strided_slice %shift_right_logical3A_1314 {offsets = [10], sizes = [1], strides = [1]} : vector<16xi32> to vector<1xi32>
      %squeeze3A_1506 = vector.extract %slice3A_1505[0] : i32 from vector<1xi32>
      %dma_start3A_1507 = arith.constant 2 : i32
      %dma_start3A_1508 = arith.constant 10 : i32
      %dma_start3A_1509 = arith.constant 0 : i32
      %dma_start3A_1510 = arith.constant 0 : i32
      %dma_start3A_1511 = tpu.memref_slice %arg16[%dma_start3A_1507, %dma_start3A_1508, %dma_start3A_1509, %dma_start3A_1510] : memref<3x32x8x32xf32, #tpu.memory_space<vmem>> -> memref<1x1x8x32xf32, #tpu.memory_space<vmem>>
      %dma_start3A_1512 = tpu.memref_squeeze %dma_start3A_1511 : memref<1x1x8x32xf32, #tpu.memory_space<vmem>> -> memref<1x8x32xf32, #tpu.memory_space<vmem>>
      %dma_start3A_1513 = arith.constant 0 : i32
      %dma_start3A_1514 = arith.constant 0 : i32
      %dma_start3A_1515 = tpu.memref_slice %arg9[%squeeze3A_1506, %dma_start3A_1513, %dma_start3A_1514] : memref<125000x8x32xf32, #tpu.memory_space<hbm>> -> memref<1x8x32xf32, #tpu.memory_space<hbm>>
      %dma_start3A_1516 = arith.constant 10 : i32
      %dma_start3A_1517 = arith.constant 0 : i32
      %dma_start3A_1518 = arith.constant 0 : i32
      %dma_start3A_1519 = tpu.memref_slice %arg16[%dma_start3A_1507, %dma_start3A_1516, %dma_start3A_1517, %dma_start3A_1518] : memref<3x32x8x32xf32, #tpu.memory_space<vmem>> -> memref<1x1x8x32xf32, #tpu.memory_space<vmem>>
      %dma_start3A_1520 = tpu.memref_squeeze %dma_start3A_1519 : memref<1x1x8x32xf32, #tpu.memory_space<vmem>> -> memref<1x8x32xf32, #tpu.memory_space<vmem>>
      %dma_start3A_1521 = arith.constant 0 : i32
      %dma_start3A_1522 = arith.constant 0 : i32
      %dma_start3A_1523 = tpu.memref_slice %arg9[%squeeze3A_1506, %dma_start3A_1521, %dma_start3A_1522] : memref<125000x8x32xf32, #tpu.memory_space<hbm>> -> memref<1x8x32xf32, #tpu.memory_space<hbm>>
      tpu.enqueue_dma source(%dma_start3A_1523 : memref<1x8x32xf32, #tpu.memory_space<hbm>>) target(%dma_start3A_1520 : memref<1x8x32xf32, #tpu.memory_space<vmem>>) target_semaphore(%arg18 : memref<!tpu.dma_semaphore, #tpu.memory_space<semaphore_mem>>)
      %slice3A_1524 = vector.extract_strided_slice %shift_right_logical3A_1314 {offsets = [11], sizes = [1], strides = [1]} : vector<16xi32> to vector<1xi32>
      %squeeze3A_1525 = vector.extract %slice3A_1524[0] : i32 from vector<1xi32>
      %dma_start3A_1526 = arith.constant 2 : i32
      %dma_start3A_1527 = arith.constant 11 : i32
      %dma_start3A_1528 = arith.constant 0 : i32
      %dma_start3A_1529 = arith.constant 0 : i32
      %dma_start3A_1530 = tpu.memref_slice %arg16[%dma_start3A_1526, %dma_start3A_1527, %dma_start3A_1528, %dma_start3A_1529] : memref<3x32x8x32xf32, #tpu.memory_space<vmem>> -> memref<1x1x8x32xf32, #tpu.memory_space<vmem>>
      %dma_start3A_1531 = tpu.memref_squeeze %dma_start3A_1530 : memref<1x1x8x32xf32, #tpu.memory_space<vmem>> -> memref<1x8x32xf32, #tpu.memory_space<vmem>>
      %dma_start3A_1532 = arith.constant 0 : i32
      %dma_start3A_1533 = arith.constant 0 : i32
      %dma_start3A_1534 = tpu.memref_slice %arg9[%squeeze3A_1525, %dma_start3A_1532, %dma_start3A_1533] : memref<125000x8x32xf32, #tpu.memory_space<hbm>> -> memref<1x8x32xf32, #tpu.memory_space<hbm>>
      %dma_start3A_1535 = arith.constant 11 : i32
      %dma_start3A_1536 = arith.constant 0 : i32
      %dma_start3A_1537 = arith.constant 0 : i32
      %dma_start3A_1538 = tpu.memref_slice %arg16[%dma_start3A_1526, %dma_start3A_1535, %dma_start3A_1536, %dma_start3A_1537] : memref<3x32x8x32xf32, #tpu.memory_space<vmem>> -> memref<1x1x8x32xf32, #tpu.memory_space<vmem>>
      %dma_start3A_1539 = tpu.memref_squeeze %dma_start3A_1538 : memref<1x1x8x32xf32, #tpu.memory_space<vmem>> -> memref<1x8x32xf32, #tpu.memory_space<vmem>>
      %dma_start3A_1540 = arith.constant 0 : i32
      %dma_start3A_1541 = arith.constant 0 : i32
      %dma_start3A_1542 = tpu.memref_slice %arg9[%squeeze3A_1525, %dma_start3A_1540, %dma_start3A_1541] : memref<125000x8x32xf32, #tpu.memory_space<hbm>> -> memref<1x8x32xf32, #tpu.memory_space<hbm>>
      tpu.enqueue_dma source(%dma_start3A_1542 : memref<1x8x32xf32, #tpu.memory_space<hbm>>) target(%dma_start3A_1539 : memref<1x8x32xf32, #tpu.memory_space<vmem>>) target_semaphore(%arg18 : memref<!tpu.dma_semaphore, #tpu.memory_space<semaphore_mem>>)
      %slice3A_1543 = vector.extract_strided_slice %shift_right_logical3A_1314 {offsets = [12], sizes = [1], strides = [1]} : vector<16xi32> to vector<1xi32>
      %squeeze3A_1544 = vector.extract %slice3A_1543[0] : i32 from vector<1xi32>
      %dma_start3A_1545 = arith.constant 2 : i32
      %dma_start3A_1546 = arith.constant 12 : i32
      %dma_start3A_1547 = arith.constant 0 : i32
      %dma_start3A_1548 = arith.constant 0 : i32
      %dma_start3A_1549 = tpu.memref_slice %arg16[%dma_start3A_1545, %dma_start3A_1546, %dma_start3A_1547, %dma_start3A_1548] : memref<3x32x8x32xf32, #tpu.memory_space<vmem>> -> memref<1x1x8x32xf32, #tpu.memory_space<vmem>>
      %dma_start3A_1550 = tpu.memref_squeeze %dma_start3A_1549 : memref<1x1x8x32xf32, #tpu.memory_space<vmem>> -> memref<1x8x32xf32, #tpu.memory_space<vmem>>
      %dma_start3A_1551 = arith.constant 0 : i32
      %dma_start3A_1552 = arith.constant 0 : i32
      %dma_start3A_1553 = tpu.memref_slice %arg9[%squeeze3A_1544, %dma_start3A_1551, %dma_start3A_1552] : memref<125000x8x32xf32, #tpu.memory_space<hbm>> -> memref<1x8x32xf32, #tpu.memory_space<hbm>>
      %dma_start3A_1554 = arith.constant 12 : i32
      %dma_start3A_1555 = arith.constant 0 : i32
      %dma_start3A_1556 = arith.constant 0 : i32
      %dma_start3A_1557 = tpu.memref_slice %arg16[%dma_start3A_1545, %dma_start3A_1554, %dma_start3A_1555, %dma_start3A_1556] : memref<3x32x8x32xf32, #tpu.memory_space<vmem>> -> memref<1x1x8x32xf32, #tpu.memory_space<vmem>>
      %dma_start3A_1558 = tpu.memref_squeeze %dma_start3A_1557 : memref<1x1x8x32xf32, #tpu.memory_space<vmem>> -> memref<1x8x32xf32, #tpu.memory_space<vmem>>
      %dma_start3A_1559 = arith.constant 0 : i32
      %dma_start3A_1560 = arith.constant 0 : i32
      %dma_start3A_1561 = tpu.memref_slice %arg9[%squeeze3A_1544, %dma_start3A_1559, %dma_start3A_1560] : memref<125000x8x32xf32, #tpu.memory_space<hbm>> -> memref<1x8x32xf32, #tpu.memory_space<hbm>>
      tpu.enqueue_dma source(%dma_start3A_1561 : memref<1x8x32xf32, #tpu.memory_space<hbm>>) target(%dma_start3A_1558 : memref<1x8x32xf32, #tpu.memory_space<vmem>>) target_semaphore(%arg18 : memref<!tpu.dma_semaphore, #tpu.memory_space<semaphore_mem>>)
      %slice3A_1562 = vector.extract_strided_slice %shift_right_logical3A_1314 {offsets = [13], sizes = [1], strides = [1]} : vector<16xi32> to vector<1xi32>
      %squeeze3A_1563 = vector.extract %slice3A_1562[0] : i32 from vector<1xi32>
      %dma_start3A_1564 = arith.constant 2 : i32
      %dma_start3A_1565 = arith.constant 13 : i32
      %dma_start3A_1566 = arith.constant 0 : i32
      %dma_start3A_1567 = arith.constant 0 : i32
      %dma_start3A_1568 = tpu.memref_slice %arg16[%dma_start3A_1564, %dma_start3A_1565, %dma_start3A_1566, %dma_start3A_1567] : memref<3x32x8x32xf32, #tpu.memory_space<vmem>> -> memref<1x1x8x32xf32, #tpu.memory_space<vmem>>
      %dma_start3A_1569 = tpu.memref_squeeze %dma_start3A_1568 : memref<1x1x8x32xf32, #tpu.memory_space<vmem>> -> memref<1x8x32xf32, #tpu.memory_space<vmem>>
      %dma_start3A_1570 = arith.constant 0 : i32
      %dma_start3A_1571 = arith.constant 0 : i32
      %dma_start3A_1572 = tpu.memref_slice %arg9[%squeeze3A_1563, %dma_start3A_1570, %dma_start3A_1571] : memref<125000x8x32xf32, #tpu.memory_space<hbm>> -> memref<1x8x32xf32, #tpu.memory_space<hbm>>
      %dma_start3A_1573 = arith.constant 13 : i32
      %dma_start3A_1574 = arith.constant 0 : i32
      %dma_start3A_1575 = arith.constant 0 : i32
      %dma_start3A_1576 = tpu.memref_slice %arg16[%dma_start3A_1564, %dma_start3A_1573, %dma_start3A_1574, %dma_start3A_1575] : memref<3x32x8x32xf32, #tpu.memory_space<vmem>> -> memref<1x1x8x32xf32, #tpu.memory_space<vmem>>
      %dma_start3A_1577 = tpu.memref_squeeze %dma_start3A_1576 : memref<1x1x8x32xf32, #tpu.memory_space<vmem>> -> memref<1x8x32xf32, #tpu.memory_space<vmem>>
      %dma_start3A_1578 = arith.constant 0 : i32
      %dma_start3A_1579 = arith.constant 0 : i32
      %dma_start3A_1580 = tpu.memref_slice %arg9[%squeeze3A_1563, %dma_start3A_1578, %dma_start3A_1579] : memref<125000x8x32xf32, #tpu.memory_space<hbm>> -> memref<1x8x32xf32, #tpu.memory_space<hbm>>
      tpu.enqueue_dma source(%dma_start3A_1580 : memref<1x8x32xf32, #tpu.memory_space<hbm>>) target(%dma_start3A_1577 : memref<1x8x32xf32, #tpu.memory_space<vmem>>) target_semaphore(%arg18 : memref<!tpu.dma_semaphore, #tpu.memory_space<semaphore_mem>>)
      %slice3A_1581 = vector.extract_strided_slice %shift_right_logical3A_1314 {offsets = [14], sizes = [1], strides = [1]} : vector<16xi32> to vector<1xi32>
      %squeeze3A_1582 = vector.extract %slice3A_1581[0] : i32 from vector<1xi32>
      %dma_start3A_1583 = arith.constant 2 : i32
      %dma_start3A_1584 = arith.constant 14 : i32
      %dma_start3A_1585 = arith.constant 0 : i32
      %dma_start3A_1586 = arith.constant 0 : i32
      %dma_start3A_1587 = tpu.memref_slice %arg16[%dma_start3A_1583, %dma_start3A_1584, %dma_start3A_1585, %dma_start3A_1586] : memref<3x32x8x32xf32, #tpu.memory_space<vmem>> -> memref<1x1x8x32xf32, #tpu.memory_space<vmem>>
      %dma_start3A_1588 = tpu.memref_squeeze %dma_start3A_1587 : memref<1x1x8x32xf32, #tpu.memory_space<vmem>> -> memref<1x8x32xf32, #tpu.memory_space<vmem>>
      %dma_start3A_1589 = arith.constant 0 : i32
      %dma_start3A_1590 = arith.constant 0 : i32
      %dma_start3A_1591 = tpu.memref_slice %arg9[%squeeze3A_1582, %dma_start3A_1589, %dma_start3A_1590] : memref<125000x8x32xf32, #tpu.memory_space<hbm>> -> memref<1x8x32xf32, #tpu.memory_space<hbm>>
      %dma_start3A_1592 = arith.constant 14 : i32
      %dma_start3A_1593 = arith.constant 0 : i32
      %dma_start3A_1594 = arith.constant 0 : i32
      %dma_start3A_1595 = tpu.memref_slice %arg16[%dma_start3A_1583, %dma_start3A_1592, %dma_start3A_1593, %dma_start3A_1594] : memref<3x32x8x32xf32, #tpu.memory_space<vmem>> -> memref<1x1x8x32xf32, #tpu.memory_space<vmem>>
      %dma_start3A_1596 = tpu.memref_squeeze %dma_start3A_1595 : memref<1x1x8x32xf32, #tpu.memory_space<vmem>> -> memref<1x8x32xf32, #tpu.memory_space<vmem>>
      %dma_start3A_1597 = arith.constant 0 : i32
      %dma_start3A_1598 = arith.constant 0 : i32
      %dma_start3A_1599 = tpu.memref_slice %arg9[%squeeze3A_1582, %dma_start3A_1597, %dma_start3A_1598] : memref<125000x8x32xf32, #tpu.memory_space<hbm>> -> memref<1x8x32xf32, #tpu.memory_space<hbm>>
      tpu.enqueue_dma source(%dma_start3A_1599 : memref<1x8x32xf32, #tpu.memory_space<hbm>>) target(%dma_start3A_1596 : memref<1x8x32xf32, #tpu.memory_space<vmem>>) target_semaphore(%arg18 : memref<!tpu.dma_semaphore, #tpu.memory_space<semaphore_mem>>)
      %slice3A_1600 = vector.extract_strided_slice %shift_right_logical3A_1314 {offsets = [15], sizes = [1], strides = [1]} : vector<16xi32> to vector<1xi32>
      %squeeze3A_1601 = vector.extract %slice3A_1600[0] : i32 from vector<1xi32>
      %dma_start3A_1602 = arith.constant 2 : i32
      %dma_start3A_1603 = arith.constant 15 : i32
      %dma_start3A_1604 = arith.constant 0 : i32
      %dma_start3A_1605 = arith.constant 0 : i32
      %dma_start3A_1606 = tpu.memref_slice %arg16[%dma_start3A_1602, %dma_start3A_1603, %dma_start3A_1604, %dma_start3A_1605] : memref<3x32x8x32xf32, #tpu.memory_space<vmem>> -> memref<1x1x8x32xf32, #tpu.memory_space<vmem>>
      %dma_start3A_1607 = tpu.memref_squeeze %dma_start3A_1606 : memref<1x1x8x32xf32, #tpu.memory_space<vmem>> -> memref<1x8x32xf32, #tpu.memory_space<vmem>>
      %dma_start3A_1608 = arith.constant 0 : i32
      %dma_start3A_1609 = arith.constant 0 : i32
      %dma_start3A_1610 = tpu.memref_slice %arg9[%squeeze3A_1601, %dma_start3A_1608, %dma_start3A_1609] : memref<125000x8x32xf32, #tpu.memory_space<hbm>> -> memref<1x8x32xf32, #tpu.memory_space<hbm>>
      %dma_start3A_1611 = arith.constant 15 : i32
      %dma_start3A_1612 = arith.constant 0 : i32
      %dma_start3A_1613 = arith.constant 0 : i32
      %dma_start3A_1614 = tpu.memref_slice %arg16[%dma_start3A_1602, %dma_start3A_1611, %dma_start3A_1612, %dma_start3A_1613] : memref<3x32x8x32xf32, #tpu.memory_space<vmem>> -> memref<1x1x8x32xf32, #tpu.memory_space<vmem>>
      %dma_start3A_1615 = tpu.memref_squeeze %dma_start3A_1614 : memref<1x1x8x32xf32, #tpu.memory_space<vmem>> -> memref<1x8x32xf32, #tpu.memory_space<vmem>>
      %dma_start3A_1616 = arith.constant 0 : i32
      %dma_start3A_1617 = arith.constant 0 : i32
      %dma_start3A_1618 = tpu.memref_slice %arg9[%squeeze3A_1601, %dma_start3A_1616, %dma_start3A_1617] : memref<125000x8x32xf32, #tpu.memory_space<hbm>> -> memref<1x8x32xf32, #tpu.memory_space<hbm>>
      tpu.enqueue_dma source(%dma_start3A_1618 : memref<1x8x32xf32, #tpu.memory_space<hbm>>) target(%dma_start3A_1615 : memref<1x8x32xf32, #tpu.memory_space<vmem>>) target_semaphore(%arg18 : memref<!tpu.dma_semaphore, #tpu.memory_space<semaphore_mem>>)
      %add3A_1619 = arith.constant 16 : i32
      %add3A_1620 = arith.addi %mul3A_58, %add3A_1619 : i32
      %get3A_1621 = arith.index_cast %add3A_1620 : i32 to index
      %get3A_1622 = tpu.vector_load %arg13[%get3A_1621] {strides = array<i32>} : memref<512xi32, #tpu.memory_space<vmem>>, vector<16xi32>,
      %shift_right_logical3A_1623 = arith.constant 3 : i32
      %shift_right_logical3A_1624 = vector.broadcast %shift_right_logical3A_1623 : i32 to vector<16xi32>
      %shift_right_logical3A_1625 = arith.shrui %get3A_1622, %shift_right_logical3A_1624 : vector<16xi32>
      %slice3A_1626 = vector.extract_strided_slice %shift_right_logical3A_1625 {offsets = [0], sizes = [1], strides = [1]} : vector<16xi32> to vector<1xi32>
      %squeeze3A_1627 = vector.extract %slice3A_1626[0] : i32 from vector<1xi32>
      %dma_start3A_1628 = arith.constant 2 : i32
      %dma_start3A_1629 = arith.constant 16 : i32
      %dma_start3A_1630 = arith.constant 0 : i32
      %dma_start3A_1631 = arith.constant 0 : i32
      %dma_start3A_1632 = tpu.memref_slice %arg16[%dma_start3A_1628, %dma_start3A_1629, %dma_start3A_1630, %dma_start3A_1631] : memref<3x32x8x32xf32, #tpu.memory_space<vmem>> -> memref<1x1x8x32xf32, #tpu.memory_space<vmem>>
      %dma_start3A_1633 = tpu.memref_squeeze %dma_start3A_1632 : memref<1x1x8x32xf32, #tpu.memory_space<vmem>> -> memref<1x8x32xf32, #tpu.memory_space<vmem>>
      %dma_start3A_1634 = arith.constant 0 : i32
      %dma_start3A_1635 = arith.constant 0 : i32
      %dma_start3A_1636 = tpu.memref_slice %arg9[%squeeze3A_1627, %dma_start3A_1634, %dma_start3A_1635] : memref<125000x8x32xf32, #tpu.memory_space<hbm>> -> memref<1x8x32xf32, #tpu.memory_space<hbm>>
      %dma_start3A_1637 = arith.constant 16 : i32
      %dma_start3A_1638 = arith.constant 0 : i32
      %dma_start3A_1639 = arith.constant 0 : i32
      %dma_start3A_1640 = tpu.memref_slice %arg16[%dma_start3A_1628, %dma_start3A_1637, %dma_start3A_1638, %dma_start3A_1639] : memref<3x32x8x32xf32, #tpu.memory_space<vmem>> -> memref<1x1x8x32xf32, #tpu.memory_space<vmem>>
      %dma_start3A_1641 = tpu.memref_squeeze %dma_start3A_1640 : memref<1x1x8x32xf32, #tpu.memory_space<vmem>> -> memref<1x8x32xf32, #tpu.memory_space<vmem>>
      %dma_start3A_1642 = arith.constant 0 : i32
      %dma_start3A_1643 = arith.constant 0 : i32
      %dma_start3A_1644 = tpu.memref_slice %arg9[%squeeze3A_1627, %dma_start3A_1642, %dma_start3A_1643] : memref<125000x8x32xf32, #tpu.memory_space<hbm>> -> memref<1x8x32xf32, #tpu.memory_space<hbm>>
      tpu.enqueue_dma source(%dma_start3A_1644 : memref<1x8x32xf32, #tpu.memory_space<hbm>>) target(%dma_start3A_1641 : memref<1x8x32xf32, #tpu.memory_space<vmem>>) target_semaphore(%arg18 : memref<!tpu.dma_semaphore, #tpu.memory_space<semaphore_mem>>)
      %slice3A_1645 = vector.extract_strided_slice %shift_right_logical3A_1625 {offsets = [1], sizes = [1], strides = [1]} : vector<16xi32> to vector<1xi32>
      %squeeze3A_1646 = vector.extract %slice3A_1645[0] : i32 from vector<1xi32>
      %dma_start3A_1647 = arith.constant 2 : i32
      %dma_start3A_1648 = arith.constant 17 : i32
      %dma_start3A_1649 = arith.constant 0 : i32
      %dma_start3A_1650 = arith.constant 0 : i32
      %dma_start3A_1651 = tpu.memref_slice %arg16[%dma_start3A_1647, %dma_start3A_1648, %dma_start3A_1649, %dma_start3A_1650] : memref<3x32x8x32xf32, #tpu.memory_space<vmem>> -> memref<1x1x8x32xf32, #tpu.memory_space<vmem>>
      %dma_start3A_1652 = tpu.memref_squeeze %dma_start3A_1651 : memref<1x1x8x32xf32, #tpu.memory_space<vmem>> -> memref<1x8x32xf32, #tpu.memory_space<vmem>>
      %dma_start3A_1653 = arith.constant 0 : i32
      %dma_start3A_1654 = arith.constant 0 : i32
      %dma_start3A_1655 = tpu.memref_slice %arg9[%squeeze3A_1646, %dma_start3A_1653, %dma_start3A_1654] : memref<125000x8x32xf32, #tpu.memory_space<hbm>> -> memref<1x8x32xf32, #tpu.memory_space<hbm>>
      %dma_start3A_1656 = arith.constant 17 : i32
      %dma_start3A_1657 = arith.constant 0 : i32
      %dma_start3A_1658 = arith.constant 0 : i32
      %dma_start3A_1659 = tpu.memref_slice %arg16[%dma_start3A_1647, %dma_start3A_1656, %dma_start3A_1657, %dma_start3A_1658] : memref<3x32x8x32xf32, #tpu.memory_space<vmem>> -> memref<1x1x8x32xf32, #tpu.memory_space<vmem>>
      %dma_start3A_1660 = tpu.memref_squeeze %dma_start3A_1659 : memref<1x1x8x32xf32, #tpu.memory_space<vmem>> -> memref<1x8x32xf32, #tpu.memory_space<vmem>>
      %dma_start3A_1661 = arith.constant 0 : i32
      %dma_start3A_1662 = arith.constant 0 : i32
      %dma_start3A_1663 = tpu.memref_slice %arg9[%squeeze3A_1646, %dma_start3A_1661, %dma_start3A_1662] : memref<125000x8x32xf32, #tpu.memory_space<hbm>> -> memref<1x8x32xf32, #tpu.memory_space<hbm>>
      tpu.enqueue_dma source(%dma_start3A_1663 : memref<1x8x32xf32, #tpu.memory_space<hbm>>) target(%dma_start3A_1660 : memref<1x8x32xf32, #tpu.memory_space<vmem>>) target_semaphore(%arg18 : memref<!tpu.dma_semaphore, #tpu.memory_space<semaphore_mem>>)
      %slice3A_1664 = vector.extract_strided_slice %shift_right_logical3A_1625 {offsets = [2], sizes = [1], strides = [1]} : vector<16xi32> to vector<1xi32>
      %squeeze3A_1665 = vector.extract %slice3A_1664[0] : i32 from vector<1xi32>
      %dma_start3A_1666 = arith.constant 2 : i32
      %dma_start3A_1667 = arith.constant 18 : i32
      %dma_start3A_1668 = arith.constant 0 : i32
      %dma_start3A_1669 = arith.constant 0 : i32
      %dma_start3A_1670 = tpu.memref_slice %arg16[%dma_start3A_1666, %dma_start3A_1667, %dma_start3A_1668, %dma_start3A_1669] : memref<3x32x8x32xf32, #tpu.memory_space<vmem>> -> memref<1x1x8x32xf32, #tpu.memory_space<vmem>>
      %dma_start3A_1671 = tpu.memref_squeeze %dma_start3A_1670 : memref<1x1x8x32xf32, #tpu.memory_space<vmem>> -> memref<1x8x32xf32, #tpu.memory_space<vmem>>
      %dma_start3A_1672 = arith.constant 0 : i32
      %dma_start3A_1673 = arith.constant 0 : i32
      %dma_start3A_1674 = tpu.memref_slice %arg9[%squeeze3A_1665, %dma_start3A_1672, %dma_start3A_1673] : memref<125000x8x32xf32, #tpu.memory_space<hbm>> -> memref<1x8x32xf32, #tpu.memory_space<hbm>>
      %dma_start3A_1675 = arith.constant 18 : i32
      %dma_start3A_1676 = arith.constant 0 : i32
      %dma_start3A_1677 = arith.constant 0 : i32
      %dma_start3A_1678 = tpu.memref_slice %arg16[%dma_start3A_1666, %dma_start3A_1675, %dma_start3A_1676, %dma_start3A_1677] : memref<3x32x8x32xf32, #tpu.memory_space<vmem>> -> memref<1x1x8x32xf32, #tpu.memory_space<vmem>>
      %dma_start3A_1679 = tpu.memref_squeeze %dma_start3A_1678 : memref<1x1x8x32xf32, #tpu.memory_space<vmem>> -> memref<1x8x32xf32, #tpu.memory_space<vmem>>
      %dma_start3A_1680 = arith.constant 0 : i32
      %dma_start3A_1681 = arith.constant 0 : i32
      %dma_start3A_1682 = tpu.memref_slice %arg9[%squeeze3A_1665, %dma_start3A_1680, %dma_start3A_1681] : memref<125000x8x32xf32, #tpu.memory_space<hbm>> -> memref<1x8x32xf32, #tpu.memory_space<hbm>>
      tpu.enqueue_dma source(%dma_start3A_1682 : memref<1x8x32xf32, #tpu.memory_space<hbm>>) target(%dma_start3A_1679 : memref<1x8x32xf32, #tpu.memory_space<vmem>>) target_semaphore(%arg18 : memref<!tpu.dma_semaphore, #tpu.memory_space<semaphore_mem>>)
      %slice3A_1683 = vector.extract_strided_slice %shift_right_logical3A_1625 {offsets = [3], sizes = [1], strides = [1]} : vector<16xi32> to vector<1xi32>
      %squeeze3A_1684 = vector.extract %slice3A_1683[0] : i32 from vector<1xi32>
      %dma_start3A_1685 = arith.constant 2 : i32
      %dma_start3A_1686 = arith.constant 19 : i32
      %dma_start3A_1687 = arith.constant 0 : i32
      %dma_start3A_1688 = arith.constant 0 : i32
      %dma_start3A_1689 = tpu.memref_slice %arg16[%dma_start3A_1685, %dma_start3A_1686, %dma_start3A_1687, %dma_start3A_1688] : memref<3x32x8x32xf32, #tpu.memory_space<vmem>> -> memref<1x1x8x32xf32, #tpu.memory_space<vmem>>
      %dma_start3A_1690 = tpu.memref_squeeze %dma_start3A_1689 : memref<1x1x8x32xf32, #tpu.memory_space<vmem>> -> memref<1x8x32xf32, #tpu.memory_space<vmem>>
      %dma_start3A_1691 = arith.constant 0 : i32
      %dma_start3A_1692 = arith.constant 0 : i32
      %dma_start3A_1693 = tpu.memref_slice %arg9[%squeeze3A_1684, %dma_start3A_1691, %dma_start3A_1692] : memref<125000x8x32xf32, #tpu.memory_space<hbm>> -> memref<1x8x32xf32, #tpu.memory_space<hbm>>
      %dma_start3A_1694 = arith.constant 19 : i32
      %dma_start3A_1695 = arith.constant 0 : i32
      %dma_start3A_1696 = arith.constant 0 : i32
      %dma_start3A_1697 = tpu.memref_slice %arg16[%dma_start3A_1685, %dma_start3A_1694, %dma_start3A_1695, %dma_start3A_1696] : memref<3x32x8x32xf32, #tpu.memory_space<vmem>> -> memref<1x1x8x32xf32, #tpu.memory_space<vmem>>
      %dma_start3A_1698 = tpu.memref_squeeze %dma_start3A_1697 : memref<1x1x8x32xf32, #tpu.memory_space<vmem>> -> memref<1x8x32xf32, #tpu.memory_space<vmem>>
      %dma_start3A_1699 = arith.constant 0 : i32
      %dma_start3A_1700 = arith.constant 0 : i32
      %dma_start3A_1701 = tpu.memref_slice %arg9[%squeeze3A_1684, %dma_start3A_1699, %dma_start3A_1700] : memref<125000x8x32xf32, #tpu.memory_space<hbm>> -> memref<1x8x32xf32, #tpu.memory_space<hbm>>
      tpu.enqueue_dma source(%dma_start3A_1701 : memref<1x8x32xf32, #tpu.memory_space<hbm>>) target(%dma_start3A_1698 : memref<1x8x32xf32, #tpu.memory_space<vmem>>) target_semaphore(%arg18 : memref<!tpu.dma_semaphore, #tpu.memory_space<semaphore_mem>>)
      %slice3A_1702 = vector.extract_strided_slice %shift_right_logical3A_1625 {offsets = [4], sizes = [1], strides = [1]} : vector<16xi32> to vector<1xi32>
      %squeeze3A_1703 = vector.extract %slice3A_1702[0] : i32 from vector<1xi32>
      %dma_start3A_1704 = arith.constant 2 : i32
      %dma_start3A_1705 = arith.constant 20 : i32
      %dma_start3A_1706 = arith.constant 0 : i32
      %dma_start3A_1707 = arith.constant 0 : i32
      %dma_start3A_1708 = tpu.memref_slice %arg16[%dma_start3A_1704, %dma_start3A_1705, %dma_start3A_1706, %dma_start3A_1707] : memref<3x32x8x32xf32, #tpu.memory_space<vmem>> -> memref<1x1x8x32xf32, #tpu.memory_space<vmem>>
      %dma_start3A_1709 = tpu.memref_squeeze %dma_start3A_1708 : memref<1x1x8x32xf32, #tpu.memory_space<vmem>> -> memref<1x8x32xf32, #tpu.memory_space<vmem>>
      %dma_start3A_1710 = arith.constant 0 : i32
      %dma_start3A_1711 = arith.constant 0 : i32
      %dma_start3A_1712 = tpu.memref_slice %arg9[%squeeze3A_1703, %dma_start3A_1710, %dma_start3A_1711] : memref<125000x8x32xf32, #tpu.memory_space<hbm>> -> memref<1x8x32xf32, #tpu.memory_space<hbm>>
      %dma_start3A_1713 = arith.constant 20 : i32
      %dma_start3A_1714 = arith.constant 0 : i32
      %dma_start3A_1715 = arith.constant 0 : i32
      %dma_start3A_1716 = tpu.memref_slice %arg16[%dma_start3A_1704, %dma_start3A_1713, %dma_start3A_1714, %dma_start3A_1715] : memref<3x32x8x32xf32, #tpu.memory_space<vmem>> -> memref<1x1x8x32xf32, #tpu.memory_space<vmem>>
      %dma_start3A_1717 = tpu.memref_squeeze %dma_start3A_1716 : memref<1x1x8x32xf32, #tpu.memory_space<vmem>> -> memref<1x8x32xf32, #tpu.memory_space<vmem>>
      %dma_start3A_1718 = arith.constant 0 : i32
      %dma_start3A_1719 = arith.constant 0 : i32
      %dma_start3A_1720 = tpu.memref_slice %arg9[%squeeze3A_1703, %dma_start3A_1718, %dma_start3A_1719] : memref<125000x8x32xf32, #tpu.memory_space<hbm>> -> memref<1x8x32xf32, #tpu.memory_space<hbm>>
      tpu.enqueue_dma source(%dma_start3A_1720 : memref<1x8x32xf32, #tpu.memory_space<hbm>>) target(%dma_start3A_1717 : memref<1x8x32xf32, #tpu.memory_space<vmem>>) target_semaphore(%arg18 : memref<!tpu.dma_semaphore, #tpu.memory_space<semaphore_mem>>)
      %slice3A_1721 = vector.extract_strided_slice %shift_right_logical3A_1625 {offsets = [5], sizes = [1], strides = [1]} : vector<16xi32> to vector<1xi32>
      %squeeze3A_1722 = vector.extract %slice3A_1721[0] : i32 from vector<1xi32>
      %dma_start3A_1723 = arith.constant 2 : i32
      %dma_start3A_1724 = arith.constant 21 : i32
      %dma_start3A_1725 = arith.constant 0 : i32
      %dma_start3A_1726 = arith.constant 0 : i32
      %dma_start3A_1727 = tpu.memref_slice %arg16[%dma_start3A_1723, %dma_start3A_1724, %dma_start3A_1725, %dma_start3A_1726] : memref<3x32x8x32xf32, #tpu.memory_space<vmem>> -> memref<1x1x8x32xf32, #tpu.memory_space<vmem>>
      %dma_start3A_1728 = tpu.memref_squeeze %dma_start3A_1727 : memref<1x1x8x32xf32, #tpu.memory_space<vmem>> -> memref<1x8x32xf32, #tpu.memory_space<vmem>>
      %dma_start3A_1729 = arith.constant 0 : i32
      %dma_start3A_1730 = arith.constant 0 : i32
      %dma_start3A_1731 = tpu.memref_slice %arg9[%squeeze3A_1722, %dma_start3A_1729, %dma_start3A_1730] : memref<125000x8x32xf32, #tpu.memory_space<hbm>> -> memref<1x8x32xf32, #tpu.memory_space<hbm>>
      %dma_start3A_1732 = arith.constant 21 : i32
      %dma_start3A_1733 = arith.constant 0 : i32
      %dma_start3A_1734 = arith.constant 0 : i32
      %dma_start3A_1735 = tpu.memref_slice %arg16[%dma_start3A_1723, %dma_start3A_1732, %dma_start3A_1733, %dma_start3A_1734] : memref<3x32x8x32xf32, #tpu.memory_space<vmem>> -> memref<1x1x8x32xf32, #tpu.memory_space<vmem>>
      %dma_start3A_1736 = tpu.memref_squeeze %dma_start3A_1735 : memref<1x1x8x32xf32, #tpu.memory_space<vmem>> -> memref<1x8x32xf32, #tpu.memory_space<vmem>>
      %dma_start3A_1737 = arith.constant 0 : i32
      %dma_start3A_1738 = arith.constant 0 : i32
      %dma_start3A_1739 = tpu.memref_slice %arg9[%squeeze3A_1722, %dma_start3A_1737, %dma_start3A_1738] : memref<125000x8x32xf32, #tpu.memory_space<hbm>> -> memref<1x8x32xf32, #tpu.memory_space<hbm>>
      tpu.enqueue_dma source(%dma_start3A_1739 : memref<1x8x32xf32, #tpu.memory_space<hbm>>) target(%dma_start3A_1736 : memref<1x8x32xf32, #tpu.memory_space<vmem>>) target_semaphore(%arg18 : memref<!tpu.dma_semaphore, #tpu.memory_space<semaphore_mem>>)
      %slice3A_1740 = vector.extract_strided_slice %shift_right_logical3A_1625 {offsets = [6], sizes = [1], strides = [1]} : vector<16xi32> to vector<1xi32>
      %squeeze3A_1741 = vector.extract %slice3A_1740[0] : i32 from vector<1xi32>
      %dma_start3A_1742 = arith.constant 2 : i32
      %dma_start3A_1743 = arith.constant 22 : i32
      %dma_start3A_1744 = arith.constant 0 : i32
      %dma_start3A_1745 = arith.constant 0 : i32
      %dma_start3A_1746 = tpu.memref_slice %arg16[%dma_start3A_1742, %dma_start3A_1743, %dma_start3A_1744, %dma_start3A_1745] : memref<3x32x8x32xf32, #tpu.memory_space<vmem>> -> memref<1x1x8x32xf32, #tpu.memory_space<vmem>>
      %dma_start3A_1747 = tpu.memref_squeeze %dma_start3A_1746 : memref<1x1x8x32xf32, #tpu.memory_space<vmem>> -> memref<1x8x32xf32, #tpu.memory_space<vmem>>
      %dma_start3A_1748 = arith.constant 0 : i32
      %dma_start3A_1749 = arith.constant 0 : i32
      %dma_start3A_1750 = tpu.memref_slice %arg9[%squeeze3A_1741, %dma_start3A_1748, %dma_start3A_1749] : memref<125000x8x32xf32, #tpu.memory_space<hbm>> -> memref<1x8x32xf32, #tpu.memory_space<hbm>>
      %dma_start3A_1751 = arith.constant 22 : i32
      %dma_start3A_1752 = arith.constant 0 : i32
      %dma_start3A_1753 = arith.constant 0 : i32
      %dma_start3A_1754 = tpu.memref_slice %arg16[%dma_start3A_1742, %dma_start3A_1751, %dma_start3A_1752, %dma_start3A_1753] : memref<3x32x8x32xf32, #tpu.memory_space<vmem>> -> memref<1x1x8x32xf32, #tpu.memory_space<vmem>>
      %dma_start3A_1755 = tpu.memref_squeeze %dma_start3A_1754 : memref<1x1x8x32xf32, #tpu.memory_space<vmem>> -> memref<1x8x32xf32, #tpu.memory_space<vmem>>
      %dma_start3A_1756 = arith.constant 0 : i32
      %dma_start3A_1757 = arith.constant 0 : i32
      %dma_start3A_1758 = tpu.memref_slice %arg9[%squeeze3A_1741, %dma_start3A_1756, %dma_start3A_1757] : memref<125000x8x32xf32, #tpu.memory_space<hbm>> -> memref<1x8x32xf32, #tpu.memory_space<hbm>>
      tpu.enqueue_dma source(%dma_start3A_1758 : memref<1x8x32xf32, #tpu.memory_space<hbm>>) target(%dma_start3A_1755 : memref<1x8x32xf32, #tpu.memory_space<vmem>>) target_semaphore(%arg18 : memref<!tpu.dma_semaphore, #tpu.memory_space<semaphore_mem>>)
      %slice3A_1759 = vector.extract_strided_slice %shift_right_logical3A_1625 {offsets = [7], sizes = [1], strides = [1]} : vector<16xi32> to vector<1xi32>
      %squeeze3A_1760 = vector.extract %slice3A_1759[0] : i32 from vector<1xi32>
      %dma_start3A_1761 = arith.constant 2 : i32
      %dma_start3A_1762 = arith.constant 23 : i32
      %dma_start3A_1763 = arith.constant 0 : i32
      %dma_start3A_1764 = arith.constant 0 : i32
      %dma_start3A_1765 = tpu.memref_slice %arg16[%dma_start3A_1761, %dma_start3A_1762, %dma_start3A_1763, %dma_start3A_1764] : memref<3x32x8x32xf32, #tpu.memory_space<vmem>> -> memref<1x1x8x32xf32, #tpu.memory_space<vmem>>
      %dma_start3A_1766 = tpu.memref_squeeze %dma_start3A_1765 : memref<1x1x8x32xf32, #tpu.memory_space<vmem>> -> memref<1x8x32xf32, #tpu.memory_space<vmem>>
      %dma_start3A_1767 = arith.constant 0 : i32
      %dma_start3A_1768 = arith.constant 0 : i32
      %dma_start3A_1769 = tpu.memref_slice %arg9[%squeeze3A_1760, %dma_start3A_1767, %dma_start3A_1768] : memref<125000x8x32xf32, #tpu.memory_space<hbm>> -> memref<1x8x32xf32, #tpu.memory_space<hbm>>
      %dma_start3A_1770 = arith.constant 23 : i32
      %dma_start3A_1771 = arith.constant 0 : i32
      %dma_start3A_1772 = arith.constant 0 : i32
      %dma_start3A_1773 = tpu.memref_slice %arg16[%dma_start3A_1761, %dma_start3A_1770, %dma_start3A_1771, %dma_start3A_1772] : memref<3x32x8x32xf32, #tpu.memory_space<vmem>> -> memref<1x1x8x32xf32, #tpu.memory_space<vmem>>
      %dma_start3A_1774 = tpu.memref_squeeze %dma_start3A_1773 : memref<1x1x8x32xf32, #tpu.memory_space<vmem>> -> memref<1x8x32xf32, #tpu.memory_space<vmem>>
      %dma_start3A_1775 = arith.constant 0 : i32
      %dma_start3A_1776 = arith.constant 0 : i32
      %dma_start3A_1777 = tpu.memref_slice %arg9[%squeeze3A_1760, %dma_start3A_1775, %dma_start3A_1776] : memref<125000x8x32xf32, #tpu.memory_space<hbm>> -> memref<1x8x32xf32, #tpu.memory_space<hbm>>
      tpu.enqueue_dma source(%dma_start3A_1777 : memref<1x8x32xf32, #tpu.memory_space<hbm>>) target(%dma_start3A_1774 : memref<1x8x32xf32, #tpu.memory_space<vmem>>) target_semaphore(%arg18 : memref<!tpu.dma_semaphore, #tpu.memory_space<semaphore_mem>>)
      %slice3A_1778 = vector.extract_strided_slice %shift_right_logical3A_1625 {offsets = [8], sizes = [1], strides = [1]} : vector<16xi32> to vector<1xi32>
      %squeeze3A_1779 = vector.extract %slice3A_1778[0] : i32 from vector<1xi32>
      %dma_start3A_1780 = arith.constant 2 : i32
      %dma_start3A_1781 = arith.constant 24 : i32
      %dma_start3A_1782 = arith.constant 0 : i32
      %dma_start3A_1783 = arith.constant 0 : i32
      %dma_start3A_1784 = tpu.memref_slice %arg16[%dma_start3A_1780, %dma_start3A_1781, %dma_start3A_1782, %dma_start3A_1783] : memref<3x32x8x32xf32, #tpu.memory_space<vmem>> -> memref<1x1x8x32xf32, #tpu.memory_space<vmem>>
      %dma_start3A_1785 = tpu.memref_squeeze %dma_start3A_1784 : memref<1x1x8x32xf32, #tpu.memory_space<vmem>> -> memref<1x8x32xf32, #tpu.memory_space<vmem>>
      %dma_start3A_1786 = arith.constant 0 : i32
      %dma_start3A_1787 = arith.constant 0 : i32
      %dma_start3A_1788 = tpu.memref_slice %arg9[%squeeze3A_1779, %dma_start3A_1786, %dma_start3A_1787] : memref<125000x8x32xf32, #tpu.memory_space<hbm>> -> memref<1x8x32xf32, #tpu.memory_space<hbm>>
      %dma_start3A_1789 = arith.constant 24 : i32
      %dma_start3A_1790 = arith.constant 0 : i32
      %dma_start3A_1791 = arith.constant 0 : i32
      %dma_start3A_1792 = tpu.memref_slice %arg16[%dma_start3A_1780, %dma_start3A_1789, %dma_start3A_1790, %dma_start3A_1791] : memref<3x32x8x32xf32, #tpu.memory_space<vmem>> -> memref<1x1x8x32xf32, #tpu.memory_space<vmem>>
      %dma_start3A_1793 = tpu.memref_squeeze %dma_start3A_1792 : memref<1x1x8x32xf32, #tpu.memory_space<vmem>> -> memref<1x8x32xf32, #tpu.memory_space<vmem>>
      %dma_start3A_1794 = arith.constant 0 : i32
      %dma_start3A_1795 = arith.constant 0 : i32
      %dma_start3A_1796 = tpu.memref_slice %arg9[%squeeze3A_1779, %dma_start3A_1794, %dma_start3A_1795] : memref<125000x8x32xf32, #tpu.memory_space<hbm>> -> memref<1x8x32xf32, #tpu.memory_space<hbm>>
      tpu.enqueue_dma source(%dma_start3A_1796 : memref<1x8x32xf32, #tpu.memory_space<hbm>>) target(%dma_start3A_1793 : memref<1x8x32xf32, #tpu.memory_space<vmem>>) target_semaphore(%arg18 : memref<!tpu.dma_semaphore, #tpu.memory_space<semaphore_mem>>)
      %slice3A_1797 = vector.extract_strided_slice %shift_right_logical3A_1625 {offsets = [9], sizes = [1], strides = [1]} : vector<16xi32> to vector<1xi32>
      %squeeze3A_1798 = vector.extract %slice3A_1797[0] : i32 from vector<1xi32>
      %dma_start3A_1799 = arith.constant 2 : i32
      %dma_start3A_1800 = arith.constant 25 : i32
      %dma_start3A_1801 = arith.constant 0 : i32
      %dma_start3A_1802 = arith.constant 0 : i32
      %dma_start3A_1803 = tpu.memref_slice %arg16[%dma_start3A_1799, %dma_start3A_1800, %dma_start3A_1801, %dma_start3A_1802] : memref<3x32x8x32xf32, #tpu.memory_space<vmem>> -> memref<1x1x8x32xf32, #tpu.memory_space<vmem>>
      %dma_start3A_1804 = tpu.memref_squeeze %dma_start3A_1803 : memref<1x1x8x32xf32, #tpu.memory_space<vmem>> -> memref<1x8x32xf32, #tpu.memory_space<vmem>>
      %dma_start3A_1805 = arith.constant 0 : i32
      %dma_start3A_1806 = arith.constant 0 : i32
      %dma_start3A_1807 = tpu.memref_slice %arg9[%squeeze3A_1798, %dma_start3A_1805, %dma_start3A_1806] : memref<125000x8x32xf32, #tpu.memory_space<hbm>> -> memref<1x8x32xf32, #tpu.memory_space<hbm>>
      %dma_start3A_1808 = arith.constant 25 : i32
      %dma_start3A_1809 = arith.constant 0 : i32
      %dma_start3A_1810 = arith.constant 0 : i32
      %dma_start3A_1811 = tpu.memref_slice %arg16[%dma_start3A_1799, %dma_start3A_1808, %dma_start3A_1809, %dma_start3A_1810] : memref<3x32x8x32xf32, #tpu.memory_space<vmem>> -> memref<1x1x8x32xf32, #tpu.memory_space<vmem>>
      %dma_start3A_1812 = tpu.memref_squeeze %dma_start3A_1811 : memref<1x1x8x32xf32, #tpu.memory_space<vmem>> -> memref<1x8x32xf32, #tpu.memory_space<vmem>>
      %dma_start3A_1813 = arith.constant 0 : i32
      %dma_start3A_1814 = arith.constant 0 : i32
      %dma_start3A_1815 = tpu.memref_slice %arg9[%squeeze3A_1798, %dma_start3A_1813, %dma_start3A_1814] : memref<125000x8x32xf32, #tpu.memory_space<hbm>> -> memref<1x8x32xf32, #tpu.memory_space<hbm>>
      tpu.enqueue_dma source(%dma_start3A_1815 : memref<1x8x32xf32, #tpu.memory_space<hbm>>) target(%dma_start3A_1812 : memref<1x8x32xf32, #tpu.memory_space<vmem>>) target_semaphore(%arg18 : memref<!tpu.dma_semaphore, #tpu.memory_space<semaphore_mem>>)
      %slice3A_1816 = vector.extract_strided_slice %shift_right_logical3A_1625 {offsets = [10], sizes = [1], strides = [1]} : vector<16xi32> to vector<1xi32>
      %squeeze3A_1817 = vector.extract %slice3A_1816[0] : i32 from vector<1xi32>
      %dma_start3A_1818 = arith.constant 2 : i32
      %dma_start3A_1819 = arith.constant 26 : i32
      %dma_start3A_1820 = arith.constant 0 : i32
      %dma_start3A_1821 = arith.constant 0 : i32
      %dma_start3A_1822 = tpu.memref_slice %arg16[%dma_start3A_1818, %dma_start3A_1819, %dma_start3A_1820, %dma_start3A_1821] : memref<3x32x8x32xf32, #tpu.memory_space<vmem>> -> memref<1x1x8x32xf32, #tpu.memory_space<vmem>>
      %dma_start3A_1823 = tpu.memref_squeeze %dma_start3A_1822 : memref<1x1x8x32xf32, #tpu.memory_space<vmem>> -> memref<1x8x32xf32, #tpu.memory_space<vmem>>
      %dma_start3A_1824 = arith.constant 0 : i32
      %dma_start3A_1825 = arith.constant 0 : i32
      %dma_start3A_1826 = tpu.memref_slice %arg9[%squeeze3A_1817, %dma_start3A_1824, %dma_start3A_1825] : memref<125000x8x32xf32, #tpu.memory_space<hbm>> -> memref<1x8x32xf32, #tpu.memory_space<hbm>>
      %dma_start3A_1827 = arith.constant 26 : i32
      %dma_start3A_1828 = arith.constant 0 : i32
      %dma_start3A_1829 = arith.constant 0 : i32
      %dma_start3A_1830 = tpu.memref_slice %arg16[%dma_start3A_1818, %dma_start3A_1827, %dma_start3A_1828, %dma_start3A_1829] : memref<3x32x8x32xf32, #tpu.memory_space<vmem>> -> memref<1x1x8x32xf32, #tpu.memory_space<vmem>>
      %dma_start3A_1831 = tpu.memref_squeeze %dma_start3A_1830 : memref<1x1x8x32xf32, #tpu.memory_space<vmem>> -> memref<1x8x32xf32, #tpu.memory_space<vmem>>
      %dma_start3A_1832 = arith.constant 0 : i32
      %dma_start3A_1833 = arith.constant 0 : i32
      %dma_start3A_1834 = tpu.memref_slice %arg9[%squeeze3A_1817, %dma_start3A_1832, %dma_start3A_1833] : memref<125000x8x32xf32, #tpu.memory_space<hbm>> -> memref<1x8x32xf32, #tpu.memory_space<hbm>>
      tpu.enqueue_dma source(%dma_start3A_1834 : memref<1x8x32xf32, #tpu.memory_space<hbm>>) target(%dma_start3A_1831 : memref<1x8x32xf32, #tpu.memory_space<vmem>>) target_semaphore(%arg18 : memref<!tpu.dma_semaphore, #tpu.memory_space<semaphore_mem>>)
      %slice3A_1835 = vector.extract_strided_slice %shift_right_logical3A_1625 {offsets = [11], sizes = [1], strides = [1]} : vector<16xi32> to vector<1xi32>
      %squeeze3A_1836 = vector.extract %slice3A_1835[0] : i32 from vector<1xi32>
      %dma_start3A_1837 = arith.constant 2 : i32
      %dma_start3A_1838 = arith.constant 27 : i32
      %dma_start3A_1839 = arith.constant 0 : i32
      %dma_start3A_1840 = arith.constant 0 : i32
      %dma_start3A_1841 = tpu.memref_slice %arg16[%dma_start3A_1837, %dma_start3A_1838, %dma_start3A_1839, %dma_start3A_1840] : memref<3x32x8x32xf32, #tpu.memory_space<vmem>> -> memref<1x1x8x32xf32, #tpu.memory_space<vmem>>
      %dma_start3A_1842 = tpu.memref_squeeze %dma_start3A_1841 : memref<1x1x8x32xf32, #tpu.memory_space<vmem>> -> memref<1x8x32xf32, #tpu.memory_space<vmem>>
      %dma_start3A_1843 = arith.constant 0 : i32
      %dma_start3A_1844 = arith.constant 0 : i32
      %dma_start3A_1845 = tpu.memref_slice %arg9[%squeeze3A_1836, %dma_start3A_1843, %dma_start3A_1844] : memref<125000x8x32xf32, #tpu.memory_space<hbm>> -> memref<1x8x32xf32, #tpu.memory_space<hbm>>
      %dma_start3A_1846 = arith.constant 27 : i32
      %dma_start3A_1847 = arith.constant 0 : i32
      %dma_start3A_1848 = arith.constant 0 : i32
      %dma_start3A_1849 = tpu.memref_slice %arg16[%dma_start3A_1837, %dma_start3A_1846, %dma_start3A_1847, %dma_start3A_1848] : memref<3x32x8x32xf32, #tpu.memory_space<vmem>> -> memref<1x1x8x32xf32, #tpu.memory_space<vmem>>
      %dma_start3A_1850 = tpu.memref_squeeze %dma_start3A_1849 : memref<1x1x8x32xf32, #tpu.memory_space<vmem>> -> memref<1x8x32xf32, #tpu.memory_space<vmem>>
      %dma_start3A_1851 = arith.constant 0 : i32
      %dma_start3A_1852 = arith.constant 0 : i32
      %dma_start3A_1853 = tpu.memref_slice %arg9[%squeeze3A_1836, %dma_start3A_1851, %dma_start3A_1852] : memref<125000x8x32xf32, #tpu.memory_space<hbm>> -> memref<1x8x32xf32, #tpu.memory_space<hbm>>
      tpu.enqueue_dma source(%dma_start3A_1853 : memref<1x8x32xf32, #tpu.memory_space<hbm>>) target(%dma_start3A_1850 : memref<1x8x32xf32, #tpu.memory_space<vmem>>) target_semaphore(%arg18 : memref<!tpu.dma_semaphore, #tpu.memory_space<semaphore_mem>>)
      %slice3A_1854 = vector.extract_strided_slice %shift_right_logical3A_1625 {offsets = [12], sizes = [1], strides = [1]} : vector<16xi32> to vector<1xi32>
      %squeeze3A_1855 = vector.extract %slice3A_1854[0] : i32 from vector<1xi32>
      %dma_start3A_1856 = arith.constant 2 : i32
      %dma_start3A_1857 = arith.constant 28 : i32
      %dma_start3A_1858 = arith.constant 0 : i32
      %dma_start3A_1859 = arith.constant 0 : i32
      %dma_start3A_1860 = tpu.memref_slice %arg16[%dma_start3A_1856, %dma_start3A_1857, %dma_start3A_1858, %dma_start3A_1859] : memref<3x32x8x32xf32, #tpu.memory_space<vmem>> -> memref<1x1x8x32xf32, #tpu.memory_space<vmem>>
      %dma_start3A_1861 = tpu.memref_squeeze %dma_start3A_1860 : memref<1x1x8x32xf32, #tpu.memory_space<vmem>> -> memref<1x8x32xf32, #tpu.memory_space<vmem>>
      %dma_start3A_1862 = arith.constant 0 : i32
      %dma_start3A_1863 = arith.constant 0 : i32
      %dma_start3A_1864 = tpu.memref_slice %arg9[%squeeze3A_1855, %dma_start3A_1862, %dma_start3A_1863] : memref<125000x8x32xf32, #tpu.memory_space<hbm>> -> memref<1x8x32xf32, #tpu.memory_space<hbm>>
      %dma_start3A_1865 = arith.constant 28 : i32
      %dma_start3A_1866 = arith.constant 0 : i32
      %dma_start3A_1867 = arith.constant 0 : i32
      %dma_start3A_1868 = tpu.memref_slice %arg16[%dma_start3A_1856, %dma_start3A_1865, %dma_start3A_1866, %dma_start3A_1867] : memref<3x32x8x32xf32, #tpu.memory_space<vmem>> -> memref<1x1x8x32xf32, #tpu.memory_space<vmem>>
      %dma_start3A_1869 = tpu.memref_squeeze %dma_start3A_1868 : memref<1x1x8x32xf32, #tpu.memory_space<vmem>> -> memref<1x8x32xf32, #tpu.memory_space<vmem>>
      %dma_start3A_1870 = arith.constant 0 : i32
      %dma_start3A_1871 = arith.constant 0 : i32
      %dma_start3A_1872 = tpu.memref_slice %arg9[%squeeze3A_1855, %dma_start3A_1870, %dma_start3A_1871] : memref<125000x8x32xf32, #tpu.memory_space<hbm>> -> memref<1x8x32xf32, #tpu.memory_space<hbm>>
      tpu.enqueue_dma source(%dma_start3A_1872 : memref<1x8x32xf32, #tpu.memory_space<hbm>>) target(%dma_start3A_1869 : memref<1x8x32xf32, #tpu.memory_space<vmem>>) target_semaphore(%arg18 : memref<!tpu.dma_semaphore, #tpu.memory_space<semaphore_mem>>)
      %slice3A_1873 = vector.extract_strided_slice %shift_right_logical3A_1625 {offsets = [13], sizes = [1], strides = [1]} : vector<16xi32> to vector<1xi32>
      %squeeze3A_1874 = vector.extract %slice3A_1873[0] : i32 from vector<1xi32>
      %dma_start3A_1875 = arith.constant 2 : i32
      %dma_start3A_1876 = arith.constant 29 : i32
      %dma_start3A_1877 = arith.constant 0 : i32
      %dma_start3A_1878 = arith.constant 0 : i32
      %dma_start3A_1879 = tpu.memref_slice %arg16[%dma_start3A_1875, %dma_start3A_1876, %dma_start3A_1877, %dma_start3A_1878] : memref<3x32x8x32xf32, #tpu.memory_space<vmem>> -> memref<1x1x8x32xf32, #tpu.memory_space<vmem>>
      %dma_start3A_1880 = tpu.memref_squeeze %dma_start3A_1879 : memref<1x1x8x32xf32, #tpu.memory_space<vmem>> -> memref<1x8x32xf32, #tpu.memory_space<vmem>>
      %dma_start3A_1881 = arith.constant 0 : i32
      %dma_start3A_1882 = arith.constant 0 : i32
      %dma_start3A_1883 = tpu.memref_slice %arg9[%squeeze3A_1874, %dma_start3A_1881, %dma_start3A_1882] : memref<125000x8x32xf32, #tpu.memory_space<hbm>> -> memref<1x8x32xf32, #tpu.memory_space<hbm>>
      %dma_start3A_1884 = arith.constant 29 : i32
      %dma_start3A_1885 = arith.constant 0 : i32
      %dma_start3A_1886 = arith.constant 0 : i32
      %dma_start3A_1887 = tpu.memref_slice %arg16[%dma_start3A_1875, %dma_start3A_1884, %dma_start3A_1885, %dma_start3A_1886] : memref<3x32x8x32xf32, #tpu.memory_space<vmem>> -> memref<1x1x8x32xf32, #tpu.memory_space<vmem>>
      %dma_start3A_1888 = tpu.memref_squeeze %dma_start3A_1887 : memref<1x1x8x32xf32, #tpu.memory_space<vmem>> -> memref<1x8x32xf32, #tpu.memory_space<vmem>>
      %dma_start3A_1889 = arith.constant 0 : i32
      %dma_start3A_1890 = arith.constant 0 : i32
      %dma_start3A_1891 = tpu.memref_slice %arg9[%squeeze3A_1874, %dma_start3A_1889, %dma_start3A_1890] : memref<125000x8x32xf32, #tpu.memory_space<hbm>> -> memref<1x8x32xf32, #tpu.memory_space<hbm>>
      tpu.enqueue_dma source(%dma_start3A_1891 : memref<1x8x32xf32, #tpu.memory_space<hbm>>) target(%dma_start3A_1888 : memref<1x8x32xf32, #tpu.memory_space<vmem>>) target_semaphore(%arg18 : memref<!tpu.dma_semaphore, #tpu.memory_space<semaphore_mem>>)
      %slice3A_1892 = vector.extract_strided_slice %shift_right_logical3A_1625 {offsets = [14], sizes = [1], strides = [1]} : vector<16xi32> to vector<1xi32>
      %squeeze3A_1893 = vector.extract %slice3A_1892[0] : i32 from vector<1xi32>
      %dma_start3A_1894 = arith.constant 2 : i32
      %dma_start3A_1895 = arith.constant 30 : i32
      %dma_start3A_1896 = arith.constant 0 : i32
      %dma_start3A_1897 = arith.constant 0 : i32
      %dma_start3A_1898 = tpu.memref_slice %arg16[%dma_start3A_1894, %dma_start3A_1895, %dma_start3A_1896, %dma_start3A_1897] : memref<3x32x8x32xf32, #tpu.memory_space<vmem>> -> memref<1x1x8x32xf32, #tpu.memory_space<vmem>>
      %dma_start3A_1899 = tpu.memref_squeeze %dma_start3A_1898 : memref<1x1x8x32xf32, #tpu.memory_space<vmem>> -> memref<1x8x32xf32, #tpu.memory_space<vmem>>
      %dma_start3A_1900 = arith.constant 0 : i32
      %dma_start3A_1901 = arith.constant 0 : i32
      %dma_start3A_1902 = tpu.memref_slice %arg9[%squeeze3A_1893, %dma_start3A_1900, %dma_start3A_1901] : memref<125000x8x32xf32, #tpu.memory_space<hbm>> -> memref<1x8x32xf32, #tpu.memory_space<hbm>>
      %dma_start3A_1903 = arith.constant 30 : i32
      %dma_start3A_1904 = arith.constant 0 : i32
      %dma_start3A_1905 = arith.constant 0 : i32
      %dma_start3A_1906 = tpu.memref_slice %arg16[%dma_start3A_1894, %dma_start3A_1903, %dma_start3A_1904, %dma_start3A_1905] : memref<3x32x8x32xf32, #tpu.memory_space<vmem>> -> memref<1x1x8x32xf32, #tpu.memory_space<vmem>>
      %dma_start3A_1907 = tpu.memref_squeeze %dma_start3A_1906 : memref<1x1x8x32xf32, #tpu.memory_space<vmem>> -> memref<1x8x32xf32, #tpu.memory_space<vmem>>
      %dma_start3A_1908 = arith.constant 0 : i32
      %dma_start3A_1909 = arith.constant 0 : i32
      %dma_start3A_1910 = tpu.memref_slice %arg9[%squeeze3A_1893, %dma_start3A_1908, %dma_start3A_1909] : memref<125000x8x32xf32, #tpu.memory_space<hbm>> -> memref<1x8x32xf32, #tpu.memory_space<hbm>>
      tpu.enqueue_dma source(%dma_start3A_1910 : memref<1x8x32xf32, #tpu.memory_space<hbm>>) target(%dma_start3A_1907 : memref<1x8x32xf32, #tpu.memory_space<vmem>>) target_semaphore(%arg18 : memref<!tpu.dma_semaphore, #tpu.memory_space<semaphore_mem>>)
      %slice3A_1911 = vector.extract_strided_slice %shift_right_logical3A_1625 {offsets = [15], sizes = [1], strides = [1]} : vector<16xi32> to vector<1xi32>
      %squeeze3A_1912 = vector.extract %slice3A_1911[0] : i32 from vector<1xi32>
      %dma_start3A_1913 = arith.constant 2 : i32
      %dma_start3A_1914 = arith.constant 31 : i32
      %dma_start3A_1915 = arith.constant 0 : i32
      %dma_start3A_1916 = arith.constant 0 : i32
      %dma_start3A_1917 = tpu.memref_slice %arg16[%dma_start3A_1913, %dma_start3A_1914, %dma_start3A_1915, %dma_start3A_1916] : memref<3x32x8x32xf32, #tpu.memory_space<vmem>> -> memref<1x1x8x32xf32, #tpu.memory_space<vmem>>
      %dma_start3A_1918 = tpu.memref_squeeze %dma_start3A_1917 : memref<1x1x8x32xf32, #tpu.memory_space<vmem>> -> memref<1x8x32xf32, #tpu.memory_space<vmem>>
      %dma_start3A_1919 = arith.constant 0 : i32
      %dma_start3A_1920 = arith.constant 0 : i32
      %dma_start3A_1921 = tpu.memref_slice %arg9[%squeeze3A_1912, %dma_start3A_1919, %dma_start3A_1920] : memref<125000x8x32xf32, #tpu.memory_space<hbm>> -> memref<1x8x32xf32, #tpu.memory_space<hbm>>
      %dma_start3A_1922 = arith.constant 31 : i32
      %dma_start3A_1923 = arith.constant 0 : i32
      %dma_start3A_1924 = arith.constant 0 : i32
      %dma_start3A_1925 = tpu.memref_slice %arg16[%dma_start3A_1913, %dma_start3A_1922, %dma_start3A_1923, %dma_start3A_1924] : memref<3x32x8x32xf32, #tpu.memory_space<vmem>> -> memref<1x1x8x32xf32, #tpu.memory_space<vmem>>
      %dma_start3A_1926 = tpu.memref_squeeze %dma_start3A_1925 : memref<1x1x8x32xf32, #tpu.memory_space<vmem>> -> memref<1x8x32xf32, #tpu.memory_space<vmem>>
      %dma_start3A_1927 = arith.constant 0 : i32
      %dma_start3A_1928 = arith.constant 0 : i32
      %dma_start3A_1929 = tpu.memref_slice %arg9[%squeeze3A_1912, %dma_start3A_1927, %dma_start3A_1928] : memref<125000x8x32xf32, #tpu.memory_space<hbm>> -> memref<1x8x32xf32, #tpu.memory_space<hbm>>
      tpu.enqueue_dma source(%dma_start3A_1929 : memref<1x8x32xf32, #tpu.memory_space<hbm>>) target(%dma_start3A_1926 : memref<1x8x32xf32, #tpu.memory_space<vmem>>) target_semaphore(%arg18 : memref<!tpu.dma_semaphore, #tpu.memory_space<semaphore_mem>>)
      %dma_wait3A = arith.constant 0 : i32
      %dma_wait3A_1930 = arith.constant 0 : i32
      %dma_wait3A_1931 = arith.constant 0 : i32
      %dma_wait3A_1932 = arith.constant 0 : i32
      %dma_wait3A_1933 = tpu.memref_slice %arg16[%dma_wait3A, %dma_wait3A_1930, %dma_wait3A_1931, %dma_wait3A_1932] : memref<3x32x8x32xf32, #tpu.memory_space<vmem>> -> memref<1x32x8x32xf32, #tpu.memory_space<vmem>>
      %dma_wait3A_1934 = tpu.memref_squeeze %dma_wait3A_1933 : memref<1x32x8x32xf32, #tpu.memory_space<vmem>> -> memref<32x8x32xf32, #tpu.memory_space<vmem>>
      %dma_wait3A_1935 = arith.constant 0 : i32
      %dma_wait3A_1936 = arith.constant 0 : i32
      %dma_wait3A_1937 = arith.constant 0 : i32
      %dma_wait3A_1938 = tpu.memref_slice %arg7[%dma_wait3A_1935, %dma_wait3A_1936, %dma_wait3A_1937] : memref<125x8x32xf32, #tpu.memory_space<hbm>> -> memref<32x8x32xf32, #tpu.memory_space<hbm>>
      %dma_wait3A_1939 = arith.constant 0 : i32
      %dma_wait3A_1940 = arith.constant 0 : i32
      %dma_wait3A_1941 = arith.constant 0 : i32
      %dma_wait3A_1942 = tpu.memref_slice %arg16[%dma_wait3A, %dma_wait3A_1939, %dma_wait3A_1940, %dma_wait3A_1941] : memref<3x32x8x32xf32, #tpu.memory_space<vmem>> -> memref<1x32x8x32xf32, #tpu.memory_space<vmem>>
      %dma_wait3A_1943 = tpu.memref_squeeze %dma_wait3A_1942 : memref<1x32x8x32xf32, #tpu.memory_space<vmem>> -> memref<32x8x32xf32, #tpu.memory_space<vmem>>
      %dma_wait3A_1944 = arith.constant 0 : i32
      %dma_wait3A_1945 = arith.constant 0 : i32
      %dma_wait3A_1946 = arith.constant 0 : i32
      %dma_wait3A_1947 = tpu.memref_slice %arg7[%dma_wait3A_1944, %dma_wait3A_1945, %dma_wait3A_1946] : memref<125x8x32xf32, #tpu.memory_space<hbm>> -> memref<32x8x32xf32, #tpu.memory_space<hbm>>
      tpu.wait_dma2 semaphore(%arg18 : memref<!tpu.dma_semaphore, #tpu.memory_space<semaphore_mem>>) src(%dma_wait3A_1947 : memref<32x8x32xf32, #tpu.memory_space<hbm>>) dst(%dma_wait3A_1943 : memref<32x8x32xf32, #tpu.memory_space<vmem>>)
      %dma_wait3A_1948 = arith.constant 1 : i32
      %dma_wait3A_1949 = arith.constant 0 : i32
      %dma_wait3A_1950 = arith.constant 0 : i32
      %dma_wait3A_1951 = arith.constant 0 : i32
      %dma_wait3A_1952 = tpu.memref_slice %arg16[%dma_wait3A_1948, %dma_wait3A_1949, %dma_wait3A_1950, %dma_wait3A_1951] : memref<3x32x8x32xf32, #tpu.memory_space<vmem>> -> memref<1x32x8x32xf32, #tpu.memory_space<vmem>>
      %dma_wait3A_1953 = tpu.memref_squeeze %dma_wait3A_1952 : memref<1x32x8x32xf32, #tpu.memory_space<vmem>> -> memref<32x8x32xf32, #tpu.memory_space<vmem>>
      %dma_wait3A_1954 = arith.constant 0 : i32
      %dma_wait3A_1955 = arith.constant 0 : i32
      %dma_wait3A_1956 = arith.constant 0 : i32
      %dma_wait3A_1957 = tpu.memref_slice %arg7[%dma_wait3A_1954, %dma_wait3A_1955, %dma_wait3A_1956] : memref<125x8x32xf32, #tpu.memory_space<hbm>> -> memref<32x8x32xf32, #tpu.memory_space<hbm>>
      %dma_wait3A_1958 = arith.constant 0 : i32
      %dma_wait3A_1959 = arith.constant 0 : i32
      %dma_wait3A_1960 = arith.constant 0 : i32
      %dma_wait3A_1961 = tpu.memref_slice %arg16[%dma_wait3A_1948, %dma_wait3A_1958, %dma_wait3A_1959, %dma_wait3A_1960] : memref<3x32x8x32xf32, #tpu.memory_space<vmem>> -> memref<1x32x8x32xf32, #tpu.memory_space<vmem>>
      %dma_wait3A_1962 = tpu.memref_squeeze %dma_wait3A_1961 : memref<1x32x8x32xf32, #tpu.memory_space<vmem>> -> memref<32x8x32xf32, #tpu.memory_space<vmem>>
      %dma_wait3A_1963 = arith.constant 0 : i32
      %dma_wait3A_1964 = arith.constant 0 : i32
      %dma_wait3A_1965 = arith.constant 0 : i32
      %dma_wait3A_1966 = tpu.memref_slice %arg7[%dma_wait3A_1963, %dma_wait3A_1964, %dma_wait3A_1965] : memref<125x8x32xf32, #tpu.memory_space<hbm>> -> memref<32x8x32xf32, #tpu.memory_space<hbm>>
      tpu.wait_dma2 semaphore(%arg18 : memref<!tpu.dma_semaphore, #tpu.memory_space<semaphore_mem>>) src(%dma_wait3A_1966 : memref<32x8x32xf32, #tpu.memory_space<hbm>>) dst(%dma_wait3A_1962 : memref<32x8x32xf32, #tpu.memory_space<vmem>>)
      %dma_wait3A_1967 = arith.constant 2 : i32
      %dma_wait3A_1968 = arith.constant 0 : i32
      %dma_wait3A_1969 = arith.constant 0 : i32
      %dma_wait3A_1970 = arith.constant 0 : i32
      %dma_wait3A_1971 = tpu.memref_slice %arg16[%dma_wait3A_1967, %dma_wait3A_1968, %dma_wait3A_1969, %dma_wait3A_1970] : memref<3x32x8x32xf32, #tpu.memory_space<vmem>> -> memref<1x32x8x32xf32, #tpu.memory_space<vmem>>
      %dma_wait3A_1972 = tpu.memref_squeeze %dma_wait3A_1971 : memref<1x32x8x32xf32, #tpu.memory_space<vmem>> -> memref<32x8x32xf32, #tpu.memory_space<vmem>>
      %dma_wait3A_1973 = arith.constant 0 : i32
      %dma_wait3A_1974 = arith.constant 0 : i32
      %dma_wait3A_1975 = arith.constant 0 : i32
      %dma_wait3A_1976 = tpu.memref_slice %arg7[%dma_wait3A_1973, %dma_wait3A_1974, %dma_wait3A_1975] : memref<125x8x32xf32, #tpu.memory_space<hbm>> -> memref<32x8x32xf32, #tpu.memory_space<hbm>>
      %dma_wait3A_1977 = arith.constant 0 : i32
      %dma_wait3A_1978 = arith.constant 0 : i32
      %dma_wait3A_1979 = arith.constant 0 : i32
      %dma_wait3A_1980 = tpu.memref_slice %arg16[%dma_wait3A_1967, %dma_wait3A_1977, %dma_wait3A_1978, %dma_wait3A_1979] : memref<3x32x8x32xf32, #tpu.memory_space<vmem>> -> memref<1x32x8x32xf32, #tpu.memory_space<vmem>>
      %dma_wait3A_1981 = tpu.memref_squeeze %dma_wait3A_1980 : memref<1x32x8x32xf32, #tpu.memory_space<vmem>> -> memref<32x8x32xf32, #tpu.memory_space<vmem>>
      %dma_wait3A_1982 = arith.constant 0 : i32
      %dma_wait3A_1983 = arith.constant 0 : i32
      %dma_wait3A_1984 = arith.constant 0 : i32
      %dma_wait3A_1985 = tpu.memref_slice %arg7[%dma_wait3A_1982, %dma_wait3A_1983, %dma_wait3A_1984] : memref<125x8x32xf32, #tpu.memory_space<hbm>> -> memref<32x8x32xf32, #tpu.memory_space<hbm>>
      tpu.wait_dma2 semaphore(%arg18 : memref<!tpu.dma_semaphore, #tpu.memory_space<semaphore_mem>>) src(%dma_wait3A_1985 : memref<32x8x32xf32, #tpu.memory_space<hbm>>) dst(%dma_wait3A_1981 : memref<32x8x32xf32, #tpu.memory_space<vmem>>)
      %dma_wait3A_1986 = arith.constant 0 : i32
      %dma_wait3A_1987 = tpu.memref_slice %arg2[%add3A_59, %dma_wait3A_1986] : memref<16384x13xf32, #tpu.memory_space<hbm>> -> memref<32x13xf32, #tpu.memory_space<hbm>>
      %dma_wait3A_1988 = arith.constant 0 : i32
      %dma_wait3A_1989 = tpu.memref_slice %arg2[%add3A_59, %dma_wait3A_1988] : memref<16384x13xf32, #tpu.memory_space<hbm>> -> memref<32x13xf32, #tpu.memory_space<hbm>>
      tpu.wait_dma2 semaphore(%arg19 : memref<!tpu.dma_semaphore, #tpu.memory_space<semaphore_mem>>) src(%dma_wait3A_1989 : memref<32x13xf32, #tpu.memory_space<hbm>>) dst(%arg14 : memref<32x13xf32, #tpu.memory_space<vmem>>)
      %dma_wait3A_1990 = arith.constant 0 : i32
      %dma_wait3A_1991 = tpu.memref_slice %arg3[%add3A_63, %dma_wait3A_1990] : memref<16384x2xf32, #tpu.memory_space<hbm>> -> memref<32x2xf32, #tpu.memory_space<hbm>>
      %dma_wait3A_1992 = arith.constant 0 : i32
      %dma_wait3A_1993 = tpu.memref_slice %arg3[%add3A_63, %dma_wait3A_1992] : memref<16384x2xf32, #tpu.memory_space<hbm>> -> memref<32x2xf32, #tpu.memory_space<hbm>>
      tpu.wait_dma2 semaphore(%arg20 : memref<!tpu.dma_semaphore, #tpu.memory_space<semaphore_mem>>) src(%dma_wait3A_1993 : memref<32x2xf32, #tpu.memory_space<hbm>>) dst(%arg15 : memref<32x2xf32, #tpu.memory_space<vmem>>)
      %scan3A_1994 = arith.constant 0 : i32
      %scan3A_1995 = arith.constant 32 : i32
      %scan3A_1996 = arith.addi %scan3A_1994, %scan3A_1995 : i32
      %scan3A_1997 = arith.constant 1 : i32
      scf.for %scan3A_2000 = %scan3A_1994 to %scan3A_1996 step %scan3A_1997  : i32 {
        %broadcast_in_dim3A_2001 = vector.broadcast %scan3A_2000 : i32 to vector<16xi32>
        %add3A_2002 = vector.broadcast %mul3A_58 : i32 to vector<16xi32>
        %add3A_2003 = arith.addi %broadcast_in_dim3A_2001, %add3A_2002 : vector<16xi32>
        %gather3A = tpu.vector_load_idx %arg11[%add3A_2003] : memref<512xi32, #tpu.memory_space<vmem>>[vector<16xi32>], vector<16xi32>,
        %and3A = arith.constant 7 : i32
        %and3A_2004 = vector.broadcast %and3A : i32 to vector<16xi32>
        %and3A_2005 = arith.andi %gather3A, %and3A_2004 : vector<16xi32>
        %gather3A_2006 = tpu.vector_load_idx %arg12[%add3A_2003] : memref<512xi32, #tpu.memory_space<vmem>>[vector<16xi32>], vector<16xi32>,
        %and3A_2007 = arith.constant 7 : i32
        %and3A_2008 = vector.broadcast %and3A_2007 : i32 to vector<16xi32>
        %and3A_2009 = arith.andi %gather3A_2006, %and3A_2008 : vector<16xi32>
        %gather3A_2010 = tpu.vector_load_idx %arg13[%add3A_2003] : memref<512xi32, #tpu.memory_space<vmem>>[vector<16xi32>], vector<16xi32>,
        %and3A_2011 = arith.constant 7 : i32
        %and3A_2012 = vector.broadcast %and3A_2011 : i32 to vector<16xi32>
        %and3A_2013 = arith.andi %gather3A_2010, %and3A_2012 : vector<16xi32>
        %gather3A_2014 = tpu.vector_load_idx %arg14[%broadcast_in_dim3A_2001, %min3A_22] : memref<32x13xf32, #tpu.memory_space<vmem>>[vector<16xi32>, vector<16xi32>], vector<16xf32>,
        %gather3A_2015 = tpu.vector_load_idx %arg15[%broadcast_in_dim3A_2001, %min3A_30] : memref<32x2xf32, #tpu.memory_space<vmem>>[vector<16xi32>, vector<16xi32>], vector<16xf32>,
        %lt3A = arith.constant 13 : i32
        %lt3A_2016 = vector.broadcast %lt3A : i32 to vector<16xi32>
        %lt3A_2017 = arith.cmpi slt, %iota3A, %lt3A_2016 : vector<16xi32>
        %lt3A_2018 = arith.constant 15 : i32
        %lt3A_2019 = vector.broadcast %lt3A_2018 : i32 to vector<16xi32>
        %lt3A_2020 = arith.cmpi slt, %iota3A, %lt3A_2019 : vector<16xi32>
        %gather3A_2021 = tpu.vector_load_idx %arg16[%broadcast_in_dim3A_7, %broadcast_in_dim3A_2001, %and3A_2005, %max3A_11] : memref<3x32x8x32xf32, #tpu.memory_space<vmem>>[vector<16xi32>, vector<16xi32>, vector<16xi32>, vector<16xi32>], vector<16xf32>,
        %select_n3A = arith.select %lt3A_2020, %gather3A_2015, %gather3A_2021 : vector<16xi1>, vector<16xf32>
        %select_n3A_2022 = arith.select %lt3A_2017, %gather3A_2014, %select_n3A : vector<16xi1>, vector<16xf32>
        %gather3A_2023 = tpu.vector_load_idx %arg16[%broadcast_in_dim3A_7, %broadcast_in_dim3A_2001, %and3A_2005, %add3A_14] : memref<3x32x8x32xf32, #tpu.memory_space<vmem>>[vector<16xi32>, vector<16xi32>, vector<16xi32>, vector<16xi32>], vector<16xf32>,
        %lt3A_2024 = arith.constant 15 : i32
        %lt3A_2025 = vector.broadcast %lt3A_2024 : i32 to vector<16xi32>
        %lt3A_2026 = arith.cmpi slt, %iota3A, %lt3A_2025 : vector<16xi32>
        %gather3A_2027 = tpu.vector_load_idx %arg16[%broadcast_in_dim3A_7, %broadcast_in_dim3A_2001, %and3A_2005, %min3A_19] : memref<3x32x8x32xf32, #tpu.memory_space<vmem>>[vector<16xi32>, vector<16xi32>, vector<16xi32>, vector<16xi32>], vector<16xf32>,
        %gather3A_2028 = tpu.vector_load_idx %arg16[%broadcast_in_dim3A_3, %broadcast_in_dim3A_2001, %and3A_2009, %max3A_11] : memref<3x32x8x32xf32, #tpu.memory_space<vmem>>[vector<16xi32>, vector<16xi32>, vector<16xi32>, vector<16xi32>], vector<16xf32>,
        %select_n3A_2029 = arith.select %lt3A_2026, %gather3A_2027, %gather3A_2028 : vector<16xi1>, vector<16xf32>
        %gather3A_2030 = tpu.vector_load_idx %arg16[%broadcast_in_dim3A_3, %broadcast_in_dim3A_2001, %and3A_2009, %add3A_14] : memref<3x32x8x32xf32, #tpu.memory_space<vmem>>[vector<16xi32>, vector<16xi32>, vector<16xi32>, vector<16xi32>], vector<16xf32>,
        %lt3A_2031 = arith.constant 15 : i32
        %lt3A_2032 = vector.broadcast %lt3A_2031 : i32 to vector<16xi32>
        %lt3A_2033 = arith.cmpi slt, %iota3A, %lt3A_2032 : vector<16xi32>
        %gather3A_2034 = tpu.vector_load_idx %arg16[%broadcast_in_dim3A_3, %broadcast_in_dim3A_2001, %and3A_2009, %min3A_19] : memref<3x32x8x32xf32, #tpu.memory_space<vmem>>[vector<16xi32>, vector<16xi32>, vector<16xi32>, vector<16xi32>], vector<16xf32>,
        %gather3A_2035 = tpu.vector_load_idx %arg16[%broadcast_in_dim3A_5, %broadcast_in_dim3A_2001, %and3A_2013, %max3A_11] : memref<3x32x8x32xf32, #tpu.memory_space<vmem>>[vector<16xi32>, vector<16xi32>, vector<16xi32>, vector<16xi32>], vector<16xf32>,
        %select_n3A_2036 = arith.select %lt3A_2033, %gather3A_2034, %gather3A_2035 : vector<16xi1>, vector<16xf32>
        %gather3A_2037 = tpu.vector_load_idx %arg16[%broadcast_in_dim3A_5, %broadcast_in_dim3A_2001, %and3A_2013, %add3A_14] : memref<3x32x8x32xf32, #tpu.memory_space<vmem>>[vector<16xi32>, vector<16xi32>, vector<16xi32>, vector<16xi32>], vector<16xf32>,
        %gather3A_2038 = tpu.vector_load_idx %arg16[%broadcast_in_dim3A_5, %broadcast_in_dim3A_2001, %and3A_2013, %min3A_19] : memref<3x32x8x32xf32, #tpu.memory_space<vmem>>[vector<16xi32>, vector<16xi32>, vector<16xi32>, vector<16xi32>], vector<16xf32>,
        tpu.vector_store_idx %arg17[%broadcast_in_dim3A_2001, %iota3A], %select_n3A_2022 : memref<32x111xf32, #tpu.memory_space<vmem>>[vector<16xi32>, vector<16xi32>], vector<16xf32>,
        tpu.vector_store_idx %arg17[%broadcast_in_dim3A_2001, %add3A_33], %gather3A_2023 : memref<32x111xf32, #tpu.memory_space<vmem>>[vector<16xi32>, vector<16xi32>], vector<16xf32>,
        tpu.vector_store_idx %arg17[%broadcast_in_dim3A_2001, %add3A_36], %select_n3A_2029 : memref<32x111xf32, #tpu.memory_space<vmem>>[vector<16xi32>, vector<16xi32>], vector<16xf32>,
        tpu.vector_store_idx %arg17[%broadcast_in_dim3A_2001, %add3A_39], %gather3A_2030 : memref<32x111xf32, #tpu.memory_space<vmem>>[vector<16xi32>, vector<16xi32>], vector<16xf32>,
        tpu.vector_store_idx %arg17[%broadcast_in_dim3A_2001, %add3A_42], %select_n3A_2036 : memref<32x111xf32, #tpu.memory_space<vmem>>[vector<16xi32>, vector<16xi32>], vector<16xf32>,
        tpu.vector_store_idx %arg17[%broadcast_in_dim3A_2001, %add3A_45], %gather3A_2037 : memref<32x111xf32, #tpu.memory_space<vmem>>[vector<16xi32>, vector<16xi32>], vector<16xf32>,
        %lt3A_2039 = arith.constant 15 : i32
        %lt3A_2040 = vector.broadcast %lt3A_2039 : i32 to vector<16xi32>
        %lt3A_2041 = arith.cmpi slt, %iota3A, %lt3A_2040 : vector<16xi32>
        tpu.vector_store_idx %arg17[%broadcast_in_dim3A_2001, %min3A_51], %gather3A_2038 masked %lt3A_2041 : memref<32x111xf32, #tpu.memory_space<vmem>>[vector<16xi32>, vector<16xi32>], vector<16xf32>, vector<16xi1>
      }
      %scan3A_1998 = arith.constant 32 : i32
      %add3A_1999 = arith.addi %mul3A_2, %mul3A_58 : i32
      "tpu.region"() ({
        %run_scoped3A = tpu.sem_alloc : memref<!tpu.dma_semaphore, #tpu.memory_space<semaphore_mem>>
        %dma_start3A_2000 = arith.constant 0 : i32
        %dma_start3A_2001 = tpu.memref_slice %arg10[%add3A_1999, %dma_start3A_2000] : memref<16384x111xf32, #tpu.memory_space<hbm>> -> memref<32x111xf32, #tpu.memory_space<hbm>>
        %dma_start3A_2002 = arith.constant 0 : i32
        %dma_start3A_2003 = tpu.memref_slice %arg10[%add3A_1999, %dma_start3A_2002] : memref<16384x111xf32, #tpu.memory_space<hbm>> -> memref<32x111xf32, #tpu.memory_space<hbm>>
        tpu.enqueue_dma source(%arg17 : memref<32x111xf32, #tpu.memory_space<vmem>>) target(%dma_start3A_2003 : memref<32x111xf32, #tpu.memory_space<hbm>>) target_semaphore(%run_scoped3A : memref<!tpu.dma_semaphore, #tpu.memory_space<semaphore_mem>>)
        %dma_wait3A_2004 = arith.constant 0 : i32
        %dma_wait3A_2005 = tpu.memref_slice %arg10[%add3A_1999, %dma_wait3A_2004] : memref<16384x111xf32, #tpu.memory_space<hbm>> -> memref<32x111xf32, #tpu.memory_space<hbm>>
        %dma_wait3A_2006 = arith.constant 0 : i32
        %dma_wait3A_2007 = tpu.memref_slice %arg10[%add3A_1999, %dma_wait3A_2006] : memref<16384x111xf32, #tpu.memory_space<hbm>> -> memref<32x111xf32, #tpu.memory_space<hbm>>
        tpu.wait_dma2 semaphore(%run_scoped3A : memref<!tpu.dma_semaphore, #tpu.memory_space<semaphore_mem>>) src(%arg17 : memref<32x111xf32, #tpu.memory_space<vmem>>) dst(%dma_wait3A_2007 : memref<32x111xf32, #tpu.memory_space<hbm>>)
        tpu.yield
      }) : () -> ()
    }
    %scan3A_55 = arith.constant 16 : i32
    return
  }
}

</mosaic_0001>

<sc_bundles>
// kernel: kernel.3.cloned.1.call-start
scs
__scs_entry_jumppad:
0x0: {  	(pc) =	sbr.rel $0x88, $3  }
0x1: {  	(tag) =	ssettag $0x0;
	lr =	simm.s32 $0x1  }
0x2: {  	[smem:$0x3F99] =	sst lr;
	_ =	strace $0xD0000000  }
0x3: {  	_ = 	snop  }
0x4: {  	_ = 	snop  }
0x5: {  	_ = 	snop  }
0x6: {  	_ = 	snop  }
0x7: {  	_ = 	snop  }
__scs_overlays_trampoline_lowered:
0x8: {  	[smem:$0x3FA8] =	sst s0  }
0x9: {  	[smem:$0x3FA9] =	sst s1  }
0xa: {  	[smem:$0x3FAA] =	sst s2  }
0xb: {  	[smem:$0x3FAB] =	sst s3  }
0xc: {  	[smem:$0x3FAC] =	sst s4  }
0xd: {  	[smem:$0x3FAD] =	sst s5  }
0xe: {  	[smem:$0x3FAE] =	sst s6  }
0xf: {  	[smem:$0x3FAF] =	sst s7  }
0x10: {  	[smem:$0x3FB0] =	sst s8  }
0x11: {  	[smem:$0x3FB1] =	sst s9;
	s0 =	simm.s32 @!p0 $0x0  }
0x12: {  	s1 =	sld [smem:$0x3F97];
	s0 =	simm.s32 @p0 $0x1  }
0x13: {  	[smem:$0x3FB2] =	sst s0;
	s0 =	simm.s32 @!p1 $0x0  }
0x14: {  	s2 =	sld [smem:$0x3F96];
	s0 =	simm.s32 @p1 $0x1  }
0x15: {  	[smem:$0x3FB3] =	sst s0;
	s0 =	simm.s32 @!p2 $0x0  }
0x16: {  	s3 =	sld [smem:$0x3FDB];
	s0 =	simm.s32 @p2 $0x1  }
0x17: {  	s4 =	simm.s32 $0x1BF5;
	[smem:$0x3FB5] =	sst s0  }
0x18: {  	s0 =	sld [smem:$0x3F98];
	_ =	swait.ge [sflag:s4], $0x0  }
0x19: {  	s7 =	sld [smem:$0x3F99]  }
0x1a: {  	s8 =	sadd.s32 $0xFFFFE003, lr  }
0x1b: {  	s9 =	sadd.s32 $0xFFFFFEF7, lr;
	s5 =	simm.s32 $0xFFFFFFFF;
	p2 =	slt.u32 s8, $0xFFFFF086  }
0x1c: {  	p1 =	slt.u32 s9, $0xF7A;
	s5 =	simm.s32 @!p2 $0x0  }
0x1d: {  	s5 =	simm.s32 @p1 $0x1;
	p0 =	seq.s32 s7, s2  }
0x1e: {  	s7 =	smul.u32 @!p0 $0xF7A, s2;
	p2 =	seq.s32 @!p0 s5, $0x0  }
0x1f: {  	s9 =	smul.u32 $0xF7A, s1;
	s8 =	simm.s32 @!p0 $0x1BF5;
	p2 =	por !p2, p0  }
0x20: {  	[sflag:s8] =	ssyncset.s32 @!p0 $0xFFFFF086;
	s6 =	sadd.s32 @!p0 s3, s7;
	s7 =	simm.s32 @!p0 $0x108  }
0x21: {  	s3 =	sadd.s32 s3, s9;
	s6 =	sadd.s32 @!p0 $0x88, s6;
	s7 =	simm.s32 @p2 $0x1082  }
0x22: {  	[simem:s7], [sflag:s8] =	dma.local @!p0 [hbm:s6], $0xF7A  }
0x23: {  	s9 =	sor.u32 $0xD0000000, s2;
	s6 =	simm.s32 $0x108;
	_ =	swait.ge @!p0 [sflag:s8], $0x0  }
0x24: {  	s3 =	sadd.s32 $0x88, s3;
	s6 =	simm.s32 @!p1 $0x1082;
	[sflag:s4] =	ssyncset.s32 $0xFFFFF086  }
0x25: {  	[simem:s6], [sflag:s4] =	dma.local [hbm:s3], $0xF7A  }
0x26: {  	[smem:$0x3F99] =	sst s1;
	(tag) =	ssettag s2;
	_ =	strace s9  }
0x27: {  	s1 =	sld [smem:$0x3FA9]  }
0x28: {  	s2 =	sld [smem:$0x3FAA]  }
0x29: {  	s4 =	sld [smem:$0x3FAC]  }
0x2a: {  	p0 =	seq.s32 s5, $0x0;
	s5 =	sld [smem:$0x3FAD]  }
0x2b: {  	s6 =	sld [smem:$0x3FAE]  }
0x2c: {  	s7 =	sld [smem:$0x3FAF]  }
0x2d: {  	s3 =	simm.s32 $0x108;
	s8 =	sld [smem:$0x3FB0]  }
0x2e: {  	s3 =	simm.s32 @!p0 $0x1082;
	s9 =	sld [smem:$0x3FB1]  }
0x2f: {  	lr =	sadd.s32 s0, s3;
	s0 =	sld [smem:$0x3FA8]  }
0x30: {  	s3 =	sld [smem:$0x3FAB]  }
0x31: {  	[smem:$0x3FB4] =	sst s10  }
0x32: {  	s10 =	sld [smem:$0x3FB2];
	_ =	sdelay $0x3  }
0x33: {  	p0 =	seq.s32 s10, $0x1;
	s10 =	sld [smem:$0x3FB4];
	_ =	sdelay $0x3  }
0x34: {  	[smem:$0x3FB4] =	sst s10  }
0x35: {  	s10 =	sld [smem:$0x3FB3];
	_ =	sdelay $0x3  }
0x36: {  	p1 =	seq.s32 s10, $0x1;
	s10 =	sld [smem:$0x3FB4];
	_ =	sdelay $0x3  }
0x37: {  	[smem:$0x3FB4] =	sst s10  }
0x38: {  	s10 =	sld [smem:$0x3FB5]  }
0x39: {  	_ = 	snop;
	(pc) =	sbr.ind lr, $3  }
0x3a: {  	_ = 	snop  }
0x3b: {  	_ = 	snop  }
0x3c: {  	p2 =	seq.s32 s10, $0x1;
	s10 =	sld [smem:$0x3FB4]  }
0x3d: {  	_ =	shalt  }
0x3e: {  	_ =	shalt  }
0x3f: {  	_ =	shalt  }
0x40: {  	_ =	shalt  }
0x41: {  	_ =	shalt  }
0x42: {  	_ =	shalt  }
0x43: {  	_ =	shalt  }
0x44: {  	_ =	shalt  }
0x45: {  	_ =	shalt  }
0x46: {  	_ =	shalt  }
0x47: {  	_ =	shalt  }
0x48: {  	_ =	shalt  }
0x49: {  	_ =	shalt  }
0x4a: {  	_ =	shalt  }
0x4b: {  	_ =	shalt  }
0x4c: {  	_ =	shalt  }
0x4d: {  	_ =	shalt  }
0x4e: {  	_ =	shalt  }
0x4f: {  	_ =	shalt  }
0x50: {  	_ =	shalt  }
0x51: {  	_ =	shalt  }
0x52: {  	_ =	shalt  }
0x53: {  	_ =	shalt  }
0x54: {  	_ =	shalt  }
0x55: {  	_ =	shalt  }
0x56: {  	_ =	shalt  }
0x57: {  	_ =	shalt  }
0x58: {  	_ =	shalt  }
0x59: {  	_ =	shalt  }
0x5a: {  	_ =	shalt  }
0x5b: {  	_ =	shalt  }
0x5c: {  	_ =	shalt  }
0x5d: {  	_ =	shalt  }
0x5e: {  	_ =	shalt  }
0x5f: {  	_ =	shalt  }
0x60: {  	_ =	shalt  }
0x61: {  	_ =	shalt  }
0x62: {  	_ =	shalt  }
0x63: {  	_ =	shalt  }
0x64: {  	_ =	shalt  }
0x65: {  	_ =	shalt  }
0x66: {  	_ =	shalt  }
0x67: {  	_ =	shalt  }
0x68: {  	_ =	shalt  }
0x69: {  	_ =	shalt  }
0x6a: {  	_ =	shalt  }
0x6b: {  	_ =	shalt  }
0x6c: {  	_ =	shalt  }
0x6d: {  	_ =	shalt  }
0x6e: {  	_ =	shalt  }
0x6f: {  	_ =	shalt  }
0x70: {  	_ =	shalt  }
0x71: {  	_ =	shalt  }
0x72: {  	_ =	shalt  }
0x73: {  	_ =	shalt  }
0x74: {  	_ =	shalt  }
0x75: {  	_ =	shalt  }
0x76: {  	_ =	shalt  }
0x77: {  	_ =	shalt  }
0x78: {  	_ =	shalt  }
0x79: {  	_ =	shalt  }
0x7a: {  	_ =	shalt  }
0x7b: {  	_ =	shalt  }
0x7c: {  	_ =	shalt  }
0x7d: {  	_ =	shalt  }
0x7e: {  	_ =	shalt  }
0x7f: {  	_ =	shalt  }
0x80: {  	_ =	shalt  }
0x81: {  	_ =	shalt  }
0x82: {  	_ =	shalt  }
0x83: {  	_ =	shalt  }
0x84: {  	_ =	shalt  }
0x85: {  	_ =	shalt  }
0x86: {  	_ =	shalt  }
0x87: {  	_ =	shalt  }
.Lfunc_end0:
.L_simem_size_0:
called_computation_lowered:
.L_overlay_start_0:
0x88: {  	s2 =	sld [smem:$0x3FD9]  }
0x89: {  	s3 =	sld [smem:$0x3FFE];
	_ =	sdelay $0x1  }
0x8a: {  	s1 =	srdreg.scid  }
0x8b: {  	s0 =	sand.u32 $0x1, s1  }
0x8c: {  	s17 =	sshll.u32 s0, $0xA;
	s2 =	sadd.s32 s3, s2  }
0x8d: {  	s2 =	sadd.s32 s2, s17  }
0x8e: {  	[smem:$0x3FC0] =	sst s2  }
0x8f: {  	_ = 	snop  }
0x90: {  	s2 =	sld [smem:$0x3FC7]  }
0x91: {  	s18 =	sld [smem:$0x3FC6]  }
0x92: {  	s4 =	sld [smem:$0x3FC5]  }
0x93: {  	s5 =	sld [smem:$0x3FD0];
	(tm) =	ssettm $0x1  }
0x94: {  	s6 =	sld [smem:$0x3FFB];
	_ =	sdelay $0x3  }
0x95: {  	_ =	strace s6  }
0x96: {  	s6 =	sld [smem:$0x3FFC];
	_ =	sdelay $0x3  }
0x97: {  	_ =	strace s6  }
0x98: {  	s6 =	sld [smem:$0x3FFD];
	_ =	sdelay $0x3  }
0x99: {  	_ =	strace s6  }
0x9a: {  	_ =	strace $0x8FFFFFFF  }
0x9b: {  	s19 =	sld [smem:$0x3FDB];
	_ =	sdelay $0x1  }
0x9c: {  	s7 =	simm.s32 $_scs_section_size  }
0x9d: {  	s8 =	simm.s32 $_size__tile_overlayer_lowered;
	s9 =	simm.s32 $_tile_overlayer_lowered  }
0x9e: {  	s22 =	simm.s32 $0x1BFF;
	s21 =	sshll.u32 s9, $0x1;
	s6 =	sadd.s32 s7, s19  }
0x9f: {  	s10 =	simm.s32 $0x0;
	s20 =	sshll.u32 s8, $0x1;
	s8 =	sadd.s32 s21, s6  }
0xa0: {  	[timem:s10], [sflag:s22] =	dma.local [hbm:s8], s20  }
0xa1: {  	_ =	swait.ge [sflag:s22], s20  }
0xa2: {  	s7 =	ssub.s32 $0x0, s20;
	[sflag:s22] =	ssyncset.done $0x0  }
0xa3: {  	[sflag:s22] =	ssyncadd.s32 s7;
	_ =	sdelay $0x1  }
0xa4: {  	s23 =	simm.s32 $0x1B8B  }
0xa5: {  	_ =	swait.ge [sflag:s23], $0x1  }
0xa6: {  	[sflag:s23] =	ssyncset.done $0x0  }
0xa7: {  	s25 =	simm.s32 $0x1B8E;
	s24 =	sld [smem:$0x3FFE];
	[sflag:s23] =	ssyncadd.s32 $0xFFFFFFFF  }
0xa8: {  	s26 =	simm.s32 $execute0_lowered;
	[smem:$0x3FD2] =	sst s25  }
0xa9: {  	s8 =	sshll.u32 s26, $0x1;
	_ =	strace $0x80000046;
	[dreg:$0x1] =	wrdreg $0xFFFFFFFF  }
0xaa: {  	s28 =	simm.s32 $_size_execute0_lowered;
	s6 =	sadd.s32 s6, s8;
	[dreg:$0x0] =	wrdreg $0x0  }
0xab: {  	s8 =	sshll.u32 s28, $0x1;
	[dreg:$0x2] =	wrdreg s6  }
0xac: {  	[dreg:$0x3] =	wrdreg s8  }
0xad: {  	[dreg:$0x4] =	wrdreg $0xC0  }
0xae: {  	_ =	task [dreg:s10], $0x5FFFF  }
0xaf: {  	[dreg:$0x1] =	wrdreg $0xFFFFFFFF  }
0xb0: {  	[dreg:$0x0] =	wrdreg $0x60  }
0xb1: {  	[dreg:$0x2] =	wrdreg s24  }
0xb2: {  	[dreg:$0x3] =	wrdreg s2  }
0xb3: {  	[dreg:$0x4] =	wrdreg s18  }
0xb4: {  	[dreg:$0x5] =	wrdreg s4  }
0xb5: {  	[dreg:$0x6] =	wrdreg s5  }
0xb6: {  	[dreg:$0x7] =	wrdreg $0x9  }
0xb7: {  	_ =	task.clear_ibuf [dreg:s10], $0x8FFFF;
	_ =	strace $0x90000046  }
0xb8: {  	s29 =	simm.s32 $0x9;
	_ =	strace $0x80000048  }
0xb9: {  	_ =	swait.ge [sflag:s29], $0x1  }
0xba: {  	[sflag:s29] =	ssyncadd.s32 $0xFFFFFFFF  }
0xbb: {  	_ =	strace $0x90000048  }
0xbc: {  	_ =	sfence  }
0xbd: {  	s30 =	sld [smem:$0x0];
	_ =	sdelay $0x2  }
0xbe: {  	s31 =	sshll.u32 s1, $0xD;
	s1 =	sshrl.u32 s1, $0x2  }
0xbf: {  	s3 =	sand.u32 $0x4000, s31;
	s1 =	sadd.s32 s1, s30  }
0xc0: {  	s0 =	sor.u32 s3, s0;
	s1 =	sshll.u32 s1, $0x11  }
0xc1: {  	s0 =	sor.u32 s1, s0  }
0xc2: {  	s0 =	sadd.s32 $0x8F2B, s0  }
0xc3: {  	[sflag:s0] =	ssyncadd.remote.s32 $0x1  }
0xc4: {  	_ =	sfence.sel $0xFFFF  }
0xc5: {  	[dreg:$0x0] =	wrdreg $0xFFFFFFFF;
	(pc) =	sbr.abs _section_cstart, $3  }
0xc6: {  	[dreg:$0x1] =	wrdreg $0xFFFFFFFF  }
0xc7: {  	_ =	task.clear_ibuf [dreg:s10], $0x2FFFF;
	_ =	strace $0x9FFFFFFF  }
0xc8: {  	(tm) =	ssettm $0x7FFFFFFF  }
0xc9: {  	_ =	shalt  }
tec
execute0_lowered:
.L_overlay_start_1:
0x0: {  	(tag) =	ssettag $0x1  }
0x1: {  	v0 =	vimm.s32 $0x76543210;
	v1 =	vimm.s32 $0xB0A0908  }
0x2: {  	vm0 =	vcmask $0x1F00;
	v3 =	vimm.s32 $0x1C1B1A19;
	v4 =	vimm.s32 $0x1F1F1E1D  }
0x3: {  	v5 =	vimm.s32 $0x14131211;
	vm1 =	vmmov $0x1fff;
	v2 =	vlaneseq.u32  }
0x4: {  	v6 =	vimm.s32 $0x18171615;
	v7 =	vimm.s32 $0x801F;
	vm2 =	vcmask $0x300  }
0x5: {  	v8 =	vimm.s32 $0x1001F;
	v12 =	vimm.s32 $0x67666564;
	v0 =	vunpack.c.l.s4.s8 v0  }
0x6: {  	v1 =	vunpack.c.0.s8.s32 v1;
	v7 =	vsel vm2, $0x8011, v7;
	v8 =	vsel vm2, $0x10011, v8  }
0x7: {  	vm2 =	vcmask $0x704;
	v9 =	vunpack.c.0.s8.s32 v3;
	v10 =	vunpack.c.0.s8.s32 v4  }
0x8: {  	v11 =	vunpack.c.0.s8.s32 v5;
	v5 =	vimm.s32 $0x63626160;
	v6 =	vunpack.c.0.s8.s32 v6  }
0x9: {  	v12 =	vunpack.c.0.s8.s32 v12;
	v7 =	vsel vm2, $0x8012, v7;
	v8 =	vsel vm2, $0x10012, v8  }
0xa: {  	vm2 =	vcmask $0xB08;
	v13 =	vunpack.c.0.s8.s32 v5;
	v0 =	vunpack.c.0.s8.s32 v0  }
0xb: {  	v7 =	vsel vm2, $0x8013, v7;
	v8 =	vsel vm2, $0x10013, v8;
	vm2 =	vcmask $0xF0C  }
0xc: {  	v7 =	vsel vm2, $0x8014, v7;
	v8 =	vsel vm2, $0x10014, v8;
	vm2 =	vcmask $0x1310  }
0xd: {  	s0 =	rddreg [dreg:$0x0];
	v5 =	vadd.s32 $0x1, v2;
	v0 =	vand.u32 $0xF, v0;
	v7 =	vsel vm2, $0x8015, v7  }
0xe: {  	s3 =	rddreg [dreg:$0x1];
	v8 =	vsel vm2, $0x10015, v8;
	vm2 =	vcmask $0x1714;
	v0 =	vnsel vm0, $0xC, v0  }
0xf: {  	s10 =	rddreg [dreg:$0x2];
	vm0 =	vcmask $0x2F20;
	v7 =	vsel vm2, $0x8016, v7;
	v8 =	vsel vm2, $0x10016, v8  }
0x10: {  	s11 =	rddreg [dreg:$0x3];
	vm2 =	vcmask $0x1B18;
	v0 =	vsel vm0, v1, v0;
	vm0 =	vcmask $0x3700  }
0x11: {  	s1 =	rddreg [dreg:$0x4];
	s2 =	simm.s32 $0x0;
	s6 =	srdreg.scid;
	v1 =	vimm.s32 $0x1;
	v7 =	vsel vm2, $0x8017, v7;
	v8 =	vsel vm2, $0x10017, v8  }
0x12: {  	s7 =	stileid.u32;
	s14 =	simm.s32 $0x4;
	s15 =	simm.s32 $0x200;
	vm2 =	vcmask $0x1F1C;
	v1 =	vsel vm0, $0x0, v1;
	vm0 =	vcmask $0x3B34  }
0x13: {  	s16 =	simm.s32 $0x400;
	s17 =	simm.s32 $0x600;
	s18 =	simm.s32 $0x1600;
	v7 =	vsel vm2, $0x8018, v7;
	v8 =	vsel vm2, $0x10018, v8;
	vm2 =	vcmask $0x2320  }
0x14: {  	s19 =	simm.s32 $0x2600;
	s23 =	simm.s32 $0x18A00;
	s28 =	simm.s32 $0x19A00;
	v7 =	vsel vm2, $0x8019, v7;
	v8 =	vsel vm2, $0x10019, v8;
	vm2 =	vcmask $0x2724  }
0x15: {  	s29 =	simm.s32 $0x19E00;
	s30 =	simm.s32 $0x1A200;
	[smem:$0x7FF] =	sst s2;
	v7 =	vsel vm2, $0x801A, v7;
	v8 =	vsel vm2, $0x1001A, v8;
	vm2 =	vcmask $0x2B28  }
0x16: {  	s4 =	sadd.s32 $0x600, s0;
	s5 =	sadd.s32 $0x40600, s0;
	s8 =	sand.u32 $0x1, s6;
	v7 =	vsel vm2, $0x801B, v7;
	v8 =	vsel vm2, $0x1001B, v8;
	vm2 =	vcmask $0x2F2C  }
0x17: {  	s6 =	sadd.s32 $0x80600, s0;
	s9 =	sshll.u32 s7, $0xA;
	s12 =	sshll.u32 s8, $0x9;
	v7 =	vsel vm2, $0x801C, v7;
	v8 =	vsel vm2, $0x1001C, v8;
	vm2 =	vcmask $0x3330  }
0x18: {  	s7 =	sadd.s32 $0x207000, s0;
	s13 =	ssub.s32 $0x2, s8;
	s8 =	sor.u32 s12, s9;
	v7 =	vsel vm2, $0x801D, v7;
	v8 =	vsel vm2, $0x1001D, v8;
	vm2 =	vcmask $0x3734  }
0x19: {  	s31 =	simm.s32 $0x1;
	_ =	strace $0x80000047;
	s12 =	sshrl.u32 s8, $0x3;
	v3 =	vsel vm2, $0x801E, v7;
	v7 =	vimm.s32 $0x6B6A6968;
	v4 =	vsel vm2, $0x1001E, v8  }
0x1a: {  	s9 =	sadd.s32 $0x1149400, s0;
	s24 =	sshrl.u32 s13, $0x1;
	s3 =	sadd.s32 s3, s12;
	v8 =	vimm.s32 $0x6E6E6D6C;
	vm2 =	vcmask $0x1F10;
	v7 =	vunpack.c.0.s8.s32 v7  }
0x1b: {  	s0 =	ssub.s32 s13, s24;
	s25 =	sadd.s32 s10, s12;
	[dreg:$0x6] =	wrdreg s3;
	v8 =	vunpack.c.0.s8.s32 v8;
	v9 =	vsel vm2, v10, v9;
	v6 =	vsel vm2, v6, v11  }
0x1c: {  	s24 =	simm.s32 $0x18E00;
	s26 =	sadd.s32 s11, s12;
	[dreg:$0x7] =	wrdreg s25;
	v15 =	vsel vm2, v12, v13;
	v10 =	vor.u32 $0x20, v2;
	v11 =	vor.u32 $0x30, v2  }
0x1d: {  	s0 =	smax.u32 s0, $0x1;
	s10 =	simm.s32 $0x1A600;
	[dreg:$0x8] =	wrdreg s26;
	v12 =	vor.u32 $0x40, v2;
	v13 =	vor.u32 $0x50, v2;
	v6 =	vcombine.low v6, v9  }
0x1e: {  	s12 =	simm.s32 $0x0;
	[dreg:$0x9] =	wrdreg s0;
	s25 =	simm.s32 $0x19200;
	v9 =	vor.u32 $0x10, v2;
	v14 =	vsel vm2, v8, v7;
	vm2 =	vmmov $0x7fff  }
0x1f: {  	s26 =	simm.s32 $0x19600;
	s0 =	simm.s32 $0x2;
	s3 =	simm.s32 $0x3;
	v7 =	vadd.s32 $0x8001, v2;
	v8 =	vadd.s32 $0x10001, v2;
	v14 =	vcombine.low v15, v14  }
.LBB2_1:
0x20: {  	[dreg:$0xa] =	wrdreg s12  }
0x21: {  	s11 =	rddreg [dreg:$0x6]  }
0x22: {  	[tilespmem:s2], [sflag:$0x4] =	stream.linear.gather [hbm4b:s11+s2], $0x200, $0x38;
	[tilespmem:$0x1B600] =	vst v63  }
0x23: {  	_ =	swait.ge [sflag:s14], $0x200  }
0x24: {  	[sflag:s14] =	ssyncset.done $0x0  }
0x25: {  	s21 =	rddreg [dreg:$0x7];
	[sflag:s14] =	ssyncadd.s32 $0xFFFFFE00  }
0x26: {  	[tilespmem:s15], [sflag:$0x4] =	stream.linear.gather [hbm4b:s21+s2], $0x200, $0x38;
	[tilespmem:$0x1B600] =	vst v63  }
0x27: {  	_ =	swait.ge [sflag:s14], $0x200  }
0x28: {  	[sflag:s14] =	ssyncset.done $0x0  }
0x29: {  	s22 =	rddreg [dreg:$0x8];
	[sflag:s14] =	ssyncadd.s32 $0xFFFFFE00  }
0x2a: {  	[tilespmem:s16], [sflag:$0x4] =	stream.linear.gather [hbm4b:s22+s2], $0x200, $0x38;
	[tilespmem:$0x1B600] =	vst v63  }
0x2b: {  	_ =	swait.ge [sflag:s14], $0x200  }
0x2c: {  	[sflag:s14] =	ssyncset.done $0x0  }
0x2d: {  	s11 =	simm.s32 $0x0;
	[sflag:s14] =	ssyncadd.s32 $0xFFFFFE00  }
.LBB2_2:
0x2e: {  	s13 =	sshll.u32 s11, $0x5  }
0x2f: {  	s12 =	sor.u32 s8, s13  }
0x30: {  	s12 =	sshll.u32 s12, $0x4  }
0x31: {  	s20 =	simm.s32 $0x0;
	s21 =	sadd.s32 s4, s12  }
0x32: {  	[tilespmem:s17], [sflag:$0x2] =	stream.linear.gather [hbm4b:s21+s20], $0x1000, $0x38;
	[tilespmem:$0x1B600] =	vst v63  }
0x33: {  	s22 =	sadd.s32 s5, s12  }
0x34: {  	[tilespmem:s18], [sflag:$0x3] =	stream.linear.gather [hbm4b:s22+s20], $0x1000, $0x38;
	[tilespmem:$0x1B600] =	vst v63  }
0x35: {  	v15 =	vld [tilespmem:s13+$0x0];
	_ =	sdelay $0x4  }
0x36: {  	v15 =	vshrl.u32 v15, $0x3  }
0x37: {  	v15 =	vshll.u32 v15, $0x7  }
0x38: {  	(v2sf) =	vpush v15, $0x0;
	_ =	sdelay $0x1  }
0x39: {  	(v2sf) =	vpush v15, $0x1;
	_ =	sdelay $0x4  }
0x3a: {  	(v2sf) =	vpush v15, $0x2;
	_ =	sdelay $0x3  }
0x3b: {  	(v2sf) =	vpush v15, $0x3;
	_ =	sdelay $0x3  }
0x3c: {  	s22 =	spop (v2sf);
	(v2sf) =	vpush v15, $0x4  }
0x3d: {  	s21 =	sand.u32 $0x1FFFFF80, s22  }
0x3e: {  	s22 =	spop (v2sf);
	s21 =	sadd.s32 s1, s21  }
0x3f: {  	[tilespmem:s19], [sflag:$0x1] =	stream.linear.gather [hbm4b:s21+s20], $0x400, $0x38;
	[tilespmem:$0x1B600] =	vst v63  }
0x40: {  	(v2sf) =	vpush v15, $0x5;
	s21 =	sand.u32 $0x1FFFFF80, s22  }
0x41: {  	s22 =	simm.s32 $0x2A00;
	s21 =	sadd.s32 s1, s21  }
0x42: {  	[tilespmem:s22], [sflag:$0x1] =	stream.linear.gather [hbm4b:s21+s20], $0x400, $0x38;
	[tilespmem:$0x1B600] =	vst v63  }
0x43: {  	s22 =	spop (v2sf)  }
0x44: {  	(v2sf) =	vpush v15, $0x6;
	s21 =	sand.u32 $0x1FFFFF80, s22  }
0x45: {  	s22 =	simm.s32 $0x2E00;
	s21 =	sadd.s32 s1, s21  }
0x46: {  	[tilespmem:s22], [sflag:$0x1] =	stream.linear.gather [hbm4b:s21+s20], $0x400, $0x38;
	[tilespmem:$0x1B600] =	vst v63  }
0x47: {  	s22 =	spop (v2sf)  }
0x48: {  	(v2sf) =	vpush v15, $0x7;
	s21 =	sand.u32 $0x1FFFFF80, s22  }
0x49: {  	s22 =	simm.s32 $0x3200;
	s21 =	sadd.s32 s1, s21  }
0x4a: {  	[tilespmem:s22], [sflag:$0x1] =	stream.linear.gather [hbm4b:s21+s20], $0x400, $0x38;
	[tilespmem:$0x1B600] =	vst v63  }
0x4b: {  	s22 =	spop (v2sf)  }
0x4c: {  	(v2sf) =	vpush v15, $0x8;
	s21 =	sand.u32 $0x1FFFFF80, s22  }
0x4d: {  	s22 =	simm.s32 $0x3600;
	s21 =	sadd.s32 s1, s21  }
0x4e: {  	[tilespmem:s22], [sflag:$0x1] =	stream.linear.gather [hbm4b:s21+s20], $0x400, $0x38;
	[tilespmem:$0x1B600] =	vst v63  }
0x4f: {  	s22 =	spop (v2sf)  }
0x50: {  	(v2sf) =	vpush v15, $0x9;
	s21 =	sand.u32 $0x1FFFFF80, s22  }
0x51: {  	s22 =	simm.s32 $0x3A00;
	s21 =	sadd.s32 s1, s21  }
0x52: {  	[tilespmem:s22], [sflag:$0x1] =	stream.linear.gather [hbm4b:s21+s20], $0x400, $0x38;
	[tilespmem:$0x1B600] =	vst v63  }
0x53: {  	s22 =	spop (v2sf)  }
0x54: {  	(v2sf) =	vpush v15, $0xA;
	s21 =	sand.u32 $0x1FFFFF80, s22  }
0x55: {  	s22 =	simm.s32 $0x3E00;
	s21 =	sadd.s32 s1, s21  }
0x56: {  	[tilespmem:s22], [sflag:$0x1] =	stream.linear.gather [hbm4b:s21+s20], $0x400, $0x38;
	[tilespmem:$0x1B600] =	vst v63  }
0x57: {  	s22 =	spop (v2sf)  }
0x58: {  	(v2sf) =	vpush v15, $0xB;
	s21 =	sand.u32 $0x1FFFFF80, s22  }
0x59: {  	s22 =	simm.s32 $0x4200;
	s21 =	sadd.s32 s1, s21  }
0x5a: {  	[tilespmem:s22], [sflag:$0x1] =	stream.linear.gather [hbm4b:s21+s20], $0x400, $0x38;
	[tilespmem:$0x1B600] =	vst v63  }
0x5b: {  	s22 =	spop (v2sf)  }
0x5c: {  	(v2sf) =	vpush v15, $0xC;
	s21 =	sand.u32 $0x1FFFFF80, s22  }
0x5d: {  	s22 =	simm.s32 $0x4600;
	s21 =	sadd.s32 s1, s21  }
0x5e: {  	[tilespmem:s22], [sflag:$0x1] =	stream.linear.gather [hbm4b:s21+s20], $0x400, $0x38;
	[tilespmem:$0x1B600] =	vst v63  }
0x5f: {  	s22 =	spop (v2sf)  }
0x60: {  	(v2sf) =	vpush v15, $0xD;
	s21 =	sand.u32 $0x1FFFFF80, s22  }
0x61: {  	s22 =	simm.s32 $0x4A00;
	s21 =	sadd.s32 s1, s21  }
0x62: {  	[tilespmem:s22], [sflag:$0x1] =	stream.linear.gather [hbm4b:s21+s20], $0x400, $0x38;
	[tilespmem:$0x1B600] =	vst v63  }
0x63: {  	s22 =	spop (v2sf)  }
0x64: {  	(v2sf) =	vpush v15, $0xE;
	s21 =	sand.u32 $0x1FFFFF80, s22  }
0x65: {  	s22 =	simm.s32 $0x4E00;
	s21 =	sadd.s32 s1, s21  }
0x66: {  	[tilespmem:s22], [sflag:$0x1] =	stream.linear.gather [hbm4b:s21+s20], $0x400, $0x38;
	[tilespmem:$0x1B600] =	vst v63  }
0x67: {  	s22 =	spop (v2sf)  }
0x68: {  	(v2sf) =	vpush v15, $0xF;
	s21 =	sand.u32 $0x1FFFFF80, s22  }
0x69: {  	s22 =	simm.s32 $0x5200;
	s21 =	sadd.s32 s1, s21  }
0x6a: {  	[tilespmem:s22], [sflag:$0x1] =	stream.linear.gather [hbm4b:s21+s20], $0x400, $0x38;
	[tilespmem:$0x1B600] =	vst v63  }
0x6b: {  	s22 =	spop (v2sf)  }
0x6c: {  	s21 =	sand.u32 $0x1FFFFF80, s22  }
0x6d: {  	s22 =	simm.s32 $0x5600;
	s21 =	sadd.s32 s1, s21  }
0x6e: {  	[tilespmem:s22], [sflag:$0x1] =	stream.linear.gather [hbm4b:s21+s20], $0x400, $0x38;
	[tilespmem:$0x1B600] =	vst v63  }
0x6f: {  	s22 =	spop (v2sf)  }
0x70: {  	s21 =	sand.u32 $0x1FFFFF80, s22  }
0x71: {  	s22 =	simm.s32 $0x5A00;
	s21 =	sadd.s32 s1, s21  }
0x72: {  	[tilespmem:s22], [sflag:$0x1] =	stream.linear.gather [hbm4b:s21+s20], $0x400, $0x38;
	[tilespmem:$0x1B600] =	vst v63  }
0x73: {  	s22 =	spop (v2sf)  }
0x74: {  	s21 =	sand.u32 $0x1FFFFF80, s22  }
0x75: {  	s22 =	simm.s32 $0x5E00;
	s21 =	sadd.s32 s1, s21  }
0x76: {  	[tilespmem:s22], [sflag:$0x1] =	stream.linear.gather [hbm4b:s21+s20], $0x400, $0x38;
	[tilespmem:$0x1B600] =	vst v63  }
0x77: {  	s22 =	spop (v2sf)  }
0x78: {  	s21 =	sand.u32 $0x1FFFFF80, s22  }
0x79: {  	s22 =	simm.s32 $0x6200;
	s21 =	sadd.s32 s1, s21  }
0x7a: {  	[tilespmem:s22], [sflag:$0x1] =	stream.linear.gather [hbm4b:s21+s20], $0x400, $0x38;
	[tilespmem:$0x1B600] =	vst v63  }
0x7b: {  	v15 =	vld [tilespmem:s13+$0x10];
	_ =	sdelay $0x4  }
0x7c: {  	v15 =	vshrl.u32 v15, $0x3  }
0x7d: {  	v15 =	vshll.u32 v15, $0x7  }
0x7e: {  	(v2sf) =	vpush v15, $0x0;
	_ =	sdelay $0x3  }
0x7f: {  	(v2sf) =	vpush v15, $0x1;
	_ =	sdelay $0x3  }
0x80: {  	(v2sf) =	vpush v15, $0x2;
	_ =	sdelay $0x3  }
0x81: {  	(v2sf) =	vpush v15, $0x3;
	_ =	sdelay $0x2  }
0x82: {  	s22 =	spop (v2sf)  }
0x83: {  	(v2sf) =	vpush v15, $0x4;
	s21 =	sand.u32 $0x1FFFFF80, s22  }
0x84: {  	s22 =	simm.s32 $0x6600;
	s21 =	sadd.s32 s1, s21  }
0x85: {  	[tilespmem:s22], [sflag:$0x1] =	stream.linear.gather [hbm4b:s21+s20], $0x400, $0x38;
	[tilespmem:$0x1B600] =	vst v63  }
0x86: {  	s22 =	spop (v2sf)  }
0x87: {  	(v2sf) =	vpush v15, $0x5;
	s21 =	sand.u32 $0x1FFFFF80, s22  }
0x88: {  	s22 =	simm.s32 $0x6A00;
	s21 =	sadd.s32 s1, s21  }
0x89: {  	[tilespmem:s22], [sflag:$0x1] =	stream.linear.gather [hbm4b:s21+s20], $0x400, $0x38;
	[tilespmem:$0x1B600] =	vst v63  }
0x8a: {  	s22 =	spop (v2sf)  }
0x8b: {  	(v2sf) =	vpush v15, $0x6;
	s21 =	sand.u32 $0x1FFFFF80, s22  }
0x8c: {  	s22 =	simm.s32 $0x6E00;
	s21 =	sadd.s32 s1, s21  }
0x8d: {  	[tilespmem:s22], [sflag:$0x1] =	stream.linear.gather [hbm4b:s21+s20], $0x400, $0x38;
	[tilespmem:$0x1B600] =	vst v63  }
0x8e: {  	s22 =	spop (v2sf)  }
0x8f: {  	(v2sf) =	vpush v15, $0x7;
	s21 =	sand.u32 $0x1FFFFF80, s22  }
0x90: {  	s22 =	simm.s32 $0x7200;
	s21 =	sadd.s32 s1, s21  }
0x91: {  	[tilespmem:s22], [sflag:$0x1] =	stream.linear.gather [hbm4b:s21+s20], $0x400, $0x38;
	[tilespmem:$0x1B600] =	vst v63  }
0x92: {  	s22 =	spop (v2sf)  }
0x93: {  	(v2sf) =	vpush v15, $0x8;
	s21 =	sand.u32 $0x1FFFFF80, s22  }
0x94: {  	s22 =	simm.s32 $0x7600;
	s21 =	sadd.s32 s1, s21  }
0x95: {  	[tilespmem:s22], [sflag:$0x1] =	stream.linear.gather [hbm4b:s21+s20], $0x400, $0x38;
	[tilespmem:$0x1B600] =	vst v63  }
0x96: {  	s22 =	spop (v2sf)  }
0x97: {  	(v2sf) =	vpush v15, $0x9;
	s21 =	sand.u32 $0x1FFFFF80, s22  }
0x98: {  	s22 =	simm.s32 $0x7A00;
	s21 =	sadd.s32 s1, s21  }
0x99: {  	[tilespmem:s22], [sflag:$0x1] =	stream.linear.gather [hbm4b:s21+s20], $0x400, $0x38;
	[tilespmem:$0x1B600] =	vst v63  }
0x9a: {  	s22 =	spop (v2sf)  }
0x9b: {  	(v2sf) =	vpush v15, $0xA;
	s21 =	sand.u32 $0x1FFFFF80, s22  }
0x9c: {  	s22 =	simm.s32 $0x7E00;
	s21 =	sadd.s32 s1, s21  }
0x9d: {  	[tilespmem:s22], [sflag:$0x1] =	stream.linear.gather [hbm4b:s21+s20], $0x400, $0x38;
	[tilespmem:$0x1B600] =	vst v63  }
0x9e: {  	s22 =	spop (v2sf)  }
0x9f: {  	(v2sf) =	vpush v15, $0xB;
	s21 =	sand.u32 $0x1FFFFF80, s22  }
0xa0: {  	s22 =	simm.s32 $0x8200;
	s21 =	sadd.s32 s1, s21  }
0xa1: {  	[tilespmem:s22], [sflag:$0x1] =	stream.linear.gather [hbm4b:s21+s20], $0x400, $0x38;
	[tilespmem:$0x1B600] =	vst v63  }
0xa2: {  	s22 =	spop (v2sf)  }
0xa3: {  	(v2sf) =	vpush v15, $0xC;
	s21 =	sand.u32 $0x1FFFFF80, s22  }
0xa4: {  	s22 =	simm.s32 $0x8600;
	s21 =	sadd.s32 s1, s21  }
0xa5: {  	[tilespmem:s22], [sflag:$0x1] =	stream.linear.gather [hbm4b:s21+s20], $0x400, $0x38;
	[tilespmem:$0x1B600] =	vst v63  }
0xa6: {  	s22 =	spop (v2sf)  }
0xa7: {  	(v2sf) =	vpush v15, $0xD;
	s21 =	sand.u32 $0x1FFFFF80, s22  }
0xa8: {  	s22 =	simm.s32 $0x8A00;
	s21 =	sadd.s32 s1, s21  }
0xa9: {  	[tilespmem:s22], [sflag:$0x1] =	stream.linear.gather [hbm4b:s21+s20], $0x400, $0x38;
	[tilespmem:$0x1B600] =	vst v63  }
0xaa: {  	s22 =	spop (v2sf)  }
0xab: {  	(v2sf) =	vpush v15, $0xE;
	s21 =	sand.u32 $0x1FFFFF80, s22  }
0xac: {  	s22 =	simm.s32 $0x8E00;
	s21 =	sadd.s32 s1, s21  }
0xad: {  	[tilespmem:s22], [sflag:$0x1] =	stream.linear.gather [hbm4b:s21+s20], $0x400, $0x38;
	[tilespmem:$0x1B600] =	vst v63  }
0xae: {  	s22 =	spop (v2sf)  }
0xaf: {  	(v2sf) =	vpush v15, $0xF;
	s21 =	sand.u32 $0x1FFFFF80, s22  }
0xb0: {  	s22 =	simm.s32 $0x9200;
	s21 =	sadd.s32 s1, s21  }
0xb1: {  	[tilespmem:s22], [sflag:$0x1] =	stream.linear.gather [hbm4b:s21+s20], $0x400, $0x38;
	[tilespmem:$0x1B600] =	vst v63  }
0xb2: {  	s22 =	spop (v2sf)  }
0xb3: {  	s21 =	sand.u32 $0x1FFFFF80, s22  }
0xb4: {  	s22 =	simm.s32 $0x9600;
	s21 =	sadd.s32 s1, s21  }
0xb5: {  	[tilespmem:s22], [sflag:$0x1] =	stream.linear.gather [hbm4b:s21+s20], $0x400, $0x38;
	[tilespmem:$0x1B600] =	vst v63  }
0xb6: {  	s22 =	spop (v2sf)  }
0xb7: {  	s21 =	sand.u32 $0x1FFFFF80, s22  }
0xb8: {  	s22 =	simm.s32 $0x9A00;
	s21 =	sadd.s32 s1, s21  }
0xb9: {  	[tilespmem:s22], [sflag:$0x1] =	stream.linear.gather [hbm4b:s21+s20], $0x400, $0x38;
	[tilespmem:$0x1B600] =	vst v63  }
0xba: {  	s22 =	spop (v2sf)  }
0xbb: {  	s21 =	sand.u32 $0x1FFFFF80, s22  }
0xbc: {  	s22 =	simm.s32 $0x9E00;
	s21 =	sadd.s32 s1, s21  }
0xbd: {  	[tilespmem:s22], [sflag:$0x1] =	stream.linear.gather [hbm4b:s21+s20], $0x400, $0x38;
	[tilespmem:$0x1B600] =	vst v63  }
0xbe: {  	s22 =	spop (v2sf)  }
0xbf: {  	s21 =	sand.u32 $0x1FFFFF80, s22  }
0xc0: {  	s22 =	simm.s32 $0xA200;
	s21 =	sadd.s32 s1, s21  }
0xc1: {  	[tilespmem:s22], [sflag:$0x1] =	stream.linear.gather [hbm4b:s21+s20], $0x400, $0x38;
	[tilespmem:$0x1B600] =	vst v63  }
0xc2: {  	v15 =	vld [tilespmem:s13+$0x200];
	_ =	sdelay $0x4  }
0xc3: {  	v15 =	vshrl.u32 v15, $0x3  }
0xc4: {  	v15 =	vshll.u32 v15, $0x7  }
0xc5: {  	(v2sf) =	vpush v15, $0x0;
	_ =	sdelay $0x3  }
0xc6: {  	(v2sf) =	vpush v15, $0x1;
	_ =	sdelay $0x3  }
0xc7: {  	(v2sf) =	vpush v15, $0x2;
	_ =	sdelay $0x3  }
0xc8: {  	(v2sf) =	vpush v15, $0x3;
	_ =	sdelay $0x2  }
0xc9: {  	s22 =	spop (v2sf)  }
0xca: {  	(v2sf) =	vpush v15, $0x4;
	s21 =	sand.u32 $0x1FFFFF80, s22  }
0xcb: {  	s22 =	simm.s32 $0xA600;
	s21 =	sadd.s32 s6, s21  }
0xcc: {  	[tilespmem:s22], [sflag:$0x1] =	stream.linear.gather [hbm4b:s21+s20], $0x400, $0x38;
	[tilespmem:$0x1B600] =	vst v63  }
0xcd: {  	s22 =	spop (v2sf)  }
0xce: {  	(v2sf) =	vpush v15, $0x5;
	s21 =	sand.u32 $0x1FFFFF80, s22  }
0xcf: {  	s22 =	simm.s32 $0xAA00;
	s21 =	sadd.s32 s6, s21  }
0xd0: {  	[tilespmem:s22], [sflag:$0x1] =	stream.linear.gather [hbm4b:s21+s20], $0x400, $0x38;
	[tilespmem:$0x1B600] =	vst v63  }
0xd1: {  	s22 =	spop (v2sf)  }
0xd2: {  	(v2sf) =	vpush v15, $0x6;
	s21 =	sand.u32 $0x1FFFFF80, s22  }
0xd3: {  	s22 =	simm.s32 $0xAE00;
	s21 =	sadd.s32 s6, s21  }
0xd4: {  	[tilespmem:s22], [sflag:$0x1] =	stream.linear.gather [hbm4b:s21+s20], $0x400, $0x38;
	[tilespmem:$0x1B600] =	vst v63  }
0xd5: {  	s22 =	spop (v2sf)  }
0xd6: {  	(v2sf) =	vpush v15, $0x7;
	s21 =	sand.u32 $0x1FFFFF80, s22  }
0xd7: {  	s22 =	simm.s32 $0xB200;
	s21 =	sadd.s32 s6, s21  }
0xd8: {  	[tilespmem:s22], [sflag:$0x1] =	stream.linear.gather [hbm4b:s21+s20], $0x400, $0x38;
	[tilespmem:$0x1B600] =	vst v63  }
0xd9: {  	s22 =	spop (v2sf)  }
0xda: {  	(v2sf) =	vpush v15, $0x8;
	s21 =	sand.u32 $0x1FFFFF80, s22  }
0xdb: {  	s22 =	simm.s32 $0xB600;
	s21 =	sadd.s32 s6, s21  }
0xdc: {  	[tilespmem:s22], [sflag:$0x1] =	stream.linear.gather [hbm4b:s21+s20], $0x400, $0x38;
	[tilespmem:$0x1B600] =	vst v63  }
0xdd: {  	s22 =	spop (v2sf)  }
0xde: {  	(v2sf) =	vpush v15, $0x9;
	s21 =	sand.u32 $0x1FFFFF80, s22  }
0xdf: {  	s22 =	simm.s32 $0xBA00;
	s21 =	sadd.s32 s6, s21  }
0xe0: {  	[tilespmem:s22], [sflag:$0x1] =	stream.linear.gather [hbm4b:s21+s20], $0x400, $0x38;
	[tilespmem:$0x1B600] =	vst v63  }
0xe1: {  	s22 =	spop (v2sf)  }
0xe2: {  	(v2sf) =	vpush v15, $0xA;
	s21 =	sand.u32 $0x1FFFFF80, s22  }
0xe3: {  	s22 =	simm.s32 $0xBE00;
	s21 =	sadd.s32 s6, s21  }
0xe4: {  	[tilespmem:s22], [sflag:$0x1] =	stream.linear.gather [hbm4b:s21+s20], $0x400, $0x38;
	[tilespmem:$0x1B600] =	vst v63  }
0xe5: {  	s22 =	spop (v2sf)  }
0xe6: {  	(v2sf) =	vpush v15, $0xB;
	s21 =	sand.u32 $0x1FFFFF80, s22  }
0xe7: {  	s22 =	simm.s32 $0xC200;
	s21 =	sadd.s32 s6, s21  }
0xe8: {  	[tilespmem:s22], [sflag:$0x1] =	stream.linear.gather [hbm4b:s21+s20], $0x400, $0x38;
	[tilespmem:$0x1B600] =	vst v63  }
0xe9: {  	s22 =	spop (v2sf)  }
0xea: {  	(v2sf) =	vpush v15, $0xC;
	s21 =	sand.u32 $0x1FFFFF80, s22  }
0xeb: {  	s22 =	simm.s32 $0xC600;
	s21 =	sadd.s32 s6, s21  }
0xec: {  	[tilespmem:s22], [sflag:$0x1] =	stream.linear.gather [hbm4b:s21+s20], $0x400, $0x38;
	[tilespmem:$0x1B600] =	vst v63  }
0xed: {  	s22 =	spop (v2sf)  }
0xee: {  	(v2sf) =	vpush v15, $0xD;
	s21 =	sand.u32 $0x1FFFFF80, s22  }
0xef: {  	s22 =	simm.s32 $0xCA00;
	s21 =	sadd.s32 s6, s21  }
0xf0: {  	[tilespmem:s22], [sflag:$0x1] =	stream.linear.gather [hbm4b:s21+s20], $0x400, $0x38;
	[tilespmem:$0x1B600] =	vst v63  }
0xf1: {  	s22 =	spop (v2sf)  }
0xf2: {  	(v2sf) =	vpush v15, $0xE;
	s21 =	sand.u32 $0x1FFFFF80, s22  }
0xf3: {  	s22 =	simm.s32 $0xCE00;
	s21 =	sadd.s32 s6, s21  }
0xf4: {  	[tilespmem:s22], [sflag:$0x1] =	stream.linear.gather [hbm4b:s21+s20], $0x400, $0x38;
	[tilespmem:$0x1B600] =	vst v63  }
0xf5: {  	s22 =	spop (v2sf)  }
0xf6: {  	(v2sf) =	vpush v15, $0xF;
	s21 =	sand.u32 $0x1FFFFF80, s22  }
0xf7: {  	s22 =	simm.s32 $0xD200;
	s21 =	sadd.s32 s6, s21  }
0xf8: {  	[tilespmem:s22], [sflag:$0x1] =	stream.linear.gather [hbm4b:s21+s20], $0x400, $0x38;
	[tilespmem:$0x1B600] =	vst v63  }
0xf9: {  	s22 =	spop (v2sf)  }
0xfa: {  	s21 =	sand.u32 $0x1FFFFF80, s22  }
0xfb: {  	s22 =	simm.s32 $0xD600;
	s21 =	sadd.s32 s6, s21  }
0xfc: {  	[tilespmem:s22], [sflag:$0x1] =	stream.linear.gather [hbm4b:s21+s20], $0x400, $0x38;
	[tilespmem:$0x1B600] =	vst v63  }
0xfd: {  	s22 =	spop (v2sf)  }
0xfe: {  	s21 =	sand.u32 $0x1FFFFF80, s22  }
0xff: {  	s22 =	simm.s32 $0xDA00;
	s21 =	sadd.s32 s6, s21  }
0x100: {  	[tilespmem:s22], [sflag:$0x1] =	stream.linear.gather [hbm4b:s21+s20], $0x400, $0x38;
	[tilespmem:$0x1B600] =	vst v63  }
0x101: {  	s22 =	spop (v2sf)  }
0x102: {  	s21 =	sand.u32 $0x1FFFFF80, s22  }
0x103: {  	s22 =	simm.s32 $0xDE00;
	s21 =	sadd.s32 s6, s21  }
0x104: {  	[tilespmem:s22], [sflag:$0x1] =	stream.linear.gather [hbm4b:s21+s20], $0x400, $0x38;
	[tilespmem:$0x1B600] =	vst v63  }
0x105: {  	s22 =	spop (v2sf)  }
0x106: {  	s21 =	sand.u32 $0x1FFFFF80, s22  }
0x107: {  	s22 =	simm.s32 $0xE200;
	s21 =	sadd.s32 s6, s21  }
0x108: {  	[tilespmem:s22], [sflag:$0x1] =	stream.linear.gather [hbm4b:s21+s20], $0x400, $0x38;
	[tilespmem:$0x1B600] =	vst v63  }
0x109: {  	v15 =	vld [tilespmem:s13+$0x210];
	_ =	sdelay $0x4  }
0x10a: {  	v15 =	vshrl.u32 v15, $0x3  }
0x10b: {  	v15 =	vshll.u32 v15, $0x7  }
0x10c: {  	(v2sf) =	vpush v15, $0x0;
	_ =	sdelay $0x3  }
0x10d: {  	(v2sf) =	vpush v15, $0x1;
	_ =	sdelay $0x3  }
0x10e: {  	(v2sf) =	vpush v15, $0x2;
	_ =	sdelay $0x3  }
0x10f: {  	(v2sf) =	vpush v15, $0x3;
	_ =	sdelay $0x2  }
0x110: {  	s22 =	spop (v2sf)  }
0x111: {  	(v2sf) =	vpush v15, $0x4;
	s21 =	sand.u32 $0x1FFFFF80, s22  }
0x112: {  	s22 =	simm.s32 $0xE600;
	s21 =	sadd.s32 s6, s21  }
0x113: {  	[tilespmem:s22], [sflag:$0x1] =	stream.linear.gather [hbm4b:s21+s20], $0x400, $0x38;
	[tilespmem:$0x1B600] =	vst v63  }
0x114: {  	s22 =	spop (v2sf)  }
0x115: {  	(v2sf) =	vpush v15, $0x5;
	s21 =	sand.u32 $0x1FFFFF80, s22  }
0x116: {  	s22 =	simm.s32 $0xEA00;
	s21 =	sadd.s32 s6, s21  }
0x117: {  	[tilespmem:s22], [sflag:$0x1] =	stream.linear.gather [hbm4b:s21+s20], $0x400, $0x38;
	[tilespmem:$0x1B600] =	vst v63  }
0x118: {  	s22 =	spop (v2sf)  }
0x119: {  	(v2sf) =	vpush v15, $0x6;
	s21 =	sand.u32 $0x1FFFFF80, s22  }
0x11a: {  	s22 =	simm.s32 $0xEE00;
	s21 =	sadd.s32 s6, s21  }
0x11b: {  	[tilespmem:s22], [sflag:$0x1] =	stream.linear.gather [hbm4b:s21+s20], $0x400, $0x38;
	[tilespmem:$0x1B600] =	vst v63  }
0x11c: {  	s22 =	spop (v2sf)  }
0x11d: {  	(v2sf) =	vpush v15, $0x7;
	s21 =	sand.u32 $0x1FFFFF80, s22  }
0x11e: {  	s22 =	simm.s32 $0xF200;
	s21 =	sadd.s32 s6, s21  }
0x11f: {  	[tilespmem:s22], [sflag:$0x1] =	stream.linear.gather [hbm4b:s21+s20], $0x400, $0x38;
	[tilespmem:$0x1B600] =	vst v63  }
0x120: {  	s22 =	spop (v2sf)  }
0x121: {  	(v2sf) =	vpush v15, $0x8;
	s21 =	sand.u32 $0x1FFFFF80, s22  }
0x122: {  	s22 =	simm.s32 $0xF600;
	s21 =	sadd.s32 s6, s21  }
0x123: {  	[tilespmem:s22], [sflag:$0x1] =	stream.linear.gather [hbm4b:s21+s20], $0x400, $0x38;
	[tilespmem:$0x1B600] =	vst v63  }
0x124: {  	s22 =	spop (v2sf)  }
0x125: {  	(v2sf) =	vpush v15, $0x9;
	s21 =	sand.u32 $0x1FFFFF80, s22  }
0x126: {  	s22 =	simm.s32 $0xFA00;
	s21 =	sadd.s32 s6, s21  }
0x127: {  	[tilespmem:s22], [sflag:$0x1] =	stream.linear.gather [hbm4b:s21+s20], $0x400, $0x38;
	[tilespmem:$0x1B600] =	vst v63  }
0x128: {  	s22 =	spop (v2sf)  }
0x129: {  	(v2sf) =	vpush v15, $0xA;
	s21 =	sand.u32 $0x1FFFFF80, s22  }
0x12a: {  	s22 =	simm.s32 $0xFE00;
	s21 =	sadd.s32 s6, s21  }
0x12b: {  	[tilespmem:s22], [sflag:$0x1] =	stream.linear.gather [hbm4b:s21+s20], $0x400, $0x38;
	[tilespmem:$0x1B600] =	vst v63  }
0x12c: {  	s22 =	spop (v2sf)  }
0x12d: {  	(v2sf) =	vpush v15, $0xB;
	s21 =	sand.u32 $0x1FFFFF80, s22  }
0x12e: {  	s22 =	simm.s32 $0x10200;
	s21 =	sadd.s32 s6, s21  }
0x12f: {  	[tilespmem:s22], [sflag:$0x1] =	stream.linear.gather [hbm4b:s21+s20], $0x400, $0x38;
	[tilespmem:$0x1B600] =	vst v63  }
0x130: {  	s22 =	spop (v2sf)  }
0x131: {  	(v2sf) =	vpush v15, $0xC;
	s21 =	sand.u32 $0x1FFFFF80, s22  }
0x132: {  	s22 =	simm.s32 $0x10600;
	s21 =	sadd.s32 s6, s21  }
0x133: {  	[tilespmem:s22], [sflag:$0x1] =	stream.linear.gather [hbm4b:s21+s20], $0x400, $0x38;
	[tilespmem:$0x1B600] =	vst v63  }
0x134: {  	s22 =	spop (v2sf)  }
0x135: {  	(v2sf) =	vpush v15, $0xD;
	s21 =	sand.u32 $0x1FFFFF80, s22  }
0x136: {  	s22 =	simm.s32 $0x10A00;
	s21 =	sadd.s32 s6, s21  }
0x137: {  	[tilespmem:s22], [sflag:$0x1] =	stream.linear.gather [hbm4b:s21+s20], $0x400, $0x38;
	[tilespmem:$0x1B600] =	vst v63  }
0x138: {  	s22 =	spop (v2sf)  }
0x139: {  	(v2sf) =	vpush v15, $0xE;
	s21 =	sand.u32 $0x1FFFFF80, s22  }
0x13a: {  	s22 =	simm.s32 $0x10E00;
	s21 =	sadd.s32 s6, s21  }
0x13b: {  	[tilespmem:s22], [sflag:$0x1] =	stream.linear.gather [hbm4b:s21+s20], $0x400, $0x38;
	[tilespmem:$0x1B600] =	vst v63  }
0x13c: {  	s22 =	spop (v2sf)  }
0x13d: {  	(v2sf) =	vpush v15, $0xF;
	s21 =	sand.u32 $0x1FFFFF80, s22  }
0x13e: {  	s22 =	simm.s32 $0x11200;
	s21 =	sadd.s32 s6, s21  }
0x13f: {  	[tilespmem:s22], [sflag:$0x1] =	stream.linear.gather [hbm4b:s21+s20], $0x400, $0x38;
	[tilespmem:$0x1B600] =	vst v63  }
0x140: {  	s22 =	spop (v2sf)  }
0x141: {  	s21 =	sand.u32 $0x1FFFFF80, s22  }
0x142: {  	s22 =	simm.s32 $0x11600;
	s21 =	sadd.s32 s6, s21  }
0x143: {  	[tilespmem:s22], [sflag:$0x1] =	stream.linear.gather [hbm4b:s21+s20], $0x400, $0x38;
	[tilespmem:$0x1B600] =	vst v63  }
0x144: {  	s22 =	spop (v2sf)  }
0x145: {  	s21 =	sand.u32 $0x1FFFFF80, s22  }
0x146: {  	s22 =	simm.s32 $0x11A00;
	s21 =	sadd.s32 s6, s21  }
0x147: {  	[tilespmem:s22], [sflag:$0x1] =	stream.linear.gather [hbm4b:s21+s20], $0x400, $0x38;
	[tilespmem:$0x1B600] =	vst v63  }
0x148: {  	s22 =	spop (v2sf)  }
0x149: {  	s21 =	sand.u32 $0x1FFFFF80, s22  }
0x14a: {  	s22 =	simm.s32 $0x11E00;
	s21 =	sadd.s32 s6, s21  }
0x14b: {  	[tilespmem:s22], [sflag:$0x1] =	stream.linear.gather [hbm4b:s21+s20], $0x400, $0x38;
	[tilespmem:$0x1B600] =	vst v63  }
0x14c: {  	s22 =	spop (v2sf)  }
0x14d: {  	s21 =	sand.u32 $0x1FFFFF80, s22  }
0x14e: {  	s22 =	simm.s32 $0x12200;
	s21 =	sadd.s32 s6, s21  }
0x14f: {  	[tilespmem:s22], [sflag:$0x1] =	stream.linear.gather [hbm4b:s21+s20], $0x400, $0x38;
	[tilespmem:$0x1B600] =	vst v63  }
0x150: {  	v15 =	vld [tilespmem:s13+$0x400];
	_ =	sdelay $0x4  }
0x151: {  	v15 =	vshrl.u32 v15, $0x3  }
0x152: {  	v15 =	vshll.u32 v15, $0x7  }
0x153: {  	(v2sf) =	vpush v15, $0x0;
	_ =	sdelay $0x3  }
0x154: {  	(v2sf) =	vpush v15, $0x1;
	_ =	sdelay $0x3  }
0x155: {  	(v2sf) =	vpush v15, $0x2;
	_ =	sdelay $0x3  }
0x156: {  	(v2sf) =	vpush v15, $0x3;
	_ =	sdelay $0x2  }
0x157: {  	s22 =	spop (v2sf)  }
0x158: {  	(v2sf) =	vpush v15, $0x4;
	s21 =	sand.u32 $0x1FFFFF80, s22  }
0x159: {  	s22 =	simm.s32 $0x12600;
	s21 =	sadd.s32 s7, s21  }
0x15a: {  	[tilespmem:s22], [sflag:$0x1] =	stream.linear.gather [hbm4b:s21+s20], $0x400, $0x38;
	[tilespmem:$0x1B600] =	vst v63  }
0x15b: {  	s22 =	spop (v2sf)  }
0x15c: {  	(v2sf) =	vpush v15, $0x5;
	s21 =	sand.u32 $0x1FFFFF80, s22  }
0x15d: {  	s22 =	simm.s32 $0x12A00;
	s21 =	sadd.s32 s7, s21  }
0x15e: {  	[tilespmem:s22], [sflag:$0x1] =	stream.linear.gather [hbm4b:s21+s20], $0x400, $0x38;
	[tilespmem:$0x1B600] =	vst v63  }
0x15f: {  	s22 =	spop (v2sf)  }
0x160: {  	(v2sf) =	vpush v15, $0x6;
	s21 =	sand.u32 $0x1FFFFF80, s22  }
0x161: {  	s22 =	simm.s32 $0x12E00;
	s21 =	sadd.s32 s7, s21  }
0x162: {  	[tilespmem:s22], [sflag:$0x1] =	stream.linear.gather [hbm4b:s21+s20], $0x400, $0x38;
	[tilespmem:$0x1B600] =	vst v63  }
0x163: {  	s22 =	spop (v2sf)  }
0x164: {  	(v2sf) =	vpush v15, $0x7;
	s21 =	sand.u32 $0x1FFFFF80, s22  }
0x165: {  	s22 =	simm.s32 $0x13200;
	s21 =	sadd.s32 s7, s21  }
0x166: {  	[tilespmem:s22], [sflag:$0x1] =	stream.linear.gather [hbm4b:s21+s20], $0x400, $0x38;
	[tilespmem:$0x1B600] =	vst v63  }
0x167: {  	s22 =	spop (v2sf)  }
0x168: {  	(v2sf) =	vpush v15, $0x8;
	s21 =	sand.u32 $0x1FFFFF80, s22  }
0x169: {  	s22 =	simm.s32 $0x13600;
	s21 =	sadd.s32 s7, s21  }
0x16a: {  	[tilespmem:s22], [sflag:$0x1] =	stream.linear.gather [hbm4b:s21+s20], $0x400, $0x38;
	[tilespmem:$0x1B600] =	vst v63  }
0x16b: {  	s22 =	spop (v2sf)  }
0x16c: {  	(v2sf) =	vpush v15, $0x9;
	s21 =	sand.u32 $0x1FFFFF80, s22  }
0x16d: {  	s22 =	simm.s32 $0x13A00;
	s21 =	sadd.s32 s7, s21  }
0x16e: {  	[tilespmem:s22], [sflag:$0x1] =	stream.linear.gather [hbm4b:s21+s20], $0x400, $0x38;
	[tilespmem:$0x1B600] =	vst v63  }
0x16f: {  	s22 =	spop (v2sf)  }
0x170: {  	(v2sf) =	vpush v15, $0xA;
	s21 =	sand.u32 $0x1FFFFF80, s22  }
0x171: {  	s22 =	simm.s32 $0x13E00;
	s21 =	sadd.s32 s7, s21  }
0x172: {  	[tilespmem:s22], [sflag:$0x1] =	stream.linear.gather [hbm4b:s21+s20], $0x400, $0x38;
	[tilespmem:$0x1B600] =	vst v63  }
0x173: {  	s22 =	spop (v2sf)  }
0x174: {  	(v2sf) =	vpush v15, $0xB;
	s21 =	sand.u32 $0x1FFFFF80, s22  }
0x175: {  	s22 =	simm.s32 $0x14200;
	s21 =	sadd.s32 s7, s21  }
0x176: {  	[tilespmem:s22], [sflag:$0x1] =	stream.linear.gather [hbm4b:s21+s20], $0x400, $0x38;
	[tilespmem:$0x1B600] =	vst v63  }
0x177: {  	s22 =	spop (v2sf)  }
0x178: {  	(v2sf) =	vpush v15, $0xC;
	s21 =	sand.u32 $0x1FFFFF80, s22  }
0x179: {  	s22 =	simm.s32 $0x14600;
	s21 =	sadd.s32 s7, s21  }
0x17a: {  	[tilespmem:s22], [sflag:$0x1] =	stream.linear.gather [hbm4b:s21+s20], $0x400, $0x38;
	[tilespmem:$0x1B600] =	vst v63  }
0x17b: {  	s22 =	spop (v2sf)  }
0x17c: {  	(v2sf) =	vpush v15, $0xD;
	s21 =	sand.u32 $0x1FFFFF80, s22  }
0x17d: {  	s22 =	simm.s32 $0x14A00;
	s21 =	sadd.s32 s7, s21  }
0x17e: {  	[tilespmem:s22], [sflag:$0x1] =	stream.linear.gather [hbm4b:s21+s20], $0x400, $0x38;
	[tilespmem:$0x1B600] =	vst v63  }
0x17f: {  	s22 =	spop (v2sf)  }
0x180: {  	(v2sf) =	vpush v15, $0xE;
	s21 =	sand.u32 $0x1FFFFF80, s22  }
0x181: {  	s22 =	simm.s32 $0x14E00;
	s21 =	sadd.s32 s7, s21  }
0x182: {  	[tilespmem:s22], [sflag:$0x1] =	stream.linear.gather [hbm4b:s21+s20], $0x400, $0x38;
	[tilespmem:$0x1B600] =	vst v63  }
0x183: {  	s22 =	spop (v2sf)  }
0x184: {  	(v2sf) =	vpush v15, $0xF;
	s21 =	sand.u32 $0x1FFFFF80, s22  }
0x185: {  	s22 =	simm.s32 $0x15200;
	s21 =	sadd.s32 s7, s21  }
0x186: {  	[tilespmem:s22], [sflag:$0x1] =	stream.linear.gather [hbm4b:s21+s20], $0x400, $0x38;
	[tilespmem:$0x1B600] =	vst v63  }
0x187: {  	s22 =	spop (v2sf)  }
0x188: {  	s21 =	sand.u32 $0x1FFFFF80, s22  }
0x189: {  	s22 =	simm.s32 $0x15600;
	s21 =	sadd.s32 s7, s21  }
0x18a: {  	[tilespmem:s22], [sflag:$0x1] =	stream.linear.gather [hbm4b:s21+s20], $0x400, $0x38;
	[tilespmem:$0x1B600] =	vst v63  }
0x18b: {  	s22 =	spop (v2sf)  }
0x18c: {  	s21 =	sand.u32 $0x1FFFFF80, s22  }
0x18d: {  	s22 =	simm.s32 $0x15A00;
	s21 =	sadd.s32 s7, s21  }
0x18e: {  	[tilespmem:s22], [sflag:$0x1] =	stream.linear.gather [hbm4b:s21+s20], $0x400, $0x38;
	[tilespmem:$0x1B600] =	vst v63  }
0x18f: {  	s22 =	spop (v2sf)  }
0x190: {  	s21 =	sand.u32 $0x1FFFFF80, s22  }
0x191: {  	s22 =	simm.s32 $0x15E00;
	s21 =	sadd.s32 s7, s21  }
0x192: {  	[tilespmem:s22], [sflag:$0x1] =	stream.linear.gather [hbm4b:s21+s20], $0x400, $0x38;
	[tilespmem:$0x1B600] =	vst v63  }
0x193: {  	s22 =	spop (v2sf)  }
0x194: {  	s21 =	sand.u32 $0x1FFFFF80, s22  }
0x195: {  	s22 =	simm.s32 $0x16200;
	s21 =	sadd.s32 s7, s21  }
0x196: {  	[tilespmem:s22], [sflag:$0x1] =	stream.linear.gather [hbm4b:s21+s20], $0x400, $0x38;
	[tilespmem:$0x1B600] =	vst v63  }
0x197: {  	v15 =	vld [tilespmem:s13+$0x410];
	_ =	sdelay $0x4  }
0x198: {  	v15 =	vshrl.u32 v15, $0x3  }
0x199: {  	v15 =	vshll.u32 v15, $0x7  }
0x19a: {  	(v2sf) =	vpush v15, $0x0;
	_ =	sdelay $0x3  }
0x19b: {  	(v2sf) =	vpush v15, $0x1;
	_ =	sdelay $0x3  }
0x19c: {  	(v2sf) =	vpush v15, $0x2;
	_ =	sdelay $0x3  }
0x19d: {  	(v2sf) =	vpush v15, $0x3;
	_ =	sdelay $0x2  }
0x19e: {  	s22 =	spop (v2sf)  }
0x19f: {  	(v2sf) =	vpush v15, $0x4;
	s21 =	sand.u32 $0x1FFFFF80, s22  }
0x1a0: {  	s22 =	simm.s32 $0x16600;
	s21 =	sadd.s32 s7, s21  }
0x1a1: {  	[tilespmem:s22], [sflag:$0x1] =	stream.linear.gather [hbm4b:s21+s20], $0x400, $0x38;
	[tilespmem:$0x1B600] =	vst v63  }
0x1a2: {  	s22 =	spop (v2sf)  }
0x1a3: {  	(v2sf) =	vpush v15, $0x5;
	s21 =	sand.u32 $0x1FFFFF80, s22  }
0x1a4: {  	s22 =	simm.s32 $0x16A00;
	s21 =	sadd.s32 s7, s21  }
0x1a5: {  	[tilespmem:s22], [sflag:$0x1] =	stream.linear.gather [hbm4b:s21+s20], $0x400, $0x38;
	[tilespmem:$0x1B600] =	vst v63  }
0x1a6: {  	s22 =	spop (v2sf)  }
0x1a7: {  	(v2sf) =	vpush v15, $0x6;
	s21 =	sand.u32 $0x1FFFFF80, s22  }
0x1a8: {  	s22 =	simm.s32 $0x16E00;
	s21 =	sadd.s32 s7, s21  }
0x1a9: {  	[tilespmem:s22], [sflag:$0x1] =	stream.linear.gather [hbm4b:s21+s20], $0x400, $0x38;
	[tilespmem:$0x1B600] =	vst v63  }
0x1aa: {  	s22 =	spop (v2sf)  }
0x1ab: {  	(v2sf) =	vpush v15, $0x7;
	s21 =	sand.u32 $0x1FFFFF80, s22  }
0x1ac: {  	s22 =	simm.s32 $0x17200;
	s21 =	sadd.s32 s7, s21  }
0x1ad: {  	[tilespmem:s22], [sflag:$0x1] =	stream.linear.gather [hbm4b:s21+s20], $0x400, $0x38;
	[tilespmem:$0x1B600] =	vst v63  }
0x1ae: {  	s22 =	spop (v2sf)  }
0x1af: {  	(v2sf) =	vpush v15, $0x8;
	s21 =	sand.u32 $0x1FFFFF80, s22  }
0x1b0: {  	s22 =	simm.s32 $0x17600;
	s21 =	sadd.s32 s7, s21  }
0x1b1: {  	[tilespmem:s22], [sflag:$0x1] =	stream.linear.gather [hbm4b:s21+s20], $0x400, $0x38;
	[tilespmem:$0x1B600] =	vst v63  }
0x1b2: {  	s22 =	spop (v2sf)  }
0x1b3: {  	(v2sf) =	vpush v15, $0x9;
	s21 =	sand.u32 $0x1FFFFF80, s22  }
0x1b4: {  	s22 =	simm.s32 $0x17A00;
	s21 =	sadd.s32 s7, s21  }
0x1b5: {  	[tilespmem:s22], [sflag:$0x1] =	stream.linear.gather [hbm4b:s21+s20], $0x400, $0x38;
	[tilespmem:$0x1B600] =	vst v63  }
0x1b6: {  	s22 =	spop (v2sf)  }
0x1b7: {  	(v2sf) =	vpush v15, $0xA;
	s21 =	sand.u32 $0x1FFFFF80, s22  }
0x1b8: {  	s22 =	simm.s32 $0x17E00;
	s21 =	sadd.s32 s7, s21  }
0x1b9: {  	[tilespmem:s22], [sflag:$0x1] =	stream.linear.gather [hbm4b:s21+s20], $0x400, $0x38;
	[tilespmem:$0x1B600] =	vst v63  }
0x1ba: {  	s22 =	spop (v2sf)  }
0x1bb: {  	(v2sf) =	vpush v15, $0xB;
	s21 =	sand.u32 $0x1FFFFF80, s22  }
0x1bc: {  	s22 =	simm.s32 $0x18200;
	s21 =	sadd.s32 s7, s21  }
0x1bd: {  	[tilespmem:s22], [sflag:$0x1] =	stream.linear.gather [hbm4b:s21+s20], $0x400, $0x38;
	[tilespmem:$0x1B600] =	vst v63  }
0x1be: {  	s22 =	spop (v2sf)  }
0x1bf: {  	(v2sf) =	vpush v15, $0xC;
	s21 =	sand.u32 $0x1FFFFF80, s22  }
0x1c0: {  	s22 =	simm.s32 $0x18600;
	s21 =	sadd.s32 s7, s21  }
0x1c1: {  	[tilespmem:s22], [sflag:$0x1] =	stream.linear.gather [hbm4b:s21+s20], $0x400, $0x38;
	[tilespmem:$0x1B600] =	vst v63  }
0x1c2: {  	s22 =	spop (v2sf)  }
0x1c3: {  	(v2sf) =	vpush v15, $0xD;
	s21 =	sand.u32 $0x1FFFFF80, s22  }
0x1c4: {  	s21 =	sadd.s32 s7, s21  }
0x1c5: {  	[tilespmem:s23], [sflag:$0x1] =	stream.linear.gather [hbm4b:s21+s20], $0x400, $0x38;
	[tilespmem:$0x1B600] =	vst v63  }
0x1c6: {  	s22 =	spop (v2sf)  }
0x1c7: {  	(v2sf) =	vpush v15, $0xE;
	s21 =	sand.u32 $0x1FFFFF80, s22  }
0x1c8: {  	s21 =	sadd.s32 s7, s21  }
0x1c9: {  	[tilespmem:s24], [sflag:$0x1] =	stream.linear.gather [hbm4b:s21+s20], $0x400, $0x38;
	[tilespmem:$0x1B600] =	vst v63  }
0x1ca: {  	s22 =	spop (v2sf)  }
0x1cb: {  	(v2sf) =	vpush v15, $0xF;
	s21 =	sand.u32 $0x1FFFFF80, s22  }
0x1cc: {  	s21 =	sadd.s32 s7, s21  }
0x1cd: {  	[tilespmem:s25], [sflag:$0x1] =	stream.linear.gather [hbm4b:s21+s20], $0x400, $0x38;
	[tilespmem:$0x1B600] =	vst v63  }
0x1ce: {  	s22 =	spop (v2sf)  }
0x1cf: {  	s21 =	sand.u32 $0x1FFFFF80, s22  }
0x1d0: {  	s21 =	sadd.s32 s7, s21  }
0x1d1: {  	[tilespmem:s26], [sflag:$0x1] =	stream.linear.gather [hbm4b:s21+s20], $0x400, $0x38;
	[tilespmem:$0x1B600] =	vst v63  }
0x1d2: {  	s22 =	spop (v2sf)  }
0x1d3: {  	s21 =	sand.u32 $0x1FFFFF80, s22  }
0x1d4: {  	s21 =	sadd.s32 s7, s21  }
0x1d5: {  	[tilespmem:s28], [sflag:$0x1] =	stream.linear.gather [hbm4b:s21+s20], $0x400, $0x38;
	[tilespmem:$0x1B600] =	vst v63  }
0x1d6: {  	s22 =	spop (v2sf)  }
0x1d7: {  	s21 =	sand.u32 $0x1FFFFF80, s22  }
0x1d8: {  	s21 =	sadd.s32 s7, s21  }
0x1d9: {  	[tilespmem:s29], [sflag:$0x1] =	stream.linear.gather [hbm4b:s21+s20], $0x400, $0x38;
	[tilespmem:$0x1B600] =	vst v63  }
0x1da: {  	s22 =	spop (v2sf)  }
0x1db: {  	s21 =	sand.u32 $0x1FFFFF80, s22  }
0x1dc: {  	s21 =	sadd.s32 s7, s21  }
0x1dd: {  	[tilespmem:s30], [sflag:$0x1] =	stream.linear.gather [hbm4b:s21+s20], $0x400, $0x38;
	[tilespmem:$0x1B600] =	vst v63  }
0x1de: {  	_ =	swait.ge [sflag:s31], $0x8000  }
0x1df: {  	[sflag:s31] =	ssyncset.done $0x0  }
0x1e0: {  	[sflag:s31] =	ssyncadd.s32 $0xFFFF8000  }
0x1e1: {  	_ =	swait.ge [sflag:s31], $0x8000  }
0x1e2: {  	[sflag:s31] =	ssyncset.done $0x0  }
0x1e3: {  	[sflag:s31] =	ssyncadd.s32 $0xFFFF8000  }
0x1e4: {  	_ =	swait.ge [sflag:s31], $0x8000  }
0x1e5: {  	[sflag:s31] =	ssyncset.done $0x0  }
0x1e6: {  	[sflag:s31] =	ssyncadd.s32 $0xFFFF8000  }
0x1e7: {  	s22 =	sadd.s32 $0x0, s13;
	_ =	swait.ge [sflag:s0], $0x1000  }
0x1e8: {  	v16 =	vmov s22;
	[sflag:s0] =	ssyncset.done $0x0  }
0x1e9: {  	[sflag:s0] =	ssyncadd.s32 $0xFFFFF000  }
0x1ea: {  	_ =	swait.ge [sflag:s3], $0x1000  }
0x1eb: {  	[sflag:s3] =	ssyncset.done $0x0  }
0x1ec: {  	[sflag:s3] =	ssyncadd.s32 $0xFFFFF000  }
0x1ed: {  	v17 =	vld.idx.msk [tilespmem:v16+s2+$0x0], $0xffff  }
0x1ee: {  	v18 =	vld.idx.msk [tilespmem:v16+s15+$0x0], $0xffff;
	_ =	sdelay $0x1  }
0x1ef: {  	v19 =	vmov s20  }
0x1f0: {  	v15 =	vshll.u32 v19, $0x7  }
0x1f1: {  	v24 =	vshll.u32 v19, $0xA;
	v19 =	vor.u32 v1, v15;
	v17 =	vshll.u32 v17, $0x7  }
0x1f2: {  	v20 =	vor.u32 v0, v15;
	v16 =	vld.idx.msk [tilespmem:v16+s16+$0x0], $0xffff;
	v18 =	vshll.u32 v18, $0x7;
	v17 =	vand.u32 $0x380, v17  }
0x1f3: {  	v18 =	vand.u32 $0x380, v18;
	v17 =	vor.u32 v24, v17  }
0x1f4: {  	v23 =	vor.u32 v18, v24;
	v22 =	vor.u32 v5, v17  }
0x1f5: {  	v25 =	vor.u32 $0x8000, v23  }
0x1f6: {  	v21 =	vld.idx.msk [tilespmem:v19+s18+$0x0], $0xffff  }
0x1f7: {  	v16 =	vshll.u32 v16, $0x7;
	v18 =	vld.idx.msk [tilespmem:v20+s17+$0x0], $0xffff  }
0x1f8: {  	v26 =	vor.u32 v6, v17;
	v20 =	vor.u32 v7, v23;
	v28 =	vor.u32 v3, v23;
	v23 =	vld.idx.msk [tilespmem:v17+s19+$0x0], $0xffff  }
0x1f9: {  	v17 =	vand.u32 $0x380, v16;
	v19 =	vld.idx.msk [tilespmem:v22+s19+$0x0], $0xffff  }
0x1fa: {  	v22 =	vld.idx.msk [tilespmem:v25+s19+$0x0], $0xffff;
	v25 =	vor.u32 v17, v24  }
0x1fb: {  	v29 =	vor.u32 $0x10000, v25  }
0x1fc: {  	v27 =	vor.u32 v8, v25  }
0x1fd: {  	v24 =	vld.idx.msk [tilespmem:v26+s19+$0x0], $0xffff;
	v26 =	vor.u32 v4, v25  }
0x1fe: {  	v30 =	vor.u32 v2, v15;
	s22 =	sadd.s32 $0x1, s13;
	v20 =	vld.idx.msk [tilespmem:v20+s19+$0x0], $0xffff  }
0x1ff: {  	s20 =	simm.s32 $0x1;
	s21 =	simm.s32 $0x2;
	v16 =	vor.u32 v10, v15;
	v17 =	vmov s22;
	v25 =	vld.idx.msk [tilespmem:v28+s19+$0x0], $0xffff;
	v28 =	vor.u32 v9, v15  }
.LBB2_3:
0x200: {  	p0 =	sne.s32 s21, $0x1F;
	v29 =	vld.idx.msk [tilespmem:v29+s19+$0x0], $0xffff;
	s22 =	smov.u32 s21;
	s21 =	sadd.s32 $0x1, s21  }
0x201: {  	v21 =	vsel vm0, v21, v23;
	v23 =	vld.idx.msk [tilespmem:v27+s19+$0x0], $0xffff;
	v27 =	vor.u32 v11, v15  }
0x202: {  	v18 =	vsel vm1, v18, v21;
	v21 =	vld.idx.msk [tilespmem:v26+s19+$0x0], $0xffff;
	v26 =	vor.u32 v12, v15  }
0x203: {  	v22 =	vsel vm2, v24, v22;
	[tilespmem:v30+s10+$0x0] =	vst.idx.msk $0xffff, v18;
	v18 =	vor.u32 v13, v15  }
0x204: {  	v15 =	vor.u32 v14, v15;
	[tilespmem:v28+s10+$0x0] =	vst.idx.msk $0xffff, v19  }
0x205: {  	[tilespmem:v16+s10+$0x0] =	vst.idx.msk $0xffff, v22  }
0x206: {  	v16 =	vsel vm2, v25, v29;
	[tilespmem:v27+s10+$0x0] =	vst.idx.msk $0xffff, v20  }
0x207: {  	[tilespmem:v26+s10+$0x0] =	vst.idx.msk $0xffff, v16  }
0x208: {  	[tilespmem:v18+s10+$0x0] =	vst.idx.msk $0xffff, v23  }
0x209: {  	[tilespmem:v15+s10+$0x0] =	vst.idx.msk $0x7fff, v21  }
0x20a: {  	v16 =	vld.idx.msk [tilespmem:v17+s2+$0x0], $0xffff  }
0x20b: {  	v18 =	vld.idx.msk [tilespmem:v17+s15+$0x0], $0xffff;
	_ =	sdelay $0x2  }
0x20c: {  	v19 =	vmov s20;
	s20 =	smov.u32 s22;
	v17 =	vld.idx.msk [tilespmem:v17+s16+$0x0], $0xffff  }
0x20d: {  	v15 =	vshll.u32 v19, $0x7  }
0x20e: {  	v19 =	vshll.u32 v19, $0xA;
	v20 =	vor.u32 v0, v15;
	v16 =	vshll.u32 v16, $0x7  }
0x20f: {  	v21 =	vor.u32 v1, v15;
	v16 =	vand.u32 $0x380, v16;
	v18 =	vshll.u32 v18, $0x7  }
0x210: {  	v22 =	vor.u32 v19, v16;
	v18 =	vand.u32 $0x380, v18;
	v16 =	vor.u32 v10, v15  }
0x211: {  	v24 =	vor.u32 v5, v22;
	v25 =	vor.u32 v6, v22;
	v23 =	vor.u32 v18, v19  }
0x212: {  	v28 =	vor.u32 $0x8000, v23;
	v30 =	vor.u32 v7, v23;
	v17 =	vshll.u32 v17, $0x7  }
0x213: {  	v31 =	vor.u32 v3, v23;
	v17 =	vand.u32 $0x380, v17;
	v18 =	vld.idx.msk [tilespmem:v20+s17+$0x0], $0xffff  }
0x214: {  	v17 =	vor.u32 v17, v19;
	v21 =	vld.idx.msk [tilespmem:v21+s18+$0x0], $0xffff  }
0x215: {  	v29 =	vor.u32 $0x10000, v17;
	v27 =	vor.u32 v8, v17;
	v26 =	vor.u32 v4, v17;
	v23 =	vld.idx.msk [tilespmem:v22+s19+$0x0], $0xffff  }
.Ltmp0:
0x216: {  	v19 =	vld.idx.msk [tilespmem:v24+s19+$0x0], $0xffff;
	(pc) =	sbr.rel @p0 .LBB2_3-.Ltmp0, $4  }
0x217: {  	s22 =	sadd.s32 s13, s20;
	v22 =	vld.idx.msk [tilespmem:v28+s19+$0x0], $0xffff  }
0x218: {  	v17 =	vmov s22;
	v24 =	vld.idx.msk [tilespmem:v25+s19+$0x0], $0xffff  }
0x219: {  	v20 =	vld.idx.msk [tilespmem:v30+s19+$0x0], $0xffff;
	v30 =	vor.u32 v2, v15  }
0x21a: {  	v28 =	vor.u32 v9, v15;
	v25 =	vld.idx.msk [tilespmem:v31+s19+$0x0], $0xffff  }
0x21b: {  	_ =	sdelay $0x3  }
0x21c: {  	v29 =	vld.idx.msk [tilespmem:v29+s19+$0x0], $0xffff;
	v21 =	vsel vm0, v21, v23;
	v43 =	vor.u32 v11, v15  }
0x21d: {  	v42 =	vld.idx.msk [tilespmem:v27+s19+$0x0], $0xffff;
	v45 =	vor.u32 v12, v15;
	v18 =	vsel vm1, v18, v21  }
0x21e: {  	v44 =	vld.idx.msk [tilespmem:v26+s19+$0x0], $0xffff;
	v46 =	vor.u32 v13, v15;
	[tilespmem:v30+s10+$0x0] =	vst.idx.msk $0xffff, v18  }
0x21f: {  	v15 =	vor.u32 v14, v15;
	v22 =	vsel vm2, v24, v22;
	[tilespmem:v28+s10+$0x0] =	vst.idx.msk $0xffff, v19  }
0x220: {  	[tilespmem:v16+s10+$0x0] =	vst.idx.msk $0xffff, v22  }
0x221: {  	v47 =	vsel vm2, v25, v29;
	[tilespmem:v43+s10+$0x0] =	vst.idx.msk $0xffff, v20  }
0x222: {  	[tilespmem:v45+s10+$0x0] =	vst.idx.msk $0xffff, v47  }
0x223: {  	[tilespmem:v46+s10+$0x0] =	vst.idx.msk $0xffff, v42  }
0x224: {  	[tilespmem:v15+s10+$0x0] =	vst.idx.msk $0x7fff, v44  }
0x225: {  	v15 =	vld.idx.msk [tilespmem:v17+s2+$0x0], $0xffff  }
0x226: {  	v16 =	vld.idx.msk [tilespmem:v17+s15+$0x0], $0xffff;
	_ =	sdelay $0x1  }
0x227: {  	v48 =	vmov s20  }
0x228: {  	v49 =	vshll.u32 v48, $0x7  }
0x229: {  	v51 =	vor.u32 v0, v49;
	v18 =	vshll.u32 v48, $0xA;
	v50 =	vld.idx.msk [tilespmem:v17+s16+$0x0], $0xffff;
	v15 =	vshll.u32 v15, $0x7  }
0x22a: {  	v52 =	vor.u32 v1, v49;
	v16 =	vshll.u32 v16, $0x7;
	v15 =	vand.u32 $0x380, v15  }
0x22b: {  	v16 =	vand.u32 $0x380, v16;
	v15 =	vor.u32 v18, v15  }
0x22c: {  	v16 =	vor.u32 v16, v18;
	v53 =	vor.u32 v5, v15  }
0x22d: {  	v54 =	vor.u32 $0x8000, v16  }
0x22e: {  	v20 =	vld.idx.msk [tilespmem:v51+s17+$0x0], $0xffff;
	v17 =	vshll.u32 v50, $0x7;
	v55 =	vor.u32 v6, v15  }
0x22f: {  	v21 =	vld.idx.msk [tilespmem:v52+s18+$0x0], $0xffff;
	v17 =	vand.u32 $0x380, v17;
	v56 =	vor.u32 v7, v16  }
0x230: {  	v17 =	vor.u32 v17, v18;
	v16 =	vor.u32 v3, v16;
	v15 =	vld.idx.msk [tilespmem:v15+s19+$0x0], $0xffff  }
0x231: {  	v18 =	vor.u32 $0x10000, v17;
	v22 =	vld.idx.msk [tilespmem:v53+s19+$0x0], $0xffff  }
0x232: {  	v57 =	vor.u32 v8, v17;
	v23 =	vld.idx.msk [tilespmem:v54+s19+$0x0], $0xffff  }
0x233: {  	v58 =	vor.u32 v2, v49;
	v17 =	vor.u32 v4, v17;
	v24 =	vld.idx.msk [tilespmem:v55+s19+$0x0], $0xffff  }
0x234: {  	v59 =	vor.u32 v9, v49;
	v25 =	vld.idx.msk [tilespmem:v56+s19+$0x0], $0xffff  }
0x235: {  	v60 =	vor.u32 v10, v49;
	v16 =	vld.idx.msk [tilespmem:v16+s19+$0x0], $0xffff  }
0x236: {  	v62 =	vor.u32 v11, v49;
	v18 =	vld.idx.msk [tilespmem:v18+s19+$0x0], $0xffff;
	v15 =	vsel vm0, v21, v15  }
0x237: {  	v63 =	vor.u32 v12, v49;
	v61 =	vld.idx.msk [tilespmem:v57+s19+$0x0], $0xffff;
	v15 =	vsel vm1, v20, v15  }
0x238: {  	v17 =	vld.idx.msk [tilespmem:v17+s19+$0x0], $0xffff;
	[tilespmem:v58+s10+$0x0] =	vst.idx.msk $0xffff, v15;
	v15 =	vor.u32 v13, v49  }
0x239: {  	v19 =	vor.u32 v14, v49;
	v23 =	vsel vm2, v24, v23;
	[tilespmem:v59+s10+$0x0] =	vst.idx.msk $0xffff, v22  }
0x23a: {  	[tilespmem:v60+s10+$0x0] =	vst.idx.msk $0xffff, v23  }
0x23b: {  	v16 =	vsel vm2, v16, v18;
	[tilespmem:v62+s10+$0x0] =	vst.idx.msk $0xffff, v25  }
0x23c: {  	s11 =	sadd.s32 $0x1, s11;
	[tilespmem:v63+s10+$0x0] =	vst.idx.msk $0xffff, v16  }
0x23d: {  	p0 =	sne.s32 s11, $0x10;
	[tilespmem:v15+s10+$0x0] =	vst.idx.msk $0xffff, v61  }
.Ltmp1:
0x23e: {  	s12 =	sadd.s32 s9, s12;
	[tilespmem:v19+s10+$0x0] =	vst.idx.msk $0x7fff, v17;
	(pc) =	sbr.rel @p0 .LBB2_2-.Ltmp1, $4  }
0x23f: {  	[hbm4b:s12+s2] =	stream.linear.scatter [tilespmem:s10], [sflag:$0x4], $0x1000, $0x38;
	[tilespmem:$0x1B600] =	vst v63  }
0x240: {  	_ =	swait.ge [sflag:s14], $0x1000  }
0x241: {  	[sflag:s14] =	ssyncset.done $0x0  }
0x242: {  	[sflag:s14] =	ssyncadd.s32 $0xFFFFF000  }
0x243: {  	s12 =	rddreg [dreg:$0xa]  }
0x244: {  	s11 =	rddreg [dreg:$0x9];
	s12 =	sadd.s32 $0x1, s12  }
0x245: {  	p0 =	sne.s32 s12, s11  }
.Ltmp2:
0x246: {  	_ = 	snop;
	(pc) =	sbr.rel @p0 .LBB2_1-.Ltmp2, $1  }
0x247: {  	_ =	sdelay $0x3  }
0x248: {  	_ =	sfence.sel $0x180000  }
0x249: {  	[bflag:$0x0] =	sbarrier.arrive $0xFFFF  }
0x24a: {  	_ =	strace $0x90000047  }
0x24b: {  	s0 =	stileid.u32;
	[bflag:$0x2] =	sbarrier.arrive $0xFFFF  }
0x24c: {  	p0 =	sne.s32 s0, $0x0;
	s0 =	rddreg [dreg:$0x5]  }
0x24d: {  	s0 =	sadd.s32 @!p0 $0x100000, s0  }
0x24e: {  	[sflag:s0] =	ssyncadd.tile.s32 @!p0 $0x1;
	_ =	shalt  }
.Lfunc_end2:
_tile_overlayer_lowered:
.L_overlay_start_2:
0x24f: {  	(tag) =	ssettag $0x2  }
0x250: {  	s0 =	rddreg [dreg:$0x0];
	s2 =	stileid.u32  }
0x251: {  	s1 =	rddreg [dreg:$0x1];
	p0 =	sne.s32 s2, $0x0  }
0x252: {  	s3 =	rddreg [dreg:$0x2];
	[bflag:$0x3] =	sbarrier.arrive $0xFFFF;
	s2 =	simm.s32 @!p0 $0x1C04  }
0x253: {  	[timem:s3], [sflag:s2] =	dma.local @!p0 [hbm:s0], s1  }
0x254: {  	s0 =	simm.s32 @!p0 $0x4  }
0x255: {  	_ =	swait.ge @!p0 [sflag:s0], s1  }
0x256: {  	s1 =	ssub.s32 @!p0 $0x0, s1;
	[sflag:s0] =	ssyncset.done @!p0 $0x0  }
0x257: {  	[sflag:s0] =	ssyncadd.s32 @!p0 s1  }
0x258: {  	[bflag:$0x3] =	sbarrier.arrive $0xFFFF  }
0x259: {  	_ =	shalt  }

</sc_bundles>
